<compile_context>
chip_gen: v7x
topology: tpu7x:2x2x1
jax: 0.10.2.dev20260603
libtpu: 0.0.44.dev20260713+nightly
codegen_flags: <defaults>
</compile_context>

<pallas_src>
import functools

import numpy as np
import jax
import jax.numpy as jnp
from jax import lax
from jax.experimental import pallas as pl
from jax.experimental.pallas import tpu as pltpu
from jax.experimental.pallas import tpu_sc as plsc

N = 10000
E = 160000
G = 64
EG = 2048
EDIM = 16
D = 256
H = 128
CW = 16

NC = 2
NS = 16
L = 16

EPT = E // NS
B = 50
NBLK = EPT // B
CHUNK = 20
NCHUNK = NBLK // CHUNK
EU = 5
RPT = N // NS

BN = 1000
NB = N // BN

_PERM = np.concatenate([
    np.concatenate([32 * q + np.arange(0, 32, 2),
                    32 * q + np.arange(1, 32, 2)])
    for q in range(H // 32)
])

_F32 = jnp.float32


_CT11 = (((1,), (1,)), ((), ()))


def _a_body(inp_ref, emb_ref, embb_ref, tgw_ref, grow_ref, gcol_ref,
            gew_ref, g1x_ref, g1e_ref, g1b_ref, g2x_ref, g2a_ref,
            g2b_ref, x_ref, gx_ref, gacc_ref):
    x = lax.dot_general(inp_ref[...], emb_ref[...], _CT11,
                        preferred_element_type=_F32)
    x = x + embb_ref[...]
    x_ref[...] = x
    part = lax.dot_general(tgw_ref[...], x, (((0,), (0,)), ((), ())),
                           preferred_element_type=_F32)
    @pl.when(pl.program_id(0) == 0)
    def _():
        gacc_ref[...] = part
    @pl.when(pl.program_id(0) != 0)
    def _():
        gacc_ref[...] += part

    @pl.when(pl.program_id(0) == NB - 1)
    def _():
        gx0 = gacc_ref[...]
        ids = lax.broadcasted_iota(jnp.int32, (EG, G), 1)
        oh_r = (grow_ref[...] == ids).astype(_F32)
        oh_c = (gcol_ref[...] == ids).astype(_F32)
        base = lax.dot_general(gx0, g1x_ref[...], _CT11,
                               preferred_element_type=_F32)
        m = jnp.dot(oh_r, base, preferred_element_type=_F32)
        m = m + lax.dot_general(gew_ref[...], g1e_ref[...], _CT11,
                                preferred_element_type=_F32)
        m = jnp.maximum(m + g1b_ref[...], 0.0)
        sums = lax.dot_general(oh_c, m, (((0,), (0,)), ((), ())),
                               preferred_element_type=_F32)
        cnt = jnp.sum(oh_c, axis=0, keepdims=True)
        agg = sums / jnp.maximum(cnt, 1.0).reshape(G, 1)
        h = lax.dot_general(gx0, g2x_ref[...], _CT11,
                            preferred_element_type=_F32)
        h = h + lax.dot_general(agg, g2a_ref[...], _CT11,
                                preferred_element_type=_F32)
        gx_ref[...] = jnp.maximum(h + g2b_ref[...], 0.0)


def _call_a(inp, emb_w, embb, tgw, grow, gcol, gew, g1w, g1e, g1b,
            g2w, g2b):
    zero2d = lambda i: (0, 0)
    return pl.pallas_call(
        _a_body,
        grid=(NB,),
        in_specs=[
            pl.BlockSpec((BN, D), lambda i: (i, 0)),
            pl.BlockSpec((D, D), zero2d),
            pl.BlockSpec((1, D), zero2d),
            pl.BlockSpec((BN, G), lambda i: (i, 0)),
            pl.BlockSpec((EG, 1), zero2d),
            pl.BlockSpec((EG, 1), zero2d),
            pl.BlockSpec((EG, EDIM), zero2d),
            pl.BlockSpec((D, D), zero2d),
            pl.BlockSpec((D, EDIM), zero2d),
            pl.BlockSpec((1, D), zero2d),
            pl.BlockSpec((D, D), zero2d),
            pl.BlockSpec((D, D), lambda i: (0, 1)),
            pl.BlockSpec((1, D), zero2d),
        ],
        out_specs=[
            pl.BlockSpec((BN, D), lambda i: (i, 0)),
            pl.BlockSpec((G, D), zero2d),
            pl.BlockSpec((G, D), zero2d),
        ],
        out_shape=[
            jax.ShapeDtypeStruct((N, D), _F32),
            jax.ShapeDtypeStruct((G, D), _F32),
            jax.ShapeDtypeStruct((G, D), _F32),
        ],
    )(inp, emb_w, embb, tgw, grow, gcol, gew, g1w, g1e, g1b,
      g2w, g2w, g2b)


def _c_body(x_ref, tgw_ref, gx_ref, wA_ref, wB_ref, b1_ref,
            yt0_ref, yt1_ref):
    x = x_ref[...]
    new_x = jnp.dot(tgw_ref[...], gx_ref[...], preferred_element_type=_F32)
    y = lax.dot_general(x, wA_ref[...], _CT11, preferred_element_type=_F32)
    y = y + lax.dot_general(new_x, wB_ref[...], _CT11,
                            preferred_element_type=_F32)
    y = y + b1_ref[...]
    y16 = y.astype(jnp.bfloat16)
    yt0_ref[...] = y16[:, :H]
    yt1_ref[...] = y16[:, H:]


def _call_c(x, tgw, gx, w1, b1):
    return pl.pallas_call(
        _c_body,
        grid=(NB,),
        in_specs=[
            pl.BlockSpec((BN, D), lambda i: (i, 0)),
            pl.BlockSpec((BN, G), lambda i: (i, 0)),
            pl.BlockSpec((G, D), lambda i: (0, 0)),
            pl.BlockSpec((D, D), lambda i: (0, 0)),
            pl.BlockSpec((D, D), lambda i: (0, 1)),
            pl.BlockSpec((1, D), lambda i: (0, 0)),
        ],
        out_specs=[
            pl.BlockSpec((BN, H), lambda i: (i, 0)),
            pl.BlockSpec((BN, H), lambda i: (i, 0)),
        ],
        out_shape=[
            jax.ShapeDtypeStruct((N, H), jnp.bfloat16),
            jax.ShapeDtypeStruct((N, H), jnp.bfloat16),
        ],
    )(x, tgw, gx, w1, w1, b1)


def _edge_body(ytab0, ytab1, row4, col4, ew4, w1b2, acc_out, cnt_out,
               rbuf, cbuf, ewbuf, gbuf, obuf, cones, w1b_v, acc_sh, cnt_sh,
               g0, g1, s0m, s1m, csem):
    c = lax.axis_index("c")
    s = lax.axis_index("s")

    pltpu.sync_copy(w1b2.at[c], w1b_v)

    zero = jnp.zeros((L,), _F32)
    lane0 = jnp.where(lax.iota(jnp.int32, L) == 0, 1.0, 0.0).astype(_F32)

    def _zrow(e, carry):
        for f in range(H // L):
            obuf[0, e, pl.ds(L * f, L)] = zero
        cones[e, pl.ds(0, L)] = lane0
        return carry

    lax.fori_loop(0, B, _zrow, 0)
    nfull = RPT // B
    for k in range(nfull):
        pltpu.sync_copy(obuf.at[0], acc_sh.at[pl.ds(s * RPT + k * B, B)])
    rem = RPT - nfull * B
    if rem:
        pltpu.sync_copy(obuf.at[0, pl.ds(0, rem)],
                        acc_sh.at[pl.ds(s * RPT + nfull * B, rem)])

    @pl.when(c == 0)
    def _():
        def _zc(k2, carry):
            pltpu.sync_copy(obuf.at[0, pl.ds(0, B), pl.ds(0, CW)],
                            cnt_sh.at[pl.ds(s * RPT + k2 * B, B)])
            return carry
        lax.fori_loop(0, nfull, _zc, 0)
        if rem:
            pltpu.sync_copy(obuf.at[0, pl.ds(0, rem), pl.ds(0, CW)],
                            cnt_sh.at[pl.ds(s * RPT + nfull * B, rem)])

    plsc.subcore_barrier()

    w1bs = tuple(w1b_v[pl.ds(L * f, L)] for f in range(H // L))
    gsems = (g0, g1)
    ssems = (s0m, s1m)

    def _issue_g(jrow, slot):
        @pl.when(c == 0)
        def _():
            pltpu.async_copy(ytab0.at[rbuf.at[jrow]], gbuf.at[slot],
                             gsems[slot])

        @pl.when(c == 1)
        def _():
            pltpu.async_copy(ytab1.at[rbuf.at[jrow]], gbuf.at[slot],
                             gsems[slot])

    def _wait_g(jrow, slot):
        @pl.when(c == 0)
        def _():
            pltpu.make_async_copy(ytab0.at[rbuf.at[jrow]], gbuf.at[slot],
                                  gsems[slot]).wait()

        @pl.when(c == 1)
        def _():
            pltpu.make_async_copy(ytab1.at[rbuf.at[jrow]], gbuf.at[slot],
                                  gsems[slot]).wait()

    def _issue_s(jrow, slot):
        pltpu.async_copy(obuf.at[slot], acc_sh.at[cbuf.at[jrow]],
                         ssems[slot], add=True)

    def _wait_s(jrow, slot):
        pltpu.make_async_copy(obuf.at[slot], acc_sh.at[cbuf.at[jrow]],
                              ssems[slot]).wait()

    def _issue_c(jrow):
        pltpu.async_copy(cones, cnt_sh.at[cbuf.at[jrow]], csem, add=True)

    def _wait_c(jrow):
        pltpu.make_async_copy(cones, cnt_sh.at[cbuf.at[jrow]], csem).wait()

    def _compute(jj, slot):
        def _edge(e):
            ew_vec = plsc.load_gather(
                ewbuf, [jnp.full((L,), jj, jnp.int32),
                        jnp.full((L,), e, jnp.int32)])
            for q in range(H // (2 * L)):
                ab = gbuf[slot, e, pl.ds(2 * L * q, 2 * L)]
                a, b = plsc.unpack(ab, format=plsc.PackFormat.INTERLEAVED)
                obuf[slot, e, pl.ds(2 * L * q, L)] = jnp.maximum(
                    a + ew_vec * w1bs[2 * q], 0.0)
                obuf[slot, e, pl.ds(2 * L * q + L, L)] = jnp.maximum(
                    b + ew_vec * w1bs[2 * q + 1], 0.0)

        plsc.parallel_loop(0, B, 1, unroll=EU)(_edge)

    def _chunk(ch, carry):
        pltpu.sync_copy(row4.at[s, ch], rbuf)
        pltpu.sync_copy(col4.at[s, ch], cbuf)
        pltpu.sync_copy(ew4.at[s, ch], ewbuf)
        _issue_g(0, 0)

        def _pair(jj2, pcarry):
            j0 = jj2 * 2
            j1 = j0 + 1
            _issue_g(j1, 1)

            @pl.when(c == 0)
            def _():
                _issue_c(j0)
                _issue_c(j1)

            _wait_g(j0, 0)

            @pl.when(jj2 > 0)
            def _():
                _wait_s(j0, 0)

            _compute(j0, 0)
            _issue_s(j0, 0)

            @pl.when(j1 + 1 < CHUNK)
            def _():
                _issue_g(j1 + 1, 0)

            _wait_g(j1, 1)

            @pl.when(jj2 > 0)
            def _():
                _wait_s(j1, 1)

            _compute(j1, 1)
            _issue_s(j1, 1)
            return pcarry

        lax.fori_loop(0, CHUNK // 2, _pair, 0)
        _wait_s(CHUNK - 2, 0)
        _wait_s(CHUNK - 1, 1)

        @pl.when(c == 0)
        def _():
            def _drain(jd, dcarry):
                _wait_c(jd)
                return dcarry
            lax.fori_loop(0, CHUNK, _drain, 0)

        return carry

    lax.fori_loop(0, NCHUNK, _chunk, 0)
    plsc.subcore_barrier()
    pltpu.sync_copy(acc_sh.at[pl.ds(s * RPT, RPT)],
                    acc_out.at[c, pl.ds(s * RPT, RPT)])

    @pl.when(c == 0)
    def _():
        pltpu.sync_copy(cnt_sh.at[pl.ds(s * RPT, RPT)],
                        cnt_out.at[pl.ds(s * RPT, RPT)])


def _edge_call(ytab0, ytab1, row4, col4, ew4, w1b2):
    mesh = plsc.VectorSubcoreMesh(core_axis_name="c", subcore_axis_name="s",
                                  num_cores=NC, num_subcores=NS)
    return pl.kernel(
        _edge_body,
        out_type=[
            jax.ShapeDtypeStruct((NC, N, H), _F32),
            jax.ShapeDtypeStruct((N, CW), _F32),
        ],
        mesh=mesh,
        scratch_types=[
            pltpu.VMEM((CHUNK, B), jnp.int32),
            pltpu.VMEM((CHUNK, B), jnp.int32),
            pltpu.VMEM((CHUNK, B), _F32),
            pltpu.VMEM((2, B, H), jnp.bfloat16),
            pltpu.VMEM((2, B, H), _F32),
            pltpu.VMEM((B, CW), _F32),
            pltpu.VMEM((H,), _F32),
            pltpu.VMEM_SHARED((N, H), _F32),
            pltpu.VMEM_SHARED((N, CW), _F32),
            pltpu.SemaphoreType.DMA,
            pltpu.SemaphoreType.DMA,
            pltpu.SemaphoreType.DMA,
            pltpu.SemaphoreType.DMA,
            pltpu.SemaphoreType.DMA,
        ],
        compiler_params=pltpu.CompilerParams(use_tc_tiling_on_sc=False,
                                             needs_layout_passes=False),
    )(ytab0, ytab1, row4, col4, ew4, w1b2)


def _e_body(x_ref, tgw_ref, gx_ref, a0_ref, a1_ref, cnt_ref,
            w2x_ref, w2n_ref, b2_ref, w2aT_ref, w2bT_ref, out_ref):
    x = x_ref[...]
    new_x = jnp.dot(tgw_ref[...], gx_ref[...], preferred_element_type=_F32)
    cnt = jnp.maximum(cnt_ref[:, :1], 1.0)
    a0 = a0_ref[0] / cnt
    a1 = a1_ref[0] / cnt
    o = lax.dot_general(x, w2x_ref[...], _CT11, preferred_element_type=_F32)
    o = o + lax.dot_general(new_x, w2n_ref[...], _CT11,
                            preferred_element_type=_F32)
    o = o + jnp.dot(a0, w2aT_ref[...], preferred_element_type=_F32)
    o = o + jnp.dot(a1, w2bT_ref[...], preferred_element_type=_F32)
    out_ref[...] = jnp.maximum(o + b2_ref[...], 0.0)


def _call_e(x, tgw, gx, acc, cnt, w2, b2, w2aT, w2bT):
    return pl.pallas_call(
        _e_body,
        grid=(NB,),
        in_specs=[
            pl.BlockSpec((BN, D), lambda i: (i, 0)),
            pl.BlockSpec((BN, G), lambda i: (i, 0)),
            pl.BlockSpec((G, D), lambda i: (0, 0)),
            pl.BlockSpec((1, BN, H), lambda i: (0, i, 0)),
            pl.BlockSpec((1, BN, H), lambda i: (1, i, 0)),
            pl.BlockSpec((BN, CW), lambda i: (i, 0)),
            pl.BlockSpec((D, D), lambda i: (0, 0)),
            pl.BlockSpec((D, D), lambda i: (0, 1)),
            pl.BlockSpec((1, D), lambda i: (0, 0)),
            pl.BlockSpec((H, D), lambda i: (0, 0)),
            pl.BlockSpec((H, D), lambda i: (0, 0)),
        ],
        out_specs=pl.BlockSpec((BN, D), lambda i: (i, 0)),
        out_shape=jax.ShapeDtypeStruct((N, D), _F32),
    )(x, tgw, gx, acc, acc, cnt, w2, w2, b2, w2aT, w2bT)


def kernel(input, tar_group_weights, enc_weights, group_edge_ids,
           group_edge_weights, edge_ids, edge_weights, emb_w, emb_b,
           g_fc1_w, g_fc1_b, g_fc2_w, g_fc2_b, glob_fc1_w, glob_fc1_b,
           glob_fc2_w, glob_fc2_b):
    f32 = _F32
    embb = emb_b.reshape(1, D)
    g1e = g_fc1_w[:, D:]
    g1b = g_fc1_b.reshape(1, D)
    g2b = g_fc2_b.reshape(1, D)
    w1b_col = glob_fc1_w[:, 2 * D]
    b1 = glob_fc1_b.reshape(1, D)
    w2aT = glob_fc2_w[:, 2 * D:2 * D + H].T[_PERM, :]
    w2bT = glob_fc2_w[:, 2 * D + H:].T[_PERM, :]
    b2 = glob_fc2_b.reshape(1, D)

    grow = group_edge_ids[0].astype(jnp.int32).reshape(EG, 1)
    gcol = group_edge_ids[1].astype(jnp.int32).reshape(EG, 1)

    row = edge_ids[0].astype(jnp.int32)
    col = edge_ids[1].astype(jnp.int32)
    row4 = row.reshape(NS, NCHUNK, CHUNK, B)
    col4 = col.reshape(NS, NCHUNK, CHUNK, B)
    ew4 = edge_weights.reshape(E,).astype(f32).reshape(NS, NCHUNK, CHUNK, B)
    w1b2 = w1b_col.reshape(NC, H)[:, _PERM]

    x, gx, _ = _call_a(input, emb_w, embb, tar_group_weights, grow, gcol,
                       group_edge_weights, g_fc1_w, g1e, g1b, g_fc2_w, g2b)
    ytab0, ytab1 = _call_c(x, tar_group_weights, gx, glob_fc1_w, b1)
    acc, cnt = _edge_call(ytab0, ytab1, row4, col4, ew4, w1b2)
    acc, cnt, _, _, _, _, _, _ = lax.optimization_barrier(
        (acc, cnt, ytab0, ytab1, row4, col4, ew4, w1b2))
    out = _call_e(x, tar_group_weights, gx, acc, cnt, glob_fc2_w, b2,
                  w2aT, w2bT)
    return out

# --- scband reference (transcript-rebuilt; emitter-appended) ---
"""Pipeline reference for scband-decoder-module-38293928411390 (READ-ONLY COPY).

The authoritative reference and input builder live on the scoring server;
editing this copy changes nothing except your own understanding.
"""

import jax, jax.numpy as jnp
import numpy as np

N = 10000
E = 160000
G = 64
EG = 2048
D = 256
EDIM = 16


def _graphnode(x, row, col, edge_attr, fc1_w, fc1_b, fc2_w, fc2_b, n):
    m = jnp.concatenate([x[row], edge_attr], axis=1)
    m = jax.nn.relu(m @ fc1_w.T + fc1_b)
    sums = jax.ops.segment_sum(m, col, num_segments=n)
    cnt = jax.ops.segment_sum(jnp.ones((m.shape[0],), m.dtype), col, num_segments=n)
    agg = sums / jnp.clip(cnt, 1.0)[:, None]
    h = jnp.concatenate([x, agg], axis=1)
    return jax.nn.relu(h @ fc2_w.T + fc2_b)


def setup_inputs(seed: int = 0):
    key = jax.random.key(seed)
    ks = jax.random.split(key, 20)
    inp = {}
    inp["input"] = jax.random.normal(ks[0], (N, D), dtype=jnp.float32)
    inp["tar_group_weights"] = jax.random.uniform(ks[1], (N, G), dtype=jnp.float32)
    inp["enc_weights"] = jax.random.uniform(ks[2], (N, G), dtype=jnp.float32)
    inp["group_edge_ids"] = jax.random.randint(ks[3], (2, EG), 0, G)
    inp["group_edge_weights"] = jax.random.normal(ks[4], (EG, EDIM), dtype=jnp.float32)
    inp["edge_ids"] = jax.random.randint(ks[5], (2, E), 0, N)
    inp["edge_weights"] = jax.random.normal(ks[6], (E, 1), dtype=jnp.float32)
    inp["emb_w"] = jax.random.normal(ks[7], (D, D), dtype=jnp.float32) * 0.05
    inp["emb_b"] = jnp.zeros((D,), dtype=jnp.float32)
    inp["g_fc1_w"] = jax.random.normal(ks[8], (D, D + EDIM), dtype=jnp.float32) * 0.05
    inp["g_fc1_b"] = jnp.zeros((D,), dtype=jnp.float32)
    inp["g_fc2_w"] = jax.random.normal(ks[9], (D, 2 * D), dtype=jnp.float32) * 0.05
    inp["g_fc2_b"] = jnp.zeros((D,), dtype=jnp.float32)
    inp["glob_fc1_w"] = jax.random.normal(ks[10], (D, 2 * D + 1), dtype=jnp.float32) * 0.05
    inp["glob_fc1_b"] = jnp.zeros((D,), dtype=jnp.float32)
    inp["glob_fc2_w"] = jax.random.normal(ks[11], (D, 3 * D), dtype=jnp.float32) * 0.05
    inp["glob_fc2_b"] = jnp.zeros((D,), dtype=jnp.float32)
    return inp


def reference(input, tar_group_weights, enc_weights, group_edge_ids, group_edge_weights, edge_ids, edge_weights, emb_w, emb_b, g_fc1_w, g_fc1_b, g_fc2_w, g_fc2_b, glob_fc1_w, glob_fc1_b, glob_fc2_w, glob_fc2_b):
    x = input @ emb_w.T + emb_b
    g_x = tar_group_weights.T @ x
    g_x = _graphnode(g_x, group_edge_ids[0], group_edge_ids[1], group_edge_weights, g_fc1_w, g_fc1_b, g_fc2_w, g_fc2_b, G)
    new_x = tar_group_weights @ g_x
    x2 = jnp.concatenate([x, new_x], axis=1)
    out = _graphnode(x2, edge_ids[0], edge_ids[1], edge_weights, glob_fc1_w, glob_fc1_b, glob_fc2_w, glob_fc2_b, N)
    return out

if __name__ == "__main__":
    import jax
    _d = setup_inputs()
    print(jax.jit(kernel)(*tuple(_d.values())))

</pallas_src>

<mosaic_0001>
#map = affine_map<(d0, d1) -> (0, 0)>
#map1 = affine_map<(d0, d1) -> (0, 0, 0, 0)>
#map2 = affine_map<(d0, d1) -> (0, 0, 0)>
module attributes {stable_mosaic.version = 14 : i64} {
  func.func @_edge_body(%arg0: i32, %arg1: i32, %arg2: memref<10000x128xbf16, #tpu.memory_space<hbm>>, %arg3: memref<10000x128xbf16, #tpu.memory_space<hbm>>, %arg4: memref<16x10x20x50xi32, #tpu.memory_space<hbm>>, %arg5: memref<16x10x20x50xi32, #tpu.memory_space<hbm>>, %arg6: memref<16x10x20x50xf32, #tpu.memory_space<hbm>>, %arg7: memref<2x128xf32, #tpu.memory_space<hbm>>, %arg8: memref<2x10000x128xf32, #tpu.memory_space<hbm>>, %arg9: memref<10000x16xf32, #tpu.memory_space<hbm>>, %arg10: memref<20x50xi32, #tpu.memory_space<vmem>>, %arg11: memref<20x50xi32, #tpu.memory_space<vmem>>, %arg12: memref<20x50xf32, #tpu.memory_space<vmem>>, %arg13: memref<2x50x128xbf16, #tpu.memory_space<vmem>>, %arg14: memref<2x50x128xf32, #tpu.memory_space<vmem>>, %arg15: memref<50x16xf32, #tpu.memory_space<vmem>>, %arg16: memref<128xf32, #tpu.memory_space<vmem>>, %arg17: memref<10000x128xf32, #tpu.memory_space<vmem_shared>>, %arg18: memref<10000x16xf32, #tpu.memory_space<vmem_shared>>, %arg19: memref<!tpu.dma_semaphore, #tpu.memory_space<semaphore_mem>>, %arg20: memref<!tpu.dma_semaphore, #tpu.memory_space<semaphore_mem>>, %arg21: memref<!tpu.dma_semaphore, #tpu.memory_space<semaphore_mem>>, %arg22: memref<!tpu.dma_semaphore, #tpu.memory_space<semaphore_mem>>, %arg23: memref<!tpu.dma_semaphore, #tpu.memory_space<semaphore_mem>>) attributes {dimension_semantics = [#tpu.dimension_semantics<core_parallel>, #tpu.dimension_semantics<subcore_parallel>], iteration_bounds = array<i64: 2, 16>, scalar_prefetch = 0 : i64, scratch_operands = 14 : i64, tpu.core_type = #tpu.core_type<sc_vector_subcore>, window_params = [{transform_indices = #map}, {transform_indices = #map}, {transform_indices = #map1}, {transform_indices = #map1}, {transform_indices = #map1}, {transform_indices = #map}, {transform_indices = #map2}, {transform_indices = #map}]} {
    "tpu.region"() ({
      %run_scoped3A_107 = tpu.sem_alloc : memref<!tpu.dma_semaphore, #tpu.memory_space<semaphore_mem>>
      %dma_start3A = arith.constant 0 : i32
      %dma_start3A_108 = tpu.memref_slice %arg7[%arg0, %dma_start3A] : memref<2x128xf32, #tpu.memory_space<hbm>> -> memref<1x128xf32, #tpu.memory_space<hbm>>
      %dma_start3A_109 = tpu.memref_squeeze %dma_start3A_108 : memref<1x128xf32, #tpu.memory_space<hbm>> -> memref<128xf32, #tpu.memory_space<hbm>>
      %dma_start3A_110 = arith.constant 0 : i32
      %dma_start3A_111 = tpu.memref_slice %arg7[%arg0, %dma_start3A_110] : memref<2x128xf32, #tpu.memory_space<hbm>> -> memref<1x128xf32, #tpu.memory_space<hbm>>
      %dma_start3A_112 = tpu.memref_squeeze %dma_start3A_111 : memref<1x128xf32, #tpu.memory_space<hbm>> -> memref<128xf32, #tpu.memory_space<hbm>>
      tpu.enqueue_dma source(%dma_start3A_112 : memref<128xf32, #tpu.memory_space<hbm>>) target(%arg16 : memref<128xf32, #tpu.memory_space<vmem>>) target_semaphore(%run_scoped3A_107 : memref<!tpu.dma_semaphore, #tpu.memory_space<semaphore_mem>>)
      %dma_wait3A = arith.constant 0 : i32
      %dma_wait3A_113 = tpu.memref_slice %arg7[%arg0, %dma_wait3A] : memref<2x128xf32, #tpu.memory_space<hbm>> -> memref<1x128xf32, #tpu.memory_space<hbm>>
      %dma_wait3A_114 = tpu.memref_squeeze %dma_wait3A_113 : memref<1x128xf32, #tpu.memory_space<hbm>> -> memref<128xf32, #tpu.memory_space<hbm>>
      %dma_wait3A_115 = arith.constant 0 : i32
      %dma_wait3A_116 = tpu.memref_slice %arg7[%arg0, %dma_wait3A_115] : memref<2x128xf32, #tpu.memory_space<hbm>> -> memref<1x128xf32, #tpu.memory_space<hbm>>
      %dma_wait3A_117 = tpu.memref_squeeze %dma_wait3A_116 : memref<1x128xf32, #tpu.memory_space<hbm>> -> memref<128xf32, #tpu.memory_space<hbm>>
      tpu.wait_dma2 semaphore(%run_scoped3A_107 : memref<!tpu.dma_semaphore, #tpu.memory_space<semaphore_mem>>) src(%dma_wait3A_117 : memref<128xf32, #tpu.memory_space<hbm>>) dst(%arg16 : memref<128xf32, #tpu.memory_space<vmem>>)
      tpu.yield
    }) : () -> ()
    %broadcast_in_dim3A = arith.constant 0.000000e+00 : f32
    %broadcast_in_dim3A_0 = vector.broadcast %broadcast_in_dim3A : f32 to vector<16xf32>
    %iota3A = tpu.iota {dimensions = array<i32: 0>} : vector<16xi32>
    %eq3A = arith.constant 0 : i32
    %eq3A_1 = vector.broadcast %eq3A : i32 to vector<16xi32>
    %eq3A_2 = arith.cmpi eq, %iota3A, %eq3A_1 : vector<16xi32>
    %jit3A = arith.constant 1.000000e+00 : f32
    %jit3A_3 = arith.constant 0.000000e+00 : f32
    %broadcast_in_dim3A_4 = vector.broadcast %jit3A : f32 to vector<16xf32>
    %broadcast_in_dim3A_5 = vector.broadcast %jit3A_3 : f32 to vector<16xf32>
    %select_n3A = arith.select %eq3A_2, %broadcast_in_dim3A_4, %broadcast_in_dim3A_5 : vector<16xi1>, vector<16xf32>
    %scan3A = arith.constant 0 : i32
    %scan3A_6 = arith.constant 0 : i32
    %scan3A_7 = arith.constant 50 : i32
    %scan3A_8 = arith.addi %scan3A_6, %scan3A_7 : i32
    %scan3A_9 = arith.constant 1 : i32
    scf.for %scan3A_107 = %scan3A_6 to %scan3A_8 step %scan3A_9  : i32 {
      %swap3A = arith.constant 0 : i32
      %swap3A_108 = arith.index_cast %swap3A : i32 to index
      %swap3A_109 = arith.index_cast %scan3A_107 : i32 to index
      %swap3A_110 = arith.constant 0 : index
      %swap3A_111 = tpu.vector_load %arg14[%swap3A_108, %swap3A_109, %swap3A_110] {strides = array<i32>} : memref<2x50x128xf32, #tpu.memory_space<vmem>>, vector<16xf32>,
      tpu.vector_store %arg14[%swap3A_108, %swap3A_109, %swap3A_110], %broadcast_in_dim3A_0 {strides = array<i32>} : memref<2x50x128xf32, #tpu.memory_space<vmem>>, vector<16xf32>,
      %swap3A_112 = arith.constant 0 : i32
      %swap3A_113 = arith.index_cast %swap3A_112 : i32 to index
      %swap3A_114 = arith.index_cast %scan3A_107 : i32 to index
      %swap3A_115 = arith.constant 16 : index
      %swap3A_116 = tpu.vector_load %arg14[%swap3A_113, %swap3A_114, %swap3A_115] {strides = array<i32>} : memref<2x50x128xf32, #tpu.memory_space<vmem>>, vector<16xf32>,
      tpu.vector_store %arg14[%swap3A_113, %swap3A_114, %swap3A_115], %broadcast_in_dim3A_0 {strides = array<i32>} : memref<2x50x128xf32, #tpu.memory_space<vmem>>, vector<16xf32>,
      %swap3A_117 = arith.constant 0 : i32
      %swap3A_118 = arith.index_cast %swap3A_117 : i32 to index
      %swap3A_119 = arith.index_cast %scan3A_107 : i32 to index
      %swap3A_120 = arith.constant 32 : index
      %swap3A_121 = tpu.vector_load %arg14[%swap3A_118, %swap3A_119, %swap3A_120] {strides = array<i32>} : memref<2x50x128xf32, #tpu.memory_space<vmem>>, vector<16xf32>,
      tpu.vector_store %arg14[%swap3A_118, %swap3A_119, %swap3A_120], %broadcast_in_dim3A_0 {strides = array<i32>} : memref<2x50x128xf32, #tpu.memory_space<vmem>>, vector<16xf32>,
      %swap3A_122 = arith.constant 0 : i32
      %swap3A_123 = arith.index_cast %swap3A_122 : i32 to index
      %swap3A_124 = arith.index_cast %scan3A_107 : i32 to index
      %swap3A_125 = arith.constant 48 : index
      %swap3A_126 = tpu.vector_load %arg14[%swap3A_123, %swap3A_124, %swap3A_125] {strides = array<i32>} : memref<2x50x128xf32, #tpu.memory_space<vmem>>, vector<16xf32>,
      tpu.vector_store %arg14[%swap3A_123, %swap3A_124, %swap3A_125], %broadcast_in_dim3A_0 {strides = array<i32>} : memref<2x50x128xf32, #tpu.memory_space<vmem>>, vector<16xf32>,
      %swap3A_127 = arith.constant 0 : i32
      %swap3A_128 = arith.index_cast %swap3A_127 : i32 to index
      %swap3A_129 = arith.index_cast %scan3A_107 : i32 to index
      %swap3A_130 = arith.constant 64 : index
      %swap3A_131 = tpu.vector_load %arg14[%swap3A_128, %swap3A_129, %swap3A_130] {strides = array<i32>} : memref<2x50x128xf32, #tpu.memory_space<vmem>>, vector<16xf32>,
      tpu.vector_store %arg14[%swap3A_128, %swap3A_129, %swap3A_130], %broadcast_in_dim3A_0 {strides = array<i32>} : memref<2x50x128xf32, #tpu.memory_space<vmem>>, vector<16xf32>,
      %swap3A_132 = arith.constant 0 : i32
      %swap3A_133 = arith.index_cast %swap3A_132 : i32 to index
      %swap3A_134 = arith.index_cast %scan3A_107 : i32 to index
      %swap3A_135 = arith.constant 80 : index
      %swap3A_136 = tpu.vector_load %arg14[%swap3A_133, %swap3A_134, %swap3A_135] {strides = array<i32>} : memref<2x50x128xf32, #tpu.memory_space<vmem>>, vector<16xf32>,
      tpu.vector_store %arg14[%swap3A_133, %swap3A_134, %swap3A_135], %broadcast_in_dim3A_0 {strides = array<i32>} : memref<2x50x128xf32, #tpu.memory_space<vmem>>, vector<16xf32>,
      %swap3A_137 = arith.constant 0 : i32
      %swap3A_138 = arith.index_cast %swap3A_137 : i32 to index
      %swap3A_139 = arith.index_cast %scan3A_107 : i32 to index
      %swap3A_140 = arith.constant 96 : index
      %swap3A_141 = tpu.vector_load %arg14[%swap3A_138, %swap3A_139, %swap3A_140] {strides = array<i32>} : memref<2x50x128xf32, #tpu.memory_space<vmem>>, vector<16xf32>,
      tpu.vector_store %arg14[%swap3A_138, %swap3A_139, %swap3A_140], %broadcast_in_dim3A_0 {strides = array<i32>} : memref<2x50x128xf32, #tpu.memory_space<vmem>>, vector<16xf32>,
      %swap3A_142 = arith.constant 0 : i32
      %swap3A_143 = arith.index_cast %swap3A_142 : i32 to index
      %swap3A_144 = arith.index_cast %scan3A_107 : i32 to index
      %swap3A_145 = arith.constant 112 : index
      %swap3A_146 = tpu.vector_load %arg14[%swap3A_143, %swap3A_144, %swap3A_145] {strides = array<i32>} : memref<2x50x128xf32, #tpu.memory_space<vmem>>, vector<16xf32>,
      tpu.vector_store %arg14[%swap3A_143, %swap3A_144, %swap3A_145], %broadcast_in_dim3A_0 {strides = array<i32>} : memref<2x50x128xf32, #tpu.memory_space<vmem>>, vector<16xf32>,
      %swap3A_147 = arith.index_cast %scan3A_107 : i32 to index
      %swap3A_148 = arith.constant 0 : index
      %swap3A_149 = tpu.vector_load %arg15[%swap3A_147, %swap3A_148] {strides = array<i32>} : memref<50x16xf32, #tpu.memory_space<vmem>>, vector<16xf32>,
      tpu.vector_store %arg15[%swap3A_147, %swap3A_148], %select_n3A {strides = array<i32>} : memref<50x16xf32, #tpu.memory_space<vmem>>, vector<16xf32>,
    }
    %scan3A_10 = arith.constant 50 : i32
    %mul3A = arith.constant 625 : i32
    %mul3A_11 = arith.muli %arg1, %mul3A : i32
    %add3A = arith.constant 0 : i32
    %add3A_12 = arith.addi %mul3A_11, %add3A : i32
    %run_scoped3A = arith.constant 0 : i32
    "tpu.region"() ({
      %run_scoped3A_107 = tpu.sem_alloc : memref<!tpu.dma_semaphore, #tpu.memory_space<semaphore_mem>>
      %dma_start3A = arith.constant 0 : i32
      %dma_start3A_108 = arith.constant 0 : i32
      %dma_start3A_109 = tpu.memref_slice %arg14[%run_scoped3A, %dma_start3A, %dma_start3A_108] : memref<2x50x128xf32, #tpu.memory_space<vmem>> -> memref<1x50x128xf32, #tpu.memory_space<vmem>>
      %dma_start3A_110 = tpu.memref_squeeze %dma_start3A_109 : memref<1x50x128xf32, #tpu.memory_space<vmem>> -> memref<50x128xf32, #tpu.memory_space<vmem>>
      %dma_start3A_111 = arith.constant 0 : i32
      %dma_start3A_112 = tpu.memref_slice %arg17[%add3A_12, %dma_start3A_111] : memref<10000x128xf32, #tpu.memory_space<vmem_shared>> -> memref<50x128xf32, #tpu.memory_space<vmem_shared>>
      %dma_start3A_113 = arith.constant 0 : i32
      %dma_start3A_114 = tpu.memref_slice %arg17[%add3A_12, %dma_start3A_113] : memref<10000x128xf32, #tpu.memory_space<vmem_shared>> -> memref<50x128xf32, #tpu.memory_space<vmem_shared>>
      %dma_start3A_115 = arith.constant 0 : i32
      %dma_start3A_116 = arith.constant 0 : i32
      %dma_start3A_117 = tpu.memref_slice %arg14[%run_scoped3A, %dma_start3A_115, %dma_start3A_116] : memref<2x50x128xf32, #tpu.memory_space<vmem>> -> memref<1x50x128xf32, #tpu.memory_space<vmem>>
      %dma_start3A_118 = tpu.memref_squeeze %dma_start3A_117 : memref<1x50x128xf32, #tpu.memory_space<vmem>> -> memref<50x128xf32, #tpu.memory_space<vmem>>
      tpu.enqueue_dma source(%dma_start3A_118 : memref<50x128xf32, #tpu.memory_space<vmem>>) target(%dma_start3A_114 : memref<50x128xf32, #tpu.memory_space<vmem_shared>>) target_semaphore(%run_scoped3A_107 : memref<!tpu.dma_semaphore, #tpu.memory_space<semaphore_mem>>)
      %dma_wait3A = arith.constant 0 : i32
      %dma_wait3A_119 = arith.constant 0 : i32
      %dma_wait3A_120 = tpu.memref_slice %arg14[%run_scoped3A, %dma_wait3A, %dma_wait3A_119] : memref<2x50x128xf32, #tpu.memory_space<vmem>> -> memref<1x50x128xf32, #tpu.memory_space<vmem>>
      %dma_wait3A_121 = tpu.memref_squeeze %dma_wait3A_120 : memref<1x50x128xf32, #tpu.memory_space<vmem>> -> memref<50x128xf32, #tpu.memory_space<vmem>>
      %dma_wait3A_122 = arith.constant 0 : i32
      %dma_wait3A_123 = tpu.memref_slice %arg17[%add3A_12, %dma_wait3A_122] : memref<10000x128xf32, #tpu.memory_space<vmem_shared>> -> memref<50x128xf32, #tpu.memory_space<vmem_shared>>
      %dma_wait3A_124 = arith.constant 0 : i32
      %dma_wait3A_125 = tpu.memref_slice %arg17[%add3A_12, %dma_wait3A_124] : memref<10000x128xf32, #tpu.memory_space<vmem_shared>> -> memref<50x128xf32, #tpu.memory_space<vmem_shared>>
      %dma_wait3A_126 = arith.constant 0 : i32
      %dma_wait3A_127 = arith.constant 0 : i32
      %dma_wait3A_128 = tpu.memref_slice %arg14[%run_scoped3A, %dma_wait3A_126, %dma_wait3A_127] : memref<2x50x128xf32, #tpu.memory_space<vmem>> -> memref<1x50x128xf32, #tpu.memory_space<vmem>>
      %dma_wait3A_129 = tpu.memref_squeeze %dma_wait3A_128 : memref<1x50x128xf32, #tpu.memory_space<vmem>> -> memref<50x128xf32, #tpu.memory_space<vmem>>
      tpu.wait_dma2 semaphore(%run_scoped3A_107 : memref<!tpu.dma_semaphore, #tpu.memory_space<semaphore_mem>>) src(%dma_wait3A_129 : memref<50x128xf32, #tpu.memory_space<vmem>>) dst(%dma_wait3A_125 : memref<50x128xf32, #tpu.memory_space<vmem_shared>>)
      tpu.yield
    }) : () -> ()
    %mul3A_13 = arith.constant 625 : i32
    %mul3A_14 = arith.muli %arg1, %mul3A_13 : i32
    %add3A_15 = arith.constant 50 : i32
    %add3A_16 = arith.addi %mul3A_14, %add3A_15 : i32
    %run_scoped3A_17 = arith.constant 0 : i32
    "tpu.region"() ({
      %run_scoped3A_107 = tpu.sem_alloc : memref<!tpu.dma_semaphore, #tpu.memory_space<semaphore_mem>>
      %dma_start3A = arith.constant 0 : i32
      %dma_start3A_108 = arith.constant 0 : i32
      %dma_start3A_109 = tpu.memref_slice %arg14[%run_scoped3A_17, %dma_start3A, %dma_start3A_108] : memref<2x50x128xf32, #tpu.memory_space<vmem>> -> memref<1x50x128xf32, #tpu.memory_space<vmem>>
      %dma_start3A_110 = tpu.memref_squeeze %dma_start3A_109 : memref<1x50x128xf32, #tpu.memory_space<vmem>> -> memref<50x128xf32, #tpu.memory_space<vmem>>
      %dma_start3A_111 = arith.constant 0 : i32
      %dma_start3A_112 = tpu.memref_slice %arg17[%add3A_16, %dma_start3A_111] : memref<10000x128xf32, #tpu.memory_space<vmem_shared>> -> memref<50x128xf32, #tpu.memory_space<vmem_shared>>
      %dma_start3A_113 = arith.constant 0 : i32
      %dma_start3A_114 = tpu.memref_slice %arg17[%add3A_16, %dma_start3A_113] : memref<10000x128xf32, #tpu.memory_space<vmem_shared>> -> memref<50x128xf32, #tpu.memory_space<vmem_shared>>
      %dma_start3A_115 = arith.constant 0 : i32
      %dma_start3A_116 = arith.constant 0 : i32
      %dma_start3A_117 = tpu.memref_slice %arg14[%run_scoped3A_17, %dma_start3A_115, %dma_start3A_116] : memref<2x50x128xf32, #tpu.memory_space<vmem>> -> memref<1x50x128xf32, #tpu.memory_space<vmem>>
      %dma_start3A_118 = tpu.memref_squeeze %dma_start3A_117 : memref<1x50x128xf32, #tpu.memory_space<vmem>> -> memref<50x128xf32, #tpu.memory_space<vmem>>
      tpu.enqueue_dma source(%dma_start3A_118 : memref<50x128xf32, #tpu.memory_space<vmem>>) target(%dma_start3A_114 : memref<50x128xf32, #tpu.memory_space<vmem_shared>>) target_semaphore(%run_scoped3A_107 : memref<!tpu.dma_semaphore, #tpu.memory_space<semaphore_mem>>)
      %dma_wait3A = arith.constant 0 : i32
      %dma_wait3A_119 = arith.constant 0 : i32
      %dma_wait3A_120 = tpu.memref_slice %arg14[%run_scoped3A_17, %dma_wait3A, %dma_wait3A_119] : memref<2x50x128xf32, #tpu.memory_space<vmem>> -> memref<1x50x128xf32, #tpu.memory_space<vmem>>
      %dma_wait3A_121 = tpu.memref_squeeze %dma_wait3A_120 : memref<1x50x128xf32, #tpu.memory_space<vmem>> -> memref<50x128xf32, #tpu.memory_space<vmem>>
      %dma_wait3A_122 = arith.constant 0 : i32
      %dma_wait3A_123 = tpu.memref_slice %arg17[%add3A_16, %dma_wait3A_122] : memref<10000x128xf32, #tpu.memory_space<vmem_shared>> -> memref<50x128xf32, #tpu.memory_space<vmem_shared>>
      %dma_wait3A_124 = arith.constant 0 : i32
      %dma_wait3A_125 = tpu.memref_slice %arg17[%add3A_16, %dma_wait3A_124] : memref<10000x128xf32, #tpu.memory_space<vmem_shared>> -> memref<50x128xf32, #tpu.memory_space<vmem_shared>>
      %dma_wait3A_126 = arith.constant 0 : i32
      %dma_wait3A_127 = arith.constant 0 : i32
      %dma_wait3A_128 = tpu.memref_slice %arg14[%run_scoped3A_17, %dma_wait3A_126, %dma_wait3A_127] : memref<2x50x128xf32, #tpu.memory_space<vmem>> -> memref<1x50x128xf32, #tpu.memory_space<vmem>>
      %dma_wait3A_129 = tpu.memref_squeeze %dma_wait3A_128 : memref<1x50x128xf32, #tpu.memory_space<vmem>> -> memref<50x128xf32, #tpu.memory_space<vmem>>
      tpu.wait_dma2 semaphore(%run_scoped3A_107 : memref<!tpu.dma_semaphore, #tpu.memory_space<semaphore_mem>>) src(%dma_wait3A_129 : memref<50x128xf32, #tpu.memory_space<vmem>>) dst(%dma_wait3A_125 : memref<50x128xf32, #tpu.memory_space<vmem_shared>>)
      tpu.yield
    }) : () -> ()
    %mul3A_18 = arith.constant 625 : i32
    %mul3A_19 = arith.muli %arg1, %mul3A_18 : i32
    %add3A_20 = arith.constant 100 : i32
    %add3A_21 = arith.addi %mul3A_19, %add3A_20 : i32
    %run_scoped3A_22 = arith.constant 0 : i32
    "tpu.region"() ({
      %run_scoped3A_107 = tpu.sem_alloc : memref<!tpu.dma_semaphore, #tpu.memory_space<semaphore_mem>>
      %dma_start3A = arith.constant 0 : i32
      %dma_start3A_108 = arith.constant 0 : i32
      %dma_start3A_109 = tpu.memref_slice %arg14[%run_scoped3A_22, %dma_start3A, %dma_start3A_108] : memref<2x50x128xf32, #tpu.memory_space<vmem>> -> memref<1x50x128xf32, #tpu.memory_space<vmem>>
      %dma_start3A_110 = tpu.memref_squeeze %dma_start3A_109 : memref<1x50x128xf32, #tpu.memory_space<vmem>> -> memref<50x128xf32, #tpu.memory_space<vmem>>
      %dma_start3A_111 = arith.constant 0 : i32
      %dma_start3A_112 = tpu.memref_slice %arg17[%add3A_21, %dma_start3A_111] : memref<10000x128xf32, #tpu.memory_space<vmem_shared>> -> memref<50x128xf32, #tpu.memory_space<vmem_shared>>
      %dma_start3A_113 = arith.constant 0 : i32
      %dma_start3A_114 = tpu.memref_slice %arg17[%add3A_21, %dma_start3A_113] : memref<10000x128xf32, #tpu.memory_space<vmem_shared>> -> memref<50x128xf32, #tpu.memory_space<vmem_shared>>
      %dma_start3A_115 = arith.constant 0 : i32
      %dma_start3A_116 = arith.constant 0 : i32
      %dma_start3A_117 = tpu.memref_slice %arg14[%run_scoped3A_22, %dma_start3A_115, %dma_start3A_116] : memref<2x50x128xf32, #tpu.memory_space<vmem>> -> memref<1x50x128xf32, #tpu.memory_space<vmem>>
      %dma_start3A_118 = tpu.memref_squeeze %dma_start3A_117 : memref<1x50x128xf32, #tpu.memory_space<vmem>> -> memref<50x128xf32, #tpu.memory_space<vmem>>
      tpu.enqueue_dma source(%dma_start3A_118 : memref<50x128xf32, #tpu.memory_space<vmem>>) target(%dma_start3A_114 : memref<50x128xf32, #tpu.memory_space<vmem_shared>>) target_semaphore(%run_scoped3A_107 : memref<!tpu.dma_semaphore, #tpu.memory_space<semaphore_mem>>)
      %dma_wait3A = arith.constant 0 : i32
      %dma_wait3A_119 = arith.constant 0 : i32
      %dma_wait3A_120 = tpu.memref_slice %arg14[%run_scoped3A_22, %dma_wait3A, %dma_wait3A_119] : memref<2x50x128xf32, #tpu.memory_space<vmem>> -> memref<1x50x128xf32, #tpu.memory_space<vmem>>
      %dma_wait3A_121 = tpu.memref_squeeze %dma_wait3A_120 : memref<1x50x128xf32, #tpu.memory_space<vmem>> -> memref<50x128xf32, #tpu.memory_space<vmem>>
      %dma_wait3A_122 = arith.constant 0 : i32
      %dma_wait3A_123 = tpu.memref_slice %arg17[%add3A_21, %dma_wait3A_122] : memref<10000x128xf32, #tpu.memory_space<vmem_shared>> -> memref<50x128xf32, #tpu.memory_space<vmem_shared>>
      %dma_wait3A_124 = arith.constant 0 : i32
      %dma_wait3A_125 = tpu.memref_slice %arg17[%add3A_21, %dma_wait3A_124] : memref<10000x128xf32, #tpu.memory_space<vmem_shared>> -> memref<50x128xf32, #tpu.memory_space<vmem_shared>>
      %dma_wait3A_126 = arith.constant 0 : i32
      %dma_wait3A_127 = arith.constant 0 : i32
      %dma_wait3A_128 = tpu.memref_slice %arg14[%run_scoped3A_22, %dma_wait3A_126, %dma_wait3A_127] : memref<2x50x128xf32, #tpu.memory_space<vmem>> -> memref<1x50x128xf32, #tpu.memory_space<vmem>>
      %dma_wait3A_129 = tpu.memref_squeeze %dma_wait3A_128 : memref<1x50x128xf32, #tpu.memory_space<vmem>> -> memref<50x128xf32, #tpu.memory_space<vmem>>
      tpu.wait_dma2 semaphore(%run_scoped3A_107 : memref<!tpu.dma_semaphore, #tpu.memory_space<semaphore_mem>>) src(%dma_wait3A_129 : memref<50x128xf32, #tpu.memory_space<vmem>>) dst(%dma_wait3A_125 : memref<50x128xf32, #tpu.memory_space<vmem_shared>>)
      tpu.yield
    }) : () -> ()
    %mul3A_23 = arith.constant 625 : i32
    %mul3A_24 = arith.muli %arg1, %mul3A_23 : i32
    %add3A_25 = arith.constant 150 : i32
    %add3A_26 = arith.addi %mul3A_24, %add3A_25 : i32
    %run_scoped3A_27 = arith.constant 0 : i32
    "tpu.region"() ({
      %run_scoped3A_107 = tpu.sem_alloc : memref<!tpu.dma_semaphore, #tpu.memory_space<semaphore_mem>>
      %dma_start3A = arith.constant 0 : i32
      %dma_start3A_108 = arith.constant 0 : i32
      %dma_start3A_109 = tpu.memref_slice %arg14[%run_scoped3A_27, %dma_start3A, %dma_start3A_108] : memref<2x50x128xf32, #tpu.memory_space<vmem>> -> memref<1x50x128xf32, #tpu.memory_space<vmem>>
      %dma_start3A_110 = tpu.memref_squeeze %dma_start3A_109 : memref<1x50x128xf32, #tpu.memory_space<vmem>> -> memref<50x128xf32, #tpu.memory_space<vmem>>
      %dma_start3A_111 = arith.constant 0 : i32
      %dma_start3A_112 = tpu.memref_slice %arg17[%add3A_26, %dma_start3A_111] : memref<10000x128xf32, #tpu.memory_space<vmem_shared>> -> memref<50x128xf32, #tpu.memory_space<vmem_shared>>
      %dma_start3A_113 = arith.constant 0 : i32
      %dma_start3A_114 = tpu.memref_slice %arg17[%add3A_26, %dma_start3A_113] : memref<10000x128xf32, #tpu.memory_space<vmem_shared>> -> memref<50x128xf32, #tpu.memory_space<vmem_shared>>
      %dma_start3A_115 = arith.constant 0 : i32
      %dma_start3A_116 = arith.constant 0 : i32
      %dma_start3A_117 = tpu.memref_slice %arg14[%run_scoped3A_27, %dma_start3A_115, %dma_start3A_116] : memref<2x50x128xf32, #tpu.memory_space<vmem>> -> memref<1x50x128xf32, #tpu.memory_space<vmem>>
      %dma_start3A_118 = tpu.memref_squeeze %dma_start3A_117 : memref<1x50x128xf32, #tpu.memory_space<vmem>> -> memref<50x128xf32, #tpu.memory_space<vmem>>
      tpu.enqueue_dma source(%dma_start3A_118 : memref<50x128xf32, #tpu.memory_space<vmem>>) target(%dma_start3A_114 : memref<50x128xf32, #tpu.memory_space<vmem_shared>>) target_semaphore(%run_scoped3A_107 : memref<!tpu.dma_semaphore, #tpu.memory_space<semaphore_mem>>)
      %dma_wait3A = arith.constant 0 : i32
      %dma_wait3A_119 = arith.constant 0 : i32
      %dma_wait3A_120 = tpu.memref_slice %arg14[%run_scoped3A_27, %dma_wait3A, %dma_wait3A_119] : memref<2x50x128xf32, #tpu.memory_space<vmem>> -> memref<1x50x128xf32, #tpu.memory_space<vmem>>
      %dma_wait3A_121 = tpu.memref_squeeze %dma_wait3A_120 : memref<1x50x128xf32, #tpu.memory_space<vmem>> -> memref<50x128xf32, #tpu.memory_space<vmem>>
      %dma_wait3A_122 = arith.constant 0 : i32
      %dma_wait3A_123 = tpu.memref_slice %arg17[%add3A_26, %dma_wait3A_122] : memref<10000x128xf32, #tpu.memory_space<vmem_shared>> -> memref<50x128xf32, #tpu.memory_space<vmem_shared>>
      %dma_wait3A_124 = arith.constant 0 : i32
      %dma_wait3A_125 = tpu.memref_slice %arg17[%add3A_26, %dma_wait3A_124] : memref<10000x128xf32, #tpu.memory_space<vmem_shared>> -> memref<50x128xf32, #tpu.memory_space<vmem_shared>>
      %dma_wait3A_126 = arith.constant 0 : i32
      %dma_wait3A_127 = arith.constant 0 : i32
      %dma_wait3A_128 = tpu.memref_slice %arg14[%run_scoped3A_27, %dma_wait3A_126, %dma_wait3A_127] : memref<2x50x128xf32, #tpu.memory_space<vmem>> -> memref<1x50x128xf32, #tpu.memory_space<vmem>>
      %dma_wait3A_129 = tpu.memref_squeeze %dma_wait3A_128 : memref<1x50x128xf32, #tpu.memory_space<vmem>> -> memref<50x128xf32, #tpu.memory_space<vmem>>
      tpu.wait_dma2 semaphore(%run_scoped3A_107 : memref<!tpu.dma_semaphore, #tpu.memory_space<semaphore_mem>>) src(%dma_wait3A_129 : memref<50x128xf32, #tpu.memory_space<vmem>>) dst(%dma_wait3A_125 : memref<50x128xf32, #tpu.memory_space<vmem_shared>>)
      tpu.yield
    }) : () -> ()
    %mul3A_28 = arith.constant 625 : i32
    %mul3A_29 = arith.muli %arg1, %mul3A_28 : i32
    %add3A_30 = arith.constant 200 : i32
    %add3A_31 = arith.addi %mul3A_29, %add3A_30 : i32
    %run_scoped3A_32 = arith.constant 0 : i32
    "tpu.region"() ({
      %run_scoped3A_107 = tpu.sem_alloc : memref<!tpu.dma_semaphore, #tpu.memory_space<semaphore_mem>>
      %dma_start3A = arith.constant 0 : i32
      %dma_start3A_108 = arith.constant 0 : i32
      %dma_start3A_109 = tpu.memref_slice %arg14[%run_scoped3A_32, %dma_start3A, %dma_start3A_108] : memref<2x50x128xf32, #tpu.memory_space<vmem>> -> memref<1x50x128xf32, #tpu.memory_space<vmem>>
      %dma_start3A_110 = tpu.memref_squeeze %dma_start3A_109 : memref<1x50x128xf32, #tpu.memory_space<vmem>> -> memref<50x128xf32, #tpu.memory_space<vmem>>
      %dma_start3A_111 = arith.constant 0 : i32
      %dma_start3A_112 = tpu.memref_slice %arg17[%add3A_31, %dma_start3A_111] : memref<10000x128xf32, #tpu.memory_space<vmem_shared>> -> memref<50x128xf32, #tpu.memory_space<vmem_shared>>
      %dma_start3A_113 = arith.constant 0 : i32
      %dma_start3A_114 = tpu.memref_slice %arg17[%add3A_31, %dma_start3A_113] : memref<10000x128xf32, #tpu.memory_space<vmem_shared>> -> memref<50x128xf32, #tpu.memory_space<vmem_shared>>
      %dma_start3A_115 = arith.constant 0 : i32
      %dma_start3A_116 = arith.constant 0 : i32
      %dma_start3A_117 = tpu.memref_slice %arg14[%run_scoped3A_32, %dma_start3A_115, %dma_start3A_116] : memref<2x50x128xf32, #tpu.memory_space<vmem>> -> memref<1x50x128xf32, #tpu.memory_space<vmem>>
      %dma_start3A_118 = tpu.memref_squeeze %dma_start3A_117 : memref<1x50x128xf32, #tpu.memory_space<vmem>> -> memref<50x128xf32, #tpu.memory_space<vmem>>
      tpu.enqueue_dma source(%dma_start3A_118 : memref<50x128xf32, #tpu.memory_space<vmem>>) target(%dma_start3A_114 : memref<50x128xf32, #tpu.memory_space<vmem_shared>>) target_semaphore(%run_scoped3A_107 : memref<!tpu.dma_semaphore, #tpu.memory_space<semaphore_mem>>)
      %dma_wait3A = arith.constant 0 : i32
      %dma_wait3A_119 = arith.constant 0 : i32
      %dma_wait3A_120 = tpu.memref_slice %arg14[%run_scoped3A_32, %dma_wait3A, %dma_wait3A_119] : memref<2x50x128xf32, #tpu.memory_space<vmem>> -> memref<1x50x128xf32, #tpu.memory_space<vmem>>
      %dma_wait3A_121 = tpu.memref_squeeze %dma_wait3A_120 : memref<1x50x128xf32, #tpu.memory_space<vmem>> -> memref<50x128xf32, #tpu.memory_space<vmem>>
      %dma_wait3A_122 = arith.constant 0 : i32
      %dma_wait3A_123 = tpu.memref_slice %arg17[%add3A_31, %dma_wait3A_122] : memref<10000x128xf32, #tpu.memory_space<vmem_shared>> -> memref<50x128xf32, #tpu.memory_space<vmem_shared>>
      %dma_wait3A_124 = arith.constant 0 : i32
      %dma_wait3A_125 = tpu.memref_slice %arg17[%add3A_31, %dma_wait3A_124] : memref<10000x128xf32, #tpu.memory_space<vmem_shared>> -> memref<50x128xf32, #tpu.memory_space<vmem_shared>>
      %dma_wait3A_126 = arith.constant 0 : i32
      %dma_wait3A_127 = arith.constant 0 : i32
      %dma_wait3A_128 = tpu.memref_slice %arg14[%run_scoped3A_32, %dma_wait3A_126, %dma_wait3A_127] : memref<2x50x128xf32, #tpu.memory_space<vmem>> -> memref<1x50x128xf32, #tpu.memory_space<vmem>>
      %dma_wait3A_129 = tpu.memref_squeeze %dma_wait3A_128 : memref<1x50x128xf32, #tpu.memory_space<vmem>> -> memref<50x128xf32, #tpu.memory_space<vmem>>
      tpu.wait_dma2 semaphore(%run_scoped3A_107 : memref<!tpu.dma_semaphore, #tpu.memory_space<semaphore_mem>>) src(%dma_wait3A_129 : memref<50x128xf32, #tpu.memory_space<vmem>>) dst(%dma_wait3A_125 : memref<50x128xf32, #tpu.memory_space<vmem_shared>>)
      tpu.yield
    }) : () -> ()
    %mul3A_33 = arith.constant 625 : i32
    %mul3A_34 = arith.muli %arg1, %mul3A_33 : i32
    %add3A_35 = arith.constant 250 : i32
    %add3A_36 = arith.addi %mul3A_34, %add3A_35 : i32
    %run_scoped3A_37 = arith.constant 0 : i32
    "tpu.region"() ({
      %run_scoped3A_107 = tpu.sem_alloc : memref<!tpu.dma_semaphore, #tpu.memory_space<semaphore_mem>>
      %dma_start3A = arith.constant 0 : i32
      %dma_start3A_108 = arith.constant 0 : i32
      %dma_start3A_109 = tpu.memref_slice %arg14[%run_scoped3A_37, %dma_start3A, %dma_start3A_108] : memref<2x50x128xf32, #tpu.memory_space<vmem>> -> memref<1x50x128xf32, #tpu.memory_space<vmem>>
      %dma_start3A_110 = tpu.memref_squeeze %dma_start3A_109 : memref<1x50x128xf32, #tpu.memory_space<vmem>> -> memref<50x128xf32, #tpu.memory_space<vmem>>
      %dma_start3A_111 = arith.constant 0 : i32
      %dma_start3A_112 = tpu.memref_slice %arg17[%add3A_36, %dma_start3A_111] : memref<10000x128xf32, #tpu.memory_space<vmem_shared>> -> memref<50x128xf32, #tpu.memory_space<vmem_shared>>
      %dma_start3A_113 = arith.constant 0 : i32
      %dma_start3A_114 = tpu.memref_slice %arg17[%add3A_36, %dma_start3A_113] : memref<10000x128xf32, #tpu.memory_space<vmem_shared>> -> memref<50x128xf32, #tpu.memory_space<vmem_shared>>
      %dma_start3A_115 = arith.constant 0 : i32
      %dma_start3A_116 = arith.constant 0 : i32
      %dma_start3A_117 = tpu.memref_slice %arg14[%run_scoped3A_37, %dma_start3A_115, %dma_start3A_116] : memref<2x50x128xf32, #tpu.memory_space<vmem>> -> memref<1x50x128xf32, #tpu.memory_space<vmem>>
      %dma_start3A_118 = tpu.memref_squeeze %dma_start3A_117 : memref<1x50x128xf32, #tpu.memory_space<vmem>> -> memref<50x128xf32, #tpu.memory_space<vmem>>
      tpu.enqueue_dma source(%dma_start3A_118 : memref<50x128xf32, #tpu.memory_space<vmem>>) target(%dma_start3A_114 : memref<50x128xf32, #tpu.memory_space<vmem_shared>>) target_semaphore(%run_scoped3A_107 : memref<!tpu.dma_semaphore, #tpu.memory_space<semaphore_mem>>)
      %dma_wait3A = arith.constant 0 : i32
      %dma_wait3A_119 = arith.constant 0 : i32
      %dma_wait3A_120 = tpu.memref_slice %arg14[%run_scoped3A_37, %dma_wait3A, %dma_wait3A_119] : memref<2x50x128xf32, #tpu.memory_space<vmem>> -> memref<1x50x128xf32, #tpu.memory_space<vmem>>
      %dma_wait3A_121 = tpu.memref_squeeze %dma_wait3A_120 : memref<1x50x128xf32, #tpu.memory_space<vmem>> -> memref<50x128xf32, #tpu.memory_space<vmem>>
      %dma_wait3A_122 = arith.constant 0 : i32
      %dma_wait3A_123 = tpu.memref_slice %arg17[%add3A_36, %dma_wait3A_122] : memref<10000x128xf32, #tpu.memory_space<vmem_shared>> -> memref<50x128xf32, #tpu.memory_space<vmem_shared>>
      %dma_wait3A_124 = arith.constant 0 : i32
      %dma_wait3A_125 = tpu.memref_slice %arg17[%add3A_36, %dma_wait3A_124] : memref<10000x128xf32, #tpu.memory_space<vmem_shared>> -> memref<50x128xf32, #tpu.memory_space<vmem_shared>>
      %dma_wait3A_126 = arith.constant 0 : i32
      %dma_wait3A_127 = arith.constant 0 : i32
      %dma_wait3A_128 = tpu.memref_slice %arg14[%run_scoped3A_37, %dma_wait3A_126, %dma_wait3A_127] : memref<2x50x128xf32, #tpu.memory_space<vmem>> -> memref<1x50x128xf32, #tpu.memory_space<vmem>>
      %dma_wait3A_129 = tpu.memref_squeeze %dma_wait3A_128 : memref<1x50x128xf32, #tpu.memory_space<vmem>> -> memref<50x128xf32, #tpu.memory_space<vmem>>
      tpu.wait_dma2 semaphore(%run_scoped3A_107 : memref<!tpu.dma_semaphore, #tpu.memory_space<semaphore_mem>>) src(%dma_wait3A_129 : memref<50x128xf32, #tpu.memory_space<vmem>>) dst(%dma_wait3A_125 : memref<50x128xf32, #tpu.memory_space<vmem_shared>>)
      tpu.yield
    }) : () -> ()
    %mul3A_38 = arith.constant 625 : i32
    %mul3A_39 = arith.muli %arg1, %mul3A_38 : i32
    %add3A_40 = arith.constant 300 : i32
    %add3A_41 = arith.addi %mul3A_39, %add3A_40 : i32
    %run_scoped3A_42 = arith.constant 0 : i32
    "tpu.region"() ({
      %run_scoped3A_107 = tpu.sem_alloc : memref<!tpu.dma_semaphore, #tpu.memory_space<semaphore_mem>>
      %dma_start3A = arith.constant 0 : i32
      %dma_start3A_108 = arith.constant 0 : i32
      %dma_start3A_109 = tpu.memref_slice %arg14[%run_scoped3A_42, %dma_start3A, %dma_start3A_108] : memref<2x50x128xf32, #tpu.memory_space<vmem>> -> memref<1x50x128xf32, #tpu.memory_space<vmem>>
      %dma_start3A_110 = tpu.memref_squeeze %dma_start3A_109 : memref<1x50x128xf32, #tpu.memory_space<vmem>> -> memref<50x128xf32, #tpu.memory_space<vmem>>
      %dma_start3A_111 = arith.constant 0 : i32
      %dma_start3A_112 = tpu.memref_slice %arg17[%add3A_41, %dma_start3A_111] : memref<10000x128xf32, #tpu.memory_space<vmem_shared>> -> memref<50x128xf32, #tpu.memory_space<vmem_shared>>
      %dma_start3A_113 = arith.constant 0 : i32
      %dma_start3A_114 = tpu.memref_slice %arg17[%add3A_41, %dma_start3A_113] : memref<10000x128xf32, #tpu.memory_space<vmem_shared>> -> memref<50x128xf32, #tpu.memory_space<vmem_shared>>
      %dma_start3A_115 = arith.constant 0 : i32
      %dma_start3A_116 = arith.constant 0 : i32
      %dma_start3A_117 = tpu.memref_slice %arg14[%run_scoped3A_42, %dma_start3A_115, %dma_start3A_116] : memref<2x50x128xf32, #tpu.memory_space<vmem>> -> memref<1x50x128xf32, #tpu.memory_space<vmem>>
      %dma_start3A_118 = tpu.memref_squeeze %dma_start3A_117 : memref<1x50x128xf32, #tpu.memory_space<vmem>> -> memref<50x128xf32, #tpu.memory_space<vmem>>
      tpu.enqueue_dma source(%dma_start3A_118 : memref<50x128xf32, #tpu.memory_space<vmem>>) target(%dma_start3A_114 : memref<50x128xf32, #tpu.memory_space<vmem_shared>>) target_semaphore(%run_scoped3A_107 : memref<!tpu.dma_semaphore, #tpu.memory_space<semaphore_mem>>)
      %dma_wait3A = arith.constant 0 : i32
      %dma_wait3A_119 = arith.constant 0 : i32
      %dma_wait3A_120 = tpu.memref_slice %arg14[%run_scoped3A_42, %dma_wait3A, %dma_wait3A_119] : memref<2x50x128xf32, #tpu.memory_space<vmem>> -> memref<1x50x128xf32, #tpu.memory_space<vmem>>
      %dma_wait3A_121 = tpu.memref_squeeze %dma_wait3A_120 : memref<1x50x128xf32, #tpu.memory_space<vmem>> -> memref<50x128xf32, #tpu.memory_space<vmem>>
      %dma_wait3A_122 = arith.constant 0 : i32
      %dma_wait3A_123 = tpu.memref_slice %arg17[%add3A_41, %dma_wait3A_122] : memref<10000x128xf32, #tpu.memory_space<vmem_shared>> -> memref<50x128xf32, #tpu.memory_space<vmem_shared>>
      %dma_wait3A_124 = arith.constant 0 : i32
      %dma_wait3A_125 = tpu.memref_slice %arg17[%add3A_41, %dma_wait3A_124] : memref<10000x128xf32, #tpu.memory_space<vmem_shared>> -> memref<50x128xf32, #tpu.memory_space<vmem_shared>>
      %dma_wait3A_126 = arith.constant 0 : i32
      %dma_wait3A_127 = arith.constant 0 : i32
      %dma_wait3A_128 = tpu.memref_slice %arg14[%run_scoped3A_42, %dma_wait3A_126, %dma_wait3A_127] : memref<2x50x128xf32, #tpu.memory_space<vmem>> -> memref<1x50x128xf32, #tpu.memory_space<vmem>>
      %dma_wait3A_129 = tpu.memref_squeeze %dma_wait3A_128 : memref<1x50x128xf32, #tpu.memory_space<vmem>> -> memref<50x128xf32, #tpu.memory_space<vmem>>
      tpu.wait_dma2 semaphore(%run_scoped3A_107 : memref<!tpu.dma_semaphore, #tpu.memory_space<semaphore_mem>>) src(%dma_wait3A_129 : memref<50x128xf32, #tpu.memory_space<vmem>>) dst(%dma_wait3A_125 : memref<50x128xf32, #tpu.memory_space<vmem_shared>>)
      tpu.yield
    }) : () -> ()
    %mul3A_43 = arith.constant 625 : i32
    %mul3A_44 = arith.muli %arg1, %mul3A_43 : i32
    %add3A_45 = arith.constant 350 : i32
    %add3A_46 = arith.addi %mul3A_44, %add3A_45 : i32
    %run_scoped3A_47 = arith.constant 0 : i32
    "tpu.region"() ({
      %run_scoped3A_107 = tpu.sem_alloc : memref<!tpu.dma_semaphore, #tpu.memory_space<semaphore_mem>>
      %dma_start3A = arith.constant 0 : i32
      %dma_start3A_108 = arith.constant 0 : i32
      %dma_start3A_109 = tpu.memref_slice %arg14[%run_scoped3A_47, %dma_start3A, %dma_start3A_108] : memref<2x50x128xf32, #tpu.memory_space<vmem>> -> memref<1x50x128xf32, #tpu.memory_space<vmem>>
      %dma_start3A_110 = tpu.memref_squeeze %dma_start3A_109 : memref<1x50x128xf32, #tpu.memory_space<vmem>> -> memref<50x128xf32, #tpu.memory_space<vmem>>
      %dma_start3A_111 = arith.constant 0 : i32
      %dma_start3A_112 = tpu.memref_slice %arg17[%add3A_46, %dma_start3A_111] : memref<10000x128xf32, #tpu.memory_space<vmem_shared>> -> memref<50x128xf32, #tpu.memory_space<vmem_shared>>
      %dma_start3A_113 = arith.constant 0 : i32
      %dma_start3A_114 = tpu.memref_slice %arg17[%add3A_46, %dma_start3A_113] : memref<10000x128xf32, #tpu.memory_space<vmem_shared>> -> memref<50x128xf32, #tpu.memory_space<vmem_shared>>
      %dma_start3A_115 = arith.constant 0 : i32
      %dma_start3A_116 = arith.constant 0 : i32
      %dma_start3A_117 = tpu.memref_slice %arg14[%run_scoped3A_47, %dma_start3A_115, %dma_start3A_116] : memref<2x50x128xf32, #tpu.memory_space<vmem>> -> memref<1x50x128xf32, #tpu.memory_space<vmem>>
      %dma_start3A_118 = tpu.memref_squeeze %dma_start3A_117 : memref<1x50x128xf32, #tpu.memory_space<vmem>> -> memref<50x128xf32, #tpu.memory_space<vmem>>
      tpu.enqueue_dma source(%dma_start3A_118 : memref<50x128xf32, #tpu.memory_space<vmem>>) target(%dma_start3A_114 : memref<50x128xf32, #tpu.memory_space<vmem_shared>>) target_semaphore(%run_scoped3A_107 : memref<!tpu.dma_semaphore, #tpu.memory_space<semaphore_mem>>)
      %dma_wait3A = arith.constant 0 : i32
      %dma_wait3A_119 = arith.constant 0 : i32
      %dma_wait3A_120 = tpu.memref_slice %arg14[%run_scoped3A_47, %dma_wait3A, %dma_wait3A_119] : memref<2x50x128xf32, #tpu.memory_space<vmem>> -> memref<1x50x128xf32, #tpu.memory_space<vmem>>
      %dma_wait3A_121 = tpu.memref_squeeze %dma_wait3A_120 : memref<1x50x128xf32, #tpu.memory_space<vmem>> -> memref<50x128xf32, #tpu.memory_space<vmem>>
      %dma_wait3A_122 = arith.constant 0 : i32
      %dma_wait3A_123 = tpu.memref_slice %arg17[%add3A_46, %dma_wait3A_122] : memref<10000x128xf32, #tpu.memory_space<vmem_shared>> -> memref<50x128xf32, #tpu.memory_space<vmem_shared>>
      %dma_wait3A_124 = arith.constant 0 : i32
      %dma_wait3A_125 = tpu.memref_slice %arg17[%add3A_46, %dma_wait3A_124] : memref<10000x128xf32, #tpu.memory_space<vmem_shared>> -> memref<50x128xf32, #tpu.memory_space<vmem_shared>>
      %dma_wait3A_126 = arith.constant 0 : i32
      %dma_wait3A_127 = arith.constant 0 : i32
      %dma_wait3A_128 = tpu.memref_slice %arg14[%run_scoped3A_47, %dma_wait3A_126, %dma_wait3A_127] : memref<2x50x128xf32, #tpu.memory_space<vmem>> -> memref<1x50x128xf32, #tpu.memory_space<vmem>>
      %dma_wait3A_129 = tpu.memref_squeeze %dma_wait3A_128 : memref<1x50x128xf32, #tpu.memory_space<vmem>> -> memref<50x128xf32, #tpu.memory_space<vmem>>
      tpu.wait_dma2 semaphore(%run_scoped3A_107 : memref<!tpu.dma_semaphore, #tpu.memory_space<semaphore_mem>>) src(%dma_wait3A_129 : memref<50x128xf32, #tpu.memory_space<vmem>>) dst(%dma_wait3A_125 : memref<50x128xf32, #tpu.memory_space<vmem_shared>>)
      tpu.yield
    }) : () -> ()
    %mul3A_48 = arith.constant 625 : i32
    %mul3A_49 = arith.muli %arg1, %mul3A_48 : i32
    %add3A_50 = arith.constant 400 : i32
    %add3A_51 = arith.addi %mul3A_49, %add3A_50 : i32
    %run_scoped3A_52 = arith.constant 0 : i32
    "tpu.region"() ({
      %run_scoped3A_107 = tpu.sem_alloc : memref<!tpu.dma_semaphore, #tpu.memory_space<semaphore_mem>>
      %dma_start3A = arith.constant 0 : i32
      %dma_start3A_108 = arith.constant 0 : i32
      %dma_start3A_109 = tpu.memref_slice %arg14[%run_scoped3A_52, %dma_start3A, %dma_start3A_108] : memref<2x50x128xf32, #tpu.memory_space<vmem>> -> memref<1x50x128xf32, #tpu.memory_space<vmem>>
      %dma_start3A_110 = tpu.memref_squeeze %dma_start3A_109 : memref<1x50x128xf32, #tpu.memory_space<vmem>> -> memref<50x128xf32, #tpu.memory_space<vmem>>
      %dma_start3A_111 = arith.constant 0 : i32
      %dma_start3A_112 = tpu.memref_slice %arg17[%add3A_51, %dma_start3A_111] : memref<10000x128xf32, #tpu.memory_space<vmem_shared>> -> memref<50x128xf32, #tpu.memory_space<vmem_shared>>
      %dma_start3A_113 = arith.constant 0 : i32
      %dma_start3A_114 = tpu.memref_slice %arg17[%add3A_51, %dma_start3A_113] : memref<10000x128xf32, #tpu.memory_space<vmem_shared>> -> memref<50x128xf32, #tpu.memory_space<vmem_shared>>
      %dma_start3A_115 = arith.constant 0 : i32
      %dma_start3A_116 = arith.constant 0 : i32
      %dma_start3A_117 = tpu.memref_slice %arg14[%run_scoped3A_52, %dma_start3A_115, %dma_start3A_116] : memref<2x50x128xf32, #tpu.memory_space<vmem>> -> memref<1x50x128xf32, #tpu.memory_space<vmem>>
      %dma_start3A_118 = tpu.memref_squeeze %dma_start3A_117 : memref<1x50x128xf32, #tpu.memory_space<vmem>> -> memref<50x128xf32, #tpu.memory_space<vmem>>
      tpu.enqueue_dma source(%dma_start3A_118 : memref<50x128xf32, #tpu.memory_space<vmem>>) target(%dma_start3A_114 : memref<50x128xf32, #tpu.memory_space<vmem_shared>>) target_semaphore(%run_scoped3A_107 : memref<!tpu.dma_semaphore, #tpu.memory_space<semaphore_mem>>)
      %dma_wait3A = arith.constant 0 : i32
      %dma_wait3A_119 = arith.constant 0 : i32
      %dma_wait3A_120 = tpu.memref_slice %arg14[%run_scoped3A_52, %dma_wait3A, %dma_wait3A_119] : memref<2x50x128xf32, #tpu.memory_space<vmem>> -> memref<1x50x128xf32, #tpu.memory_space<vmem>>
      %dma_wait3A_121 = tpu.memref_squeeze %dma_wait3A_120 : memref<1x50x128xf32, #tpu.memory_space<vmem>> -> memref<50x128xf32, #tpu.memory_space<vmem>>
      %dma_wait3A_122 = arith.constant 0 : i32
      %dma_wait3A_123 = tpu.memref_slice %arg17[%add3A_51, %dma_wait3A_122] : memref<10000x128xf32, #tpu.memory_space<vmem_shared>> -> memref<50x128xf32, #tpu.memory_space<vmem_shared>>
      %dma_wait3A_124 = arith.constant 0 : i32
      %dma_wait3A_125 = tpu.memref_slice %arg17[%add3A_51, %dma_wait3A_124] : memref<10000x128xf32, #tpu.memory_space<vmem_shared>> -> memref<50x128xf32, #tpu.memory_space<vmem_shared>>
      %dma_wait3A_126 = arith.constant 0 : i32
      %dma_wait3A_127 = arith.constant 0 : i32
      %dma_wait3A_128 = tpu.memref_slice %arg14[%run_scoped3A_52, %dma_wait3A_126, %dma_wait3A_127] : memref<2x50x128xf32, #tpu.memory_space<vmem>> -> memref<1x50x128xf32, #tpu.memory_space<vmem>>
      %dma_wait3A_129 = tpu.memref_squeeze %dma_wait3A_128 : memref<1x50x128xf32, #tpu.memory_space<vmem>> -> memref<50x128xf32, #tpu.memory_space<vmem>>
      tpu.wait_dma2 semaphore(%run_scoped3A_107 : memref<!tpu.dma_semaphore, #tpu.memory_space<semaphore_mem>>) src(%dma_wait3A_129 : memref<50x128xf32, #tpu.memory_space<vmem>>) dst(%dma_wait3A_125 : memref<50x128xf32, #tpu.memory_space<vmem_shared>>)
      tpu.yield
    }) : () -> ()
    %mul3A_53 = arith.constant 625 : i32
    %mul3A_54 = arith.muli %arg1, %mul3A_53 : i32
    %add3A_55 = arith.constant 450 : i32
    %add3A_56 = arith.addi %mul3A_54, %add3A_55 : i32
    %run_scoped3A_57 = arith.constant 0 : i32
    "tpu.region"() ({
      %run_scoped3A_107 = tpu.sem_alloc : memref<!tpu.dma_semaphore, #tpu.memory_space<semaphore_mem>>
      %dma_start3A = arith.constant 0 : i32
      %dma_start3A_108 = arith.constant 0 : i32
      %dma_start3A_109 = tpu.memref_slice %arg14[%run_scoped3A_57, %dma_start3A, %dma_start3A_108] : memref<2x50x128xf32, #tpu.memory_space<vmem>> -> memref<1x50x128xf32, #tpu.memory_space<vmem>>
      %dma_start3A_110 = tpu.memref_squeeze %dma_start3A_109 : memref<1x50x128xf32, #tpu.memory_space<vmem>> -> memref<50x128xf32, #tpu.memory_space<vmem>>
      %dma_start3A_111 = arith.constant 0 : i32
      %dma_start3A_112 = tpu.memref_slice %arg17[%add3A_56, %dma_start3A_111] : memref<10000x128xf32, #tpu.memory_space<vmem_shared>> -> memref<50x128xf32, #tpu.memory_space<vmem_shared>>
      %dma_start3A_113 = arith.constant 0 : i32
      %dma_start3A_114 = tpu.memref_slice %arg17[%add3A_56, %dma_start3A_113] : memref<10000x128xf32, #tpu.memory_space<vmem_shared>> -> memref<50x128xf32, #tpu.memory_space<vmem_shared>>
      %dma_start3A_115 = arith.constant 0 : i32
      %dma_start3A_116 = arith.constant 0 : i32
      %dma_start3A_117 = tpu.memref_slice %arg14[%run_scoped3A_57, %dma_start3A_115, %dma_start3A_116] : memref<2x50x128xf32, #tpu.memory_space<vmem>> -> memref<1x50x128xf32, #tpu.memory_space<vmem>>
      %dma_start3A_118 = tpu.memref_squeeze %dma_start3A_117 : memref<1x50x128xf32, #tpu.memory_space<vmem>> -> memref<50x128xf32, #tpu.memory_space<vmem>>
      tpu.enqueue_dma source(%dma_start3A_118 : memref<50x128xf32, #tpu.memory_space<vmem>>) target(%dma_start3A_114 : memref<50x128xf32, #tpu.memory_space<vmem_shared>>) target_semaphore(%run_scoped3A_107 : memref<!tpu.dma_semaphore, #tpu.memory_space<semaphore_mem>>)
      %dma_wait3A = arith.constant 0 : i32
      %dma_wait3A_119 = arith.constant 0 : i32
      %dma_wait3A_120 = tpu.memref_slice %arg14[%run_scoped3A_57, %dma_wait3A, %dma_wait3A_119] : memref<2x50x128xf32, #tpu.memory_space<vmem>> -> memref<1x50x128xf32, #tpu.memory_space<vmem>>
      %dma_wait3A_121 = tpu.memref_squeeze %dma_wait3A_120 : memref<1x50x128xf32, #tpu.memory_space<vmem>> -> memref<50x128xf32, #tpu.memory_space<vmem>>
      %dma_wait3A_122 = arith.constant 0 : i32
      %dma_wait3A_123 = tpu.memref_slice %arg17[%add3A_56, %dma_wait3A_122] : memref<10000x128xf32, #tpu.memory_space<vmem_shared>> -> memref<50x128xf32, #tpu.memory_space<vmem_shared>>
      %dma_wait3A_124 = arith.constant 0 : i32
      %dma_wait3A_125 = tpu.memref_slice %arg17[%add3A_56, %dma_wait3A_124] : memref<10000x128xf32, #tpu.memory_space<vmem_shared>> -> memref<50x128xf32, #tpu.memory_space<vmem_shared>>
      %dma_wait3A_126 = arith.constant 0 : i32
      %dma_wait3A_127 = arith.constant 0 : i32
      %dma_wait3A_128 = tpu.memref_slice %arg14[%run_scoped3A_57, %dma_wait3A_126, %dma_wait3A_127] : memref<2x50x128xf32, #tpu.memory_space<vmem>> -> memref<1x50x128xf32, #tpu.memory_space<vmem>>
      %dma_wait3A_129 = tpu.memref_squeeze %dma_wait3A_128 : memref<1x50x128xf32, #tpu.memory_space<vmem>> -> memref<50x128xf32, #tpu.memory_space<vmem>>
      tpu.wait_dma2 semaphore(%run_scoped3A_107 : memref<!tpu.dma_semaphore, #tpu.memory_space<semaphore_mem>>) src(%dma_wait3A_129 : memref<50x128xf32, #tpu.memory_space<vmem>>) dst(%dma_wait3A_125 : memref<50x128xf32, #tpu.memory_space<vmem_shared>>)
      tpu.yield
    }) : () -> ()
    %mul3A_58 = arith.constant 625 : i32
    %mul3A_59 = arith.muli %arg1, %mul3A_58 : i32
    %add3A_60 = arith.constant 500 : i32
    %add3A_61 = arith.addi %mul3A_59, %add3A_60 : i32
    %run_scoped3A_62 = arith.constant 0 : i32
    "tpu.region"() ({
      %run_scoped3A_107 = tpu.sem_alloc : memref<!tpu.dma_semaphore, #tpu.memory_space<semaphore_mem>>
      %dma_start3A = arith.constant 0 : i32
      %dma_start3A_108 = arith.constant 0 : i32
      %dma_start3A_109 = tpu.memref_slice %arg14[%run_scoped3A_62, %dma_start3A, %dma_start3A_108] : memref<2x50x128xf32, #tpu.memory_space<vmem>> -> memref<1x50x128xf32, #tpu.memory_space<vmem>>
      %dma_start3A_110 = tpu.memref_squeeze %dma_start3A_109 : memref<1x50x128xf32, #tpu.memory_space<vmem>> -> memref<50x128xf32, #tpu.memory_space<vmem>>
      %dma_start3A_111 = arith.constant 0 : i32
      %dma_start3A_112 = tpu.memref_slice %arg17[%add3A_61, %dma_start3A_111] : memref<10000x128xf32, #tpu.memory_space<vmem_shared>> -> memref<50x128xf32, #tpu.memory_space<vmem_shared>>
      %dma_start3A_113 = arith.constant 0 : i32
      %dma_start3A_114 = tpu.memref_slice %arg17[%add3A_61, %dma_start3A_113] : memref<10000x128xf32, #tpu.memory_space<vmem_shared>> -> memref<50x128xf32, #tpu.memory_space<vmem_shared>>
      %dma_start3A_115 = arith.constant 0 : i32
      %dma_start3A_116 = arith.constant 0 : i32
      %dma_start3A_117 = tpu.memref_slice %arg14[%run_scoped3A_62, %dma_start3A_115, %dma_start3A_116] : memref<2x50x128xf32, #tpu.memory_space<vmem>> -> memref<1x50x128xf32, #tpu.memory_space<vmem>>
      %dma_start3A_118 = tpu.memref_squeeze %dma_start3A_117 : memref<1x50x128xf32, #tpu.memory_space<vmem>> -> memref<50x128xf32, #tpu.memory_space<vmem>>
      tpu.enqueue_dma source(%dma_start3A_118 : memref<50x128xf32, #tpu.memory_space<vmem>>) target(%dma_start3A_114 : memref<50x128xf32, #tpu.memory_space<vmem_shared>>) target_semaphore(%run_scoped3A_107 : memref<!tpu.dma_semaphore, #tpu.memory_space<semaphore_mem>>)
      %dma_wait3A = arith.constant 0 : i32
      %dma_wait3A_119 = arith.constant 0 : i32
      %dma_wait3A_120 = tpu.memref_slice %arg14[%run_scoped3A_62, %dma_wait3A, %dma_wait3A_119] : memref<2x50x128xf32, #tpu.memory_space<vmem>> -> memref<1x50x128xf32, #tpu.memory_space<vmem>>
      %dma_wait3A_121 = tpu.memref_squeeze %dma_wait3A_120 : memref<1x50x128xf32, #tpu.memory_space<vmem>> -> memref<50x128xf32, #tpu.memory_space<vmem>>
      %dma_wait3A_122 = arith.constant 0 : i32
      %dma_wait3A_123 = tpu.memref_slice %arg17[%add3A_61, %dma_wait3A_122] : memref<10000x128xf32, #tpu.memory_space<vmem_shared>> -> memref<50x128xf32, #tpu.memory_space<vmem_shared>>
      %dma_wait3A_124 = arith.constant 0 : i32
      %dma_wait3A_125 = tpu.memref_slice %arg17[%add3A_61, %dma_wait3A_124] : memref<10000x128xf32, #tpu.memory_space<vmem_shared>> -> memref<50x128xf32, #tpu.memory_space<vmem_shared>>
      %dma_wait3A_126 = arith.constant 0 : i32
      %dma_wait3A_127 = arith.constant 0 : i32
      %dma_wait3A_128 = tpu.memref_slice %arg14[%run_scoped3A_62, %dma_wait3A_126, %dma_wait3A_127] : memref<2x50x128xf32, #tpu.memory_space<vmem>> -> memref<1x50x128xf32, #tpu.memory_space<vmem>>
      %dma_wait3A_129 = tpu.memref_squeeze %dma_wait3A_128 : memref<1x50x128xf32, #tpu.memory_space<vmem>> -> memref<50x128xf32, #tpu.memory_space<vmem>>
      tpu.wait_dma2 semaphore(%run_scoped3A_107 : memref<!tpu.dma_semaphore, #tpu.memory_space<semaphore_mem>>) src(%dma_wait3A_129 : memref<50x128xf32, #tpu.memory_space<vmem>>) dst(%dma_wait3A_125 : memref<50x128xf32, #tpu.memory_space<vmem_shared>>)
      tpu.yield
    }) : () -> ()
    %mul3A_63 = arith.constant 625 : i32
    %mul3A_64 = arith.muli %arg1, %mul3A_63 : i32
    %add3A_65 = arith.constant 550 : i32
    %add3A_66 = arith.addi %mul3A_64, %add3A_65 : i32
    %run_scoped3A_67 = arith.constant 0 : i32
    "tpu.region"() ({
      %run_scoped3A_107 = tpu.sem_alloc : memref<!tpu.dma_semaphore, #tpu.memory_space<semaphore_mem>>
      %dma_start3A = arith.constant 0 : i32
      %dma_start3A_108 = arith.constant 0 : i32
      %dma_start3A_109 = tpu.memref_slice %arg14[%run_scoped3A_67, %dma_start3A, %dma_start3A_108] : memref<2x50x128xf32, #tpu.memory_space<vmem>> -> memref<1x50x128xf32, #tpu.memory_space<vmem>>
      %dma_start3A_110 = tpu.memref_squeeze %dma_start3A_109 : memref<1x50x128xf32, #tpu.memory_space<vmem>> -> memref<50x128xf32, #tpu.memory_space<vmem>>
      %dma_start3A_111 = arith.constant 0 : i32
      %dma_start3A_112 = tpu.memref_slice %arg17[%add3A_66, %dma_start3A_111] : memref<10000x128xf32, #tpu.memory_space<vmem_shared>> -> memref<50x128xf32, #tpu.memory_space<vmem_shared>>
      %dma_start3A_113 = arith.constant 0 : i32
      %dma_start3A_114 = tpu.memref_slice %arg17[%add3A_66, %dma_start3A_113] : memref<10000x128xf32, #tpu.memory_space<vmem_shared>> -> memref<50x128xf32, #tpu.memory_space<vmem_shared>>
      %dma_start3A_115 = arith.constant 0 : i32
      %dma_start3A_116 = arith.constant 0 : i32
      %dma_start3A_117 = tpu.memref_slice %arg14[%run_scoped3A_67, %dma_start3A_115, %dma_start3A_116] : memref<2x50x128xf32, #tpu.memory_space<vmem>> -> memref<1x50x128xf32, #tpu.memory_space<vmem>>
      %dma_start3A_118 = tpu.memref_squeeze %dma_start3A_117 : memref<1x50x128xf32, #tpu.memory_space<vmem>> -> memref<50x128xf32, #tpu.memory_space<vmem>>
      tpu.enqueue_dma source(%dma_start3A_118 : memref<50x128xf32, #tpu.memory_space<vmem>>) target(%dma_start3A_114 : memref<50x128xf32, #tpu.memory_space<vmem_shared>>) target_semaphore(%run_scoped3A_107 : memref<!tpu.dma_semaphore, #tpu.memory_space<semaphore_mem>>)
      %dma_wait3A = arith.constant 0 : i32
      %dma_wait3A_119 = arith.constant 0 : i32
      %dma_wait3A_120 = tpu.memref_slice %arg14[%run_scoped3A_67, %dma_wait3A, %dma_wait3A_119] : memref<2x50x128xf32, #tpu.memory_space<vmem>> -> memref<1x50x128xf32, #tpu.memory_space<vmem>>
      %dma_wait3A_121 = tpu.memref_squeeze %dma_wait3A_120 : memref<1x50x128xf32, #tpu.memory_space<vmem>> -> memref<50x128xf32, #tpu.memory_space<vmem>>
      %dma_wait3A_122 = arith.constant 0 : i32
      %dma_wait3A_123 = tpu.memref_slice %arg17[%add3A_66, %dma_wait3A_122] : memref<10000x128xf32, #tpu.memory_space<vmem_shared>> -> memref<50x128xf32, #tpu.memory_space<vmem_shared>>
      %dma_wait3A_124 = arith.constant 0 : i32
      %dma_wait3A_125 = tpu.memref_slice %arg17[%add3A_66, %dma_wait3A_124] : memref<10000x128xf32, #tpu.memory_space<vmem_shared>> -> memref<50x128xf32, #tpu.memory_space<vmem_shared>>
      %dma_wait3A_126 = arith.constant 0 : i32
      %dma_wait3A_127 = arith.constant 0 : i32
      %dma_wait3A_128 = tpu.memref_slice %arg14[%run_scoped3A_67, %dma_wait3A_126, %dma_wait3A_127] : memref<2x50x128xf32, #tpu.memory_space<vmem>> -> memref<1x50x128xf32, #tpu.memory_space<vmem>>
      %dma_wait3A_129 = tpu.memref_squeeze %dma_wait3A_128 : memref<1x50x128xf32, #tpu.memory_space<vmem>> -> memref<50x128xf32, #tpu.memory_space<vmem>>
      tpu.wait_dma2 semaphore(%run_scoped3A_107 : memref<!tpu.dma_semaphore, #tpu.memory_space<semaphore_mem>>) src(%dma_wait3A_129 : memref<50x128xf32, #tpu.memory_space<vmem>>) dst(%dma_wait3A_125 : memref<50x128xf32, #tpu.memory_space<vmem_shared>>)
      tpu.yield
    }) : () -> ()
    %mul3A_68 = arith.constant 625 : i32
    %mul3A_69 = arith.muli %arg1, %mul3A_68 : i32
    %add3A_70 = arith.constant 600 : i32
    %add3A_71 = arith.addi %mul3A_69, %add3A_70 : i32
    %run_scoped3A_72 = arith.constant 0 : i32
    "tpu.region"() ({
      %run_scoped3A_107 = tpu.sem_alloc : memref<!tpu.dma_semaphore, #tpu.memory_space<semaphore_mem>>
      %dma_start3A = arith.constant 0 : i32
      %dma_start3A_108 = arith.constant 0 : i32
      %dma_start3A_109 = tpu.memref_slice %arg14[%run_scoped3A_72, %dma_start3A, %dma_start3A_108] : memref<2x50x128xf32, #tpu.memory_space<vmem>> -> memref<1x25x128xf32, #tpu.memory_space<vmem>>
      %dma_start3A_110 = tpu.memref_squeeze %dma_start3A_109 : memref<1x25x128xf32, #tpu.memory_space<vmem>> -> memref<25x128xf32, #tpu.memory_space<vmem>>
      %dma_start3A_111 = arith.constant 0 : i32
      %dma_start3A_112 = tpu.memref_slice %arg17[%add3A_71, %dma_start3A_111] : memref<10000x128xf32, #tpu.memory_space<vmem_shared>> -> memref<25x128xf32, #tpu.memory_space<vmem_shared>>
      %dma_start3A_113 = arith.constant 0 : i32
      %dma_start3A_114 = tpu.memref_slice %arg17[%add3A_71, %dma_start3A_113] : memref<10000x128xf32, #tpu.memory_space<vmem_shared>> -> memref<25x128xf32, #tpu.memory_space<vmem_shared>>
      %dma_start3A_115 = arith.constant 0 : i32
      %dma_start3A_116 = arith.constant 0 : i32
      %dma_start3A_117 = tpu.memref_slice %arg14[%run_scoped3A_72, %dma_start3A_115, %dma_start3A_116] : memref<2x50x128xf32, #tpu.memory_space<vmem>> -> memref<1x25x128xf32, #tpu.memory_space<vmem>>
      %dma_start3A_118 = tpu.memref_squeeze %dma_start3A_117 : memref<1x25x128xf32, #tpu.memory_space<vmem>> -> memref<25x128xf32, #tpu.memory_space<vmem>>
      tpu.enqueue_dma source(%dma_start3A_118 : memref<25x128xf32, #tpu.memory_space<vmem>>) target(%dma_start3A_114 : memref<25x128xf32, #tpu.memory_space<vmem_shared>>) target_semaphore(%run_scoped3A_107 : memref<!tpu.dma_semaphore, #tpu.memory_space<semaphore_mem>>)
      %dma_wait3A = arith.constant 0 : i32
      %dma_wait3A_119 = arith.constant 0 : i32
      %dma_wait3A_120 = tpu.memref_slice %arg14[%run_scoped3A_72, %dma_wait3A, %dma_wait3A_119] : memref<2x50x128xf32, #tpu.memory_space<vmem>> -> memref<1x25x128xf32, #tpu.memory_space<vmem>>
      %dma_wait3A_121 = tpu.memref_squeeze %dma_wait3A_120 : memref<1x25x128xf32, #tpu.memory_space<vmem>> -> memref<25x128xf32, #tpu.memory_space<vmem>>
      %dma_wait3A_122 = arith.constant 0 : i32
      %dma_wait3A_123 = tpu.memref_slice %arg17[%add3A_71, %dma_wait3A_122] : memref<10000x128xf32, #tpu.memory_space<vmem_shared>> -> memref<25x128xf32, #tpu.memory_space<vmem_shared>>
      %dma_wait3A_124 = arith.constant 0 : i32
      %dma_wait3A_125 = tpu.memref_slice %arg17[%add3A_71, %dma_wait3A_124] : memref<10000x128xf32, #tpu.memory_space<vmem_shared>> -> memref<25x128xf32, #tpu.memory_space<vmem_shared>>
      %dma_wait3A_126 = arith.constant 0 : i32
      %dma_wait3A_127 = arith.constant 0 : i32
      %dma_wait3A_128 = tpu.memref_slice %arg14[%run_scoped3A_72, %dma_wait3A_126, %dma_wait3A_127] : memref<2x50x128xf32, #tpu.memory_space<vmem>> -> memref<1x25x128xf32, #tpu.memory_space<vmem>>
      %dma_wait3A_129 = tpu.memref_squeeze %dma_wait3A_128 : memref<1x25x128xf32, #tpu.memory_space<vmem>> -> memref<25x128xf32, #tpu.memory_space<vmem>>
      tpu.wait_dma2 semaphore(%run_scoped3A_107 : memref<!tpu.dma_semaphore, #tpu.memory_space<semaphore_mem>>) src(%dma_wait3A_129 : memref<25x128xf32, #tpu.memory_space<vmem>>) dst(%dma_wait3A_125 : memref<25x128xf32, #tpu.memory_space<vmem_shared>>)
      tpu.yield
    }) : () -> ()
    %eq3A_73 = arith.constant 0 : i32
    %eq3A_74 = arith.cmpi eq, %arg0, %eq3A_73 : i32
    %convert_element_type3A = arith.extui %eq3A_74 : i1 to i32
    %cond3A = arith.constant 0 : i32
    %cond3A_75 = arith.cmpi ne, %convert_element_type3A, %cond3A : i32
    scf.if %cond3A_75 {
      %scan3A_107 = arith.constant 0 : i32
      %scan3A_108 = arith.constant 0 : i32
      %scan3A_109 = arith.constant 12 : i32
      %scan3A_110 = arith.addi %scan3A_108, %scan3A_109 : i32
      %scan3A_111 = arith.constant 1 : i32
      scf.for %scan3A_118 = %scan3A_108 to %scan3A_110 step %scan3A_111  : i32 {
        %mul3A_119 = arith.constant 625 : i32
        %mul3A_120 = arith.muli %arg1, %mul3A_119 : i32
        %mul3A_121 = arith.constant 50 : i32
        %mul3A_122 = arith.muli %scan3A_118, %mul3A_121 : i32
        %add3A_123 = arith.addi %mul3A_120, %mul3A_122 : i32
        %run_scoped3A_124 = arith.constant 0 : i32
        "tpu.region"() ({
          %run_scoped3A_125 = tpu.sem_alloc : memref<!tpu.dma_semaphore, #tpu.memory_space<semaphore_mem>>
          %dma_start3A = arith.constant 0 : i32
          %dma_start3A_126 = arith.constant 0 : i32
          %dma_start3A_127 = tpu.memref_slice %arg14[%run_scoped3A_124, %dma_start3A, %dma_start3A_126] : memref<2x50x128xf32, #tpu.memory_space<vmem>> -> memref<1x50x16xf32, #tpu.memory_space<vmem>>
          %dma_start3A_128 = tpu.memref_squeeze %dma_start3A_127 : memref<1x50x16xf32, #tpu.memory_space<vmem>> -> memref<50x16xf32, #tpu.memory_space<vmem>>
          %dma_start3A_129 = arith.constant 0 : i32
          %dma_start3A_130 = tpu.memref_slice %arg18[%add3A_123, %dma_start3A_129] : memref<10000x16xf32, #tpu.memory_space<vmem_shared>> -> memref<50x16xf32, #tpu.memory_space<vmem_shared>>
          %dma_start3A_131 = arith.constant 0 : i32
          %dma_start3A_132 = tpu.memref_slice %arg18[%add3A_123, %dma_start3A_131] : memref<10000x16xf32, #tpu.memory_space<vmem_shared>> -> memref<50x16xf32, #tpu.memory_space<vmem_shared>>
          %dma_start3A_133 = arith.constant 0 : i32
          %dma_start3A_134 = arith.constant 0 : i32
          %dma_start3A_135 = tpu.memref_slice %arg14[%run_scoped3A_124, %dma_start3A_133, %dma_start3A_134] : memref<2x50x128xf32, #tpu.memory_space<vmem>> -> memref<1x50x16xf32, #tpu.memory_space<vmem>>
          %dma_start3A_136 = tpu.memref_squeeze %dma_start3A_135 : memref<1x50x16xf32, #tpu.memory_space<vmem>> -> memref<50x16xf32, #tpu.memory_space<vmem>>
          tpu.enqueue_dma source(%dma_start3A_136 : memref<50x16xf32, #tpu.memory_space<vmem>>) target(%dma_start3A_132 : memref<50x16xf32, #tpu.memory_space<vmem_shared>>) target_semaphore(%run_scoped3A_125 : memref<!tpu.dma_semaphore, #tpu.memory_space<semaphore_mem>>)
          %dma_wait3A = arith.constant 0 : i32
          %dma_wait3A_137 = arith.constant 0 : i32
          %dma_wait3A_138 = tpu.memref_slice %arg14[%run_scoped3A_124, %dma_wait3A, %dma_wait3A_137] : memref<2x50x128xf32, #tpu.memory_space<vmem>> -> memref<1x50x16xf32, #tpu.memory_space<vmem>>
          %dma_wait3A_139 = tpu.memref_squeeze %dma_wait3A_138 : memref<1x50x16xf32, #tpu.memory_space<vmem>> -> memref<50x16xf32, #tpu.memory_space<vmem>>
          %dma_wait3A_140 = arith.constant 0 : i32
          %dma_wait3A_141 = tpu.memref_slice %arg18[%add3A_123, %dma_wait3A_140] : memref<10000x16xf32, #tpu.memory_space<vmem_shared>> -> memref<50x16xf32, #tpu.memory_space<vmem_shared>>
          %dma_wait3A_142 = arith.constant 0 : i32
          %dma_wait3A_143 = tpu.memref_slice %arg18[%add3A_123, %dma_wait3A_142] : memref<10000x16xf32, #tpu.memory_space<vmem_shared>> -> memref<50x16xf32, #tpu.memory_space<vmem_shared>>
          %dma_wait3A_144 = arith.constant 0 : i32
          %dma_wait3A_145 = arith.constant 0 : i32
          %dma_wait3A_146 = tpu.memref_slice %arg14[%run_scoped3A_124, %dma_wait3A_144, %dma_wait3A_145] : memref<2x50x128xf32, #tpu.memory_space<vmem>> -> memref<1x50x16xf32, #tpu.memory_space<vmem>>
          %dma_wait3A_147 = tpu.memref_squeeze %dma_wait3A_146 : memref<1x50x16xf32, #tpu.memory_space<vmem>> -> memref<50x16xf32, #tpu.memory_space<vmem>>
          tpu.wait_dma2 semaphore(%run_scoped3A_125 : memref<!tpu.dma_semaphore, #tpu.memory_space<semaphore_mem>>) src(%dma_wait3A_147 : memref<50x16xf32, #tpu.memory_space<vmem>>) dst(%dma_wait3A_143 : memref<50x16xf32, #tpu.memory_space<vmem_shared>>)
          tpu.yield
        }) : () -> ()
      }
      %scan3A_112 = arith.constant 12 : i32
      %mul3A_113 = arith.constant 625 : i32
      %mul3A_114 = arith.muli %arg1, %mul3A_113 : i32
      %add3A_115 = arith.constant 600 : i32
      %add3A_116 = arith.addi %mul3A_114, %add3A_115 : i32
      %run_scoped3A_117 = arith.constant 0 : i32
      "tpu.region"() ({
        %run_scoped3A_118 = tpu.sem_alloc : memref<!tpu.dma_semaphore, #tpu.memory_space<semaphore_mem>>
        %dma_start3A = arith.constant 0 : i32
        %dma_start3A_119 = arith.constant 0 : i32
        %dma_start3A_120 = tpu.memref_slice %arg14[%run_scoped3A_117, %dma_start3A, %dma_start3A_119] : memref<2x50x128xf32, #tpu.memory_space<vmem>> -> memref<1x25x16xf32, #tpu.memory_space<vmem>>
        %dma_start3A_121 = tpu.memref_squeeze %dma_start3A_120 : memref<1x25x16xf32, #tpu.memory_space<vmem>> -> memref<25x16xf32, #tpu.memory_space<vmem>>
        %dma_start3A_122 = arith.constant 0 : i32
        %dma_start3A_123 = tpu.memref_slice %arg18[%add3A_116, %dma_start3A_122] : memref<10000x16xf32, #tpu.memory_space<vmem_shared>> -> memref<25x16xf32, #tpu.memory_space<vmem_shared>>
        %dma_start3A_124 = arith.constant 0 : i32
        %dma_start3A_125 = tpu.memref_slice %arg18[%add3A_116, %dma_start3A_124] : memref<10000x16xf32, #tpu.memory_space<vmem_shared>> -> memref<25x16xf32, #tpu.memory_space<vmem_shared>>
        %dma_start3A_126 = arith.constant 0 : i32
        %dma_start3A_127 = arith.constant 0 : i32
        %dma_start3A_128 = tpu.memref_slice %arg14[%run_scoped3A_117, %dma_start3A_126, %dma_start3A_127] : memref<2x50x128xf32, #tpu.memory_space<vmem>> -> memref<1x25x16xf32, #tpu.memory_space<vmem>>
        %dma_start3A_129 = tpu.memref_squeeze %dma_start3A_128 : memref<1x25x16xf32, #tpu.memory_space<vmem>> -> memref<25x16xf32, #tpu.memory_space<vmem>>
        tpu.enqueue_dma source(%dma_start3A_129 : memref<25x16xf32, #tpu.memory_space<vmem>>) target(%dma_start3A_125 : memref<25x16xf32, #tpu.memory_space<vmem_shared>>) target_semaphore(%run_scoped3A_118 : memref<!tpu.dma_semaphore, #tpu.memory_space<semaphore_mem>>)
        %dma_wait3A = arith.constant 0 : i32
        %dma_wait3A_130 = arith.constant 0 : i32
        %dma_wait3A_131 = tpu.memref_slice %arg14[%run_scoped3A_117, %dma_wait3A, %dma_wait3A_130] : memref<2x50x128xf32, #tpu.memory_space<vmem>> -> memref<1x25x16xf32, #tpu.memory_space<vmem>>
        %dma_wait3A_132 = tpu.memref_squeeze %dma_wait3A_131 : memref<1x25x16xf32, #tpu.memory_space<vmem>> -> memref<25x16xf32, #tpu.memory_space<vmem>>
        %dma_wait3A_133 = arith.constant 0 : i32
        %dma_wait3A_134 = tpu.memref_slice %arg18[%add3A_116, %dma_wait3A_133] : memref<10000x16xf32, #tpu.memory_space<vmem_shared>> -> memref<25x16xf32, #tpu.memory_space<vmem_shared>>
        %dma_wait3A_135 = arith.constant 0 : i32
        %dma_wait3A_136 = tpu.memref_slice %arg18[%add3A_116, %dma_wait3A_135] : memref<10000x16xf32, #tpu.memory_space<vmem_shared>> -> memref<25x16xf32, #tpu.memory_space<vmem_shared>>
        %dma_wait3A_137 = arith.constant 0 : i32
        %dma_wait3A_138 = arith.constant 0 : i32
        %dma_wait3A_139 = tpu.memref_slice %arg14[%run_scoped3A_117, %dma_wait3A_137, %dma_wait3A_138] : memref<2x50x128xf32, #tpu.memory_space<vmem>> -> memref<1x25x16xf32, #tpu.memory_space<vmem>>
        %dma_wait3A_140 = tpu.memref_squeeze %dma_wait3A_139 : memref<1x25x16xf32, #tpu.memory_space<vmem>> -> memref<25x16xf32, #tpu.memory_space<vmem>>
        tpu.wait_dma2 semaphore(%run_scoped3A_118 : memref<!tpu.dma_semaphore, #tpu.memory_space<semaphore_mem>>) src(%dma_wait3A_140 : memref<25x16xf32, #tpu.memory_space<vmem>>) dst(%dma_wait3A_136 : memref<25x16xf32, #tpu.memory_space<vmem_shared>>)
        tpu.yield
      }) : () -> ()
    } else {
    }
    %barrier3A = arith.constant 0 : index
    tpu.barrier barrier_id(%barrier3A)
    %get3A = arith.constant 0 : index
    %get3A_76 = tpu.vector_load %arg16[%get3A] {strides = array<i32>} : memref<128xf32, #tpu.memory_space<vmem>>, vector<16xf32>,
    %get3A_77 = arith.constant 16 : index
    %get3A_78 = tpu.vector_load %arg16[%get3A_77] {strides = array<i32>} : memref<128xf32, #tpu.memory_space<vmem>>, vector<16xf32>,
    %get3A_79 = arith.constant 32 : index
    %get3A_80 = tpu.vector_load %arg16[%get3A_79] {strides = array<i32>} : memref<128xf32, #tpu.memory_space<vmem>>, vector<16xf32>,
    %get3A_81 = arith.constant 48 : index
    %get3A_82 = tpu.vector_load %arg16[%get3A_81] {strides = array<i32>} : memref<128xf32, #tpu.memory_space<vmem>>, vector<16xf32>,
    %get3A_83 = arith.constant 64 : index
    %get3A_84 = tpu.vector_load %arg16[%get3A_83] {strides = array<i32>} : memref<128xf32, #tpu.memory_space<vmem>>, vector<16xf32>,
    %get3A_85 = arith.constant 80 : index
    %get3A_86 = tpu.vector_load %arg16[%get3A_85] {strides = array<i32>} : memref<128xf32, #tpu.memory_space<vmem>>, vector<16xf32>,
    %get3A_87 = arith.constant 96 : index
    %get3A_88 = tpu.vector_load %arg16[%get3A_87] {strides = array<i32>} : memref<128xf32, #tpu.memory_space<vmem>>, vector<16xf32>,
    %get3A_89 = arith.constant 112 : index
    %get3A_90 = tpu.vector_load %arg16[%get3A_89] {strides = array<i32>} : memref<128xf32, #tpu.memory_space<vmem>>, vector<16xf32>,
    %scan3A_91 = arith.constant 0 : i32
    %scan3A_92 = arith.constant 0 : i32
    %scan3A_93 = arith.constant 10 : i32
    %scan3A_94 = arith.addi %scan3A_92, %scan3A_93 : i32
    %scan3A_95 = arith.constant 1 : i32
    scf.for %scan3A_107 = %scan3A_92 to %scan3A_94 step %scan3A_95  : i32 {
      "tpu.region"() ({
        %run_scoped3A_152 = tpu.sem_alloc : memref<!tpu.dma_semaphore, #tpu.memory_space<semaphore_mem>>
        %dma_start3A = arith.constant 0 : i32
        %dma_start3A_153 = arith.constant 0 : i32
        %dma_start3A_154 = tpu.memref_slice %arg4[%arg1, %scan3A_107, %dma_start3A, %dma_start3A_153] : memref<16x10x20x50xi32, #tpu.memory_space<hbm>> -> memref<1x1x20x50xi32, #tpu.memory_space<hbm>>
        %dma_start3A_155 = tpu.memref_squeeze %dma_start3A_154 : memref<1x1x20x50xi32, #tpu.memory_space<hbm>> -> memref<20x50xi32, #tpu.memory_space<hbm>>
        %dma_start3A_156 = arith.constant 0 : i32
        %dma_start3A_157 = arith.constant 0 : i32
        %dma_start3A_158 = tpu.memref_slice %arg4[%arg1, %scan3A_107, %dma_start3A_156, %dma_start3A_157] : memref<16x10x20x50xi32, #tpu.memory_space<hbm>> -> memref<1x1x20x50xi32, #tpu.memory_space<hbm>>
        %dma_start3A_159 = tpu.memref_squeeze %dma_start3A_158 : memref<1x1x20x50xi32, #tpu.memory_space<hbm>> -> memref<20x50xi32, #tpu.memory_space<hbm>>
        tpu.enqueue_dma source(%dma_start3A_159 : memref<20x50xi32, #tpu.memory_space<hbm>>) target(%arg10 : memref<20x50xi32, #tpu.memory_space<vmem>>) target_semaphore(%run_scoped3A_152 : memref<!tpu.dma_semaphore, #tpu.memory_space<semaphore_mem>>)
        %dma_wait3A_160 = arith.constant 0 : i32
        %dma_wait3A_161 = arith.constant 0 : i32
        %dma_wait3A_162 = tpu.memref_slice %arg4[%arg1, %scan3A_107, %dma_wait3A_160, %dma_wait3A_161] : memref<16x10x20x50xi32, #tpu.memory_space<hbm>> -> memref<1x1x20x50xi32, #tpu.memory_space<hbm>>
        %dma_wait3A_163 = tpu.memref_squeeze %dma_wait3A_162 : memref<1x1x20x50xi32, #tpu.memory_space<hbm>> -> memref<20x50xi32, #tpu.memory_space<hbm>>
        %dma_wait3A_164 = arith.constant 0 : i32
        %dma_wait3A_165 = arith.constant 0 : i32
        %dma_wait3A_166 = tpu.memref_slice %arg4[%arg1, %scan3A_107, %dma_wait3A_164, %dma_wait3A_165] : memref<16x10x20x50xi32, #tpu.memory_space<hbm>> -> memref<1x1x20x50xi32, #tpu.memory_space<hbm>>
        %dma_wait3A_167 = tpu.memref_squeeze %dma_wait3A_166 : memref<1x1x20x50xi32, #tpu.memory_space<hbm>> -> memref<20x50xi32, #tpu.memory_space<hbm>>
        tpu.wait_dma2 semaphore(%run_scoped3A_152 : memref<!tpu.dma_semaphore, #tpu.memory_space<semaphore_mem>>) src(%dma_wait3A_167 : memref<20x50xi32, #tpu.memory_space<hbm>>) dst(%arg10 : memref<20x50xi32, #tpu.memory_space<vmem>>)
        tpu.yield
      }) : () -> ()
      "tpu.region"() ({
        %run_scoped3A_152 = tpu.sem_alloc : memref<!tpu.dma_semaphore, #tpu.memory_space<semaphore_mem>>
        %dma_start3A = arith.constant 0 : i32
        %dma_start3A_153 = arith.constant 0 : i32
        %dma_start3A_154 = tpu.memref_slice %arg5[%arg1, %scan3A_107, %dma_start3A, %dma_start3A_153] : memref<16x10x20x50xi32, #tpu.memory_space<hbm>> -> memref<1x1x20x50xi32, #tpu.memory_space<hbm>>
        %dma_start3A_155 = tpu.memref_squeeze %dma_start3A_154 : memref<1x1x20x50xi32, #tpu.memory_space<hbm>> -> memref<20x50xi32, #tpu.memory_space<hbm>>
        %dma_start3A_156 = arith.constant 0 : i32
        %dma_start3A_157 = arith.constant 0 : i32
        %dma_start3A_158 = tpu.memref_slice %arg5[%arg1, %scan3A_107, %dma_start3A_156, %dma_start3A_157] : memref<16x10x20x50xi32, #tpu.memory_space<hbm>> -> memref<1x1x20x50xi32, #tpu.memory_space<hbm>>
        %dma_start3A_159 = tpu.memref_squeeze %dma_start3A_158 : memref<1x1x20x50xi32, #tpu.memory_space<hbm>> -> memref<20x50xi32, #tpu.memory_space<hbm>>
        tpu.enqueue_dma source(%dma_start3A_159 : memref<20x50xi32, #tpu.memory_space<hbm>>) target(%arg11 : memref<20x50xi32, #tpu.memory_space<vmem>>) target_semaphore(%run_scoped3A_152 : memref<!tpu.dma_semaphore, #tpu.memory_space<semaphore_mem>>)
        %dma_wait3A_160 = arith.constant 0 : i32
        %dma_wait3A_161 = arith.constant 0 : i32
        %dma_wait3A_162 = tpu.memref_slice %arg5[%arg1, %scan3A_107, %dma_wait3A_160, %dma_wait3A_161] : memref<16x10x20x50xi32, #tpu.memory_space<hbm>> -> memref<1x1x20x50xi32, #tpu.memory_space<hbm>>
        %dma_wait3A_163 = tpu.memref_squeeze %dma_wait3A_162 : memref<1x1x20x50xi32, #tpu.memory_space<hbm>> -> memref<20x50xi32, #tpu.memory_space<hbm>>
        %dma_wait3A_164 = arith.constant 0 : i32
        %dma_wait3A_165 = arith.constant 0 : i32
        %dma_wait3A_166 = tpu.memref_slice %arg5[%arg1, %scan3A_107, %dma_wait3A_164, %dma_wait3A_165] : memref<16x10x20x50xi32, #tpu.memory_space<hbm>> -> memref<1x1x20x50xi32, #tpu.memory_space<hbm>>
        %dma_wait3A_167 = tpu.memref_squeeze %dma_wait3A_166 : memref<1x1x20x50xi32, #tpu.memory_space<hbm>> -> memref<20x50xi32, #tpu.memory_space<hbm>>
        tpu.wait_dma2 semaphore(%run_scoped3A_152 : memref<!tpu.dma_semaphore, #tpu.memory_space<semaphore_mem>>) src(%dma_wait3A_167 : memref<20x50xi32, #tpu.memory_space<hbm>>) dst(%arg11 : memref<20x50xi32, #tpu.memory_space<vmem>>)
        tpu.yield
      }) : () -> ()
      "tpu.region"() ({
        %run_scoped3A_152 = tpu.sem_alloc : memref<!tpu.dma_semaphore, #tpu.memory_space<semaphore_mem>>
        %dma_start3A = arith.constant 0 : i32
        %dma_start3A_153 = arith.constant 0 : i32
        %dma_start3A_154 = tpu.memref_slice %arg6[%arg1, %scan3A_107, %dma_start3A, %dma_start3A_153] : memref<16x10x20x50xf32, #tpu.memory_space<hbm>> -> memref<1x1x20x50xf32, #tpu.memory_space<hbm>>
        %dma_start3A_155 = tpu.memref_squeeze %dma_start3A_154 : memref<1x1x20x50xf32, #tpu.memory_space<hbm>> -> memref<20x50xf32, #tpu.memory_space<hbm>>
        %dma_start3A_156 = arith.constant 0 : i32
        %dma_start3A_157 = arith.constant 0 : i32
        %dma_start3A_158 = tpu.memref_slice %arg6[%arg1, %scan3A_107, %dma_start3A_156, %dma_start3A_157] : memref<16x10x20x50xf32, #tpu.memory_space<hbm>> -> memref<1x1x20x50xf32, #tpu.memory_space<hbm>>
        %dma_start3A_159 = tpu.memref_squeeze %dma_start3A_158 : memref<1x1x20x50xf32, #tpu.memory_space<hbm>> -> memref<20x50xf32, #tpu.memory_space<hbm>>
        tpu.enqueue_dma source(%dma_start3A_159 : memref<20x50xf32, #tpu.memory_space<hbm>>) target(%arg12 : memref<20x50xf32, #tpu.memory_space<vmem>>) target_semaphore(%run_scoped3A_152 : memref<!tpu.dma_semaphore, #tpu.memory_space<semaphore_mem>>)
        %dma_wait3A_160 = arith.constant 0 : i32
        %dma_wait3A_161 = arith.constant 0 : i32
        %dma_wait3A_162 = tpu.memref_slice %arg6[%arg1, %scan3A_107, %dma_wait3A_160, %dma_wait3A_161] : memref<16x10x20x50xf32, #tpu.memory_space<hbm>> -> memref<1x1x20x50xf32, #tpu.memory_space<hbm>>
        %dma_wait3A_163 = tpu.memref_squeeze %dma_wait3A_162 : memref<1x1x20x50xf32, #tpu.memory_space<hbm>> -> memref<20x50xf32, #tpu.memory_space<hbm>>
        %dma_wait3A_164 = arith.constant 0 : i32
        %dma_wait3A_165 = arith.constant 0 : i32
        %dma_wait3A_166 = tpu.memref_slice %arg6[%arg1, %scan3A_107, %dma_wait3A_164, %dma_wait3A_165] : memref<16x10x20x50xf32, #tpu.memory_space<hbm>> -> memref<1x1x20x50xf32, #tpu.memory_space<hbm>>
        %dma_wait3A_167 = tpu.memref_squeeze %dma_wait3A_166 : memref<1x1x20x50xf32, #tpu.memory_space<hbm>> -> memref<20x50xf32, #tpu.memory_space<hbm>>
        tpu.wait_dma2 semaphore(%run_scoped3A_152 : memref<!tpu.dma_semaphore, #tpu.memory_space<semaphore_mem>>) src(%dma_wait3A_167 : memref<20x50xf32, #tpu.memory_space<hbm>>) dst(%arg12 : memref<20x50xf32, #tpu.memory_space<vmem>>)
        tpu.yield
      }) : () -> ()
      %eq3A_108 = arith.constant 0 : i32
      %eq3A_109 = arith.cmpi eq, %arg0, %eq3A_108 : i32
      %convert_element_type3A_110 = arith.extui %eq3A_109 : i1 to i32
      %cond3A_111 = arith.constant 0 : i32
      %cond3A_112 = arith.cmpi ne, %convert_element_type3A_110, %cond3A_111 : i32
      scf.if %cond3A_112 {
        %dma_start3A = arith.constant 0 : i32
        %dma_start3A_152 = arith.constant 0 : i32
        %dma_start3A_153 = arith.constant 0 : i32
        %dma_start3A_154 = arith.constant 0 : i32
        %dma_start3A_155 = tpu.memref_slice %arg13[%dma_start3A_152, %dma_start3A_153, %dma_start3A_154] : memref<2x50x128xbf16, #tpu.memory_space<vmem>> -> memref<1x50x128xbf16, #tpu.memory_space<vmem>>
        %dma_start3A_156 = tpu.memref_squeeze %dma_start3A_155 : memref<1x50x128xbf16, #tpu.memory_space<vmem>> -> memref<50x128xbf16, #tpu.memory_space<vmem>>
        %dma_start3A_157 = arith.constant 0 : i32
        %dma_start3A_158 = tpu.memref_slice %arg10[%dma_start3A, %dma_start3A_157] : memref<20x50xi32, #tpu.memory_space<vmem>> -> memref<1x50xi32, #tpu.memory_space<vmem>>
        %dma_start3A_159 = tpu.memref_squeeze %dma_start3A_158 : memref<1x50xi32, #tpu.memory_space<vmem>> -> memref<50xi32, #tpu.memory_space<vmem>>
        %dma_start3A_160 = arith.constant 0 : i32
        %dma_start3A_161 = arith.constant 0 : i32
        %dma_start3A_162 = tpu.memref_slice %arg2[%dma_start3A_160, %dma_start3A_161] : memref<10000x128xbf16, #tpu.memory_space<hbm>> -> memref<10000x128xbf16, #tpu.memory_space<hbm>>
        tpu.enqueue_indirect_dma source(%dma_start3A_162 : memref<10000x128xbf16, #tpu.memory_space<hbm>>) target(%dma_start3A_156 : memref<50x128xbf16, #tpu.memory_space<vmem>>) offsets(%dma_start3A_159 : memref<50xi32, #tpu.memory_space<vmem>>) semaphore(%arg19 : memref<!tpu.dma_semaphore, #tpu.memory_space<semaphore_mem>>)
      } else {
      }
      %eq3A_113 = arith.constant 1 : i32
      %eq3A_114 = arith.cmpi eq, %arg0, %eq3A_113 : i32
      %convert_element_type3A_115 = arith.extui %eq3A_114 : i1 to i32
      %cond3A_116 = arith.constant 0 : i32
      %cond3A_117 = arith.cmpi ne, %convert_element_type3A_115, %cond3A_116 : i32
      scf.if %cond3A_117 {
        %dma_start3A = arith.constant 0 : i32
        %dma_start3A_152 = arith.constant 0 : i32
        %dma_start3A_153 = arith.constant 0 : i32
        %dma_start3A_154 = arith.constant 0 : i32
        %dma_start3A_155 = tpu.memref_slice %arg13[%dma_start3A_152, %dma_start3A_153, %dma_start3A_154] : memref<2x50x128xbf16, #tpu.memory_space<vmem>> -> memref<1x50x128xbf16, #tpu.memory_space<vmem>>
        %dma_start3A_156 = tpu.memref_squeeze %dma_start3A_155 : memref<1x50x128xbf16, #tpu.memory_space<vmem>> -> memref<50x128xbf16, #tpu.memory_space<vmem>>
        %dma_start3A_157 = arith.constant 0 : i32
        %dma_start3A_158 = tpu.memref_slice %arg10[%dma_start3A, %dma_start3A_157] : memref<20x50xi32, #tpu.memory_space<vmem>> -> memref<1x50xi32, #tpu.memory_space<vmem>>
        %dma_start3A_159 = tpu.memref_squeeze %dma_start3A_158 : memref<1x50xi32, #tpu.memory_space<vmem>> -> memref<50xi32, #tpu.memory_space<vmem>>
        %dma_start3A_160 = arith.constant 0 : i32
        %dma_start3A_161 = arith.constant 0 : i32
        %dma_start3A_162 = tpu.memref_slice %arg3[%dma_start3A_160, %dma_start3A_161] : memref<10000x128xbf16, #tpu.memory_space<hbm>> -> memref<10000x128xbf16, #tpu.memory_space<hbm>>
        tpu.enqueue_indirect_dma source(%dma_start3A_162 : memref<10000x128xbf16, #tpu.memory_space<hbm>>) target(%dma_start3A_156 : memref<50x128xbf16, #tpu.memory_space<vmem>>) offsets(%dma_start3A_159 : memref<50xi32, #tpu.memory_space<vmem>>) semaphore(%arg19 : memref<!tpu.dma_semaphore, #tpu.memory_space<semaphore_mem>>)
      } else {
      }
      %scan3A_118 = arith.constant 0 : i32
      %scan3A_119 = arith.constant 0 : i32
      %scan3A_120 = arith.constant 10 : i32
      %scan3A_121 = arith.addi %scan3A_119, %scan3A_120 : i32
      %scan3A_122 = arith.constant 1 : i32
      scf.for %scan3A_152 = %scan3A_119 to %scan3A_121 step %scan3A_122  : i32 {
        %mul3A_153 = arith.constant 2 : i32
        %mul3A_154 = arith.muli %scan3A_152, %mul3A_153 : i32
        %add3A_155 = arith.constant 1 : i32
        %add3A_156 = arith.addi %mul3A_154, %add3A_155 : i32
        %eq3A_157 = arith.constant 0 : i32
        %eq3A_158 = arith.cmpi eq, %arg0, %eq3A_157 : i32
        %convert_element_type3A_159 = arith.extui %eq3A_158 : i1 to i32
        %cond3A_160 = arith.constant 0 : i32
        %cond3A_161 = arith.cmpi ne, %convert_element_type3A_159, %cond3A_160 : i32
        scf.if %cond3A_161 {
          %dma_start3A_233 = arith.constant 1 : i32
          %dma_start3A_234 = arith.constant 0 : i32
          %dma_start3A_235 = arith.constant 0 : i32
          %dma_start3A_236 = tpu.memref_slice %arg13[%dma_start3A_233, %dma_start3A_234, %dma_start3A_235] : memref<2x50x128xbf16, #tpu.memory_space<vmem>> -> memref<1x50x128xbf16, #tpu.memory_space<vmem>>
          %dma_start3A_237 = tpu.memref_squeeze %dma_start3A_236 : memref<1x50x128xbf16, #tpu.memory_space<vmem>> -> memref<50x128xbf16, #tpu.memory_space<vmem>>
          %dma_start3A_238 = arith.constant 0 : i32
          %dma_start3A_239 = tpu.memref_slice %arg10[%add3A_156, %dma_start3A_238] : memref<20x50xi32, #tpu.memory_space<vmem>> -> memref<1x50xi32, #tpu.memory_space<vmem>>
          %dma_start3A_240 = tpu.memref_squeeze %dma_start3A_239 : memref<1x50xi32, #tpu.memory_space<vmem>> -> memref<50xi32, #tpu.memory_space<vmem>>
          %dma_start3A_241 = arith.constant 0 : i32
          %dma_start3A_242 = arith.constant 0 : i32
          %dma_start3A_243 = tpu.memref_slice %arg2[%dma_start3A_241, %dma_start3A_242] : memref<10000x128xbf16, #tpu.memory_space<hbm>> -> memref<10000x128xbf16, #tpu.memory_space<hbm>>
          tpu.enqueue_indirect_dma source(%dma_start3A_243 : memref<10000x128xbf16, #tpu.memory_space<hbm>>) target(%dma_start3A_237 : memref<50x128xbf16, #tpu.memory_space<vmem>>) offsets(%dma_start3A_240 : memref<50xi32, #tpu.memory_space<vmem>>) semaphore(%arg20 : memref<!tpu.dma_semaphore, #tpu.memory_space<semaphore_mem>>)
        } else {
        }
        %eq3A_162 = arith.constant 1 : i32
        %eq3A_163 = arith.cmpi eq, %arg0, %eq3A_162 : i32
        %convert_element_type3A_164 = arith.extui %eq3A_163 : i1 to i32
        %cond3A_165 = arith.constant 0 : i32
        %cond3A_166 = arith.cmpi ne, %convert_element_type3A_164, %cond3A_165 : i32
        scf.if %cond3A_166 {
          %dma_start3A_233 = arith.constant 1 : i32
          %dma_start3A_234 = arith.constant 0 : i32
          %dma_start3A_235 = arith.constant 0 : i32
          %dma_start3A_236 = tpu.memref_slice %arg13[%dma_start3A_233, %dma_start3A_234, %dma_start3A_235] : memref<2x50x128xbf16, #tpu.memory_space<vmem>> -> memref<1x50x128xbf16, #tpu.memory_space<vmem>>
          %dma_start3A_237 = tpu.memref_squeeze %dma_start3A_236 : memref<1x50x128xbf16, #tpu.memory_space<vmem>> -> memref<50x128xbf16, #tpu.memory_space<vmem>>
          %dma_start3A_238 = arith.constant 0 : i32
          %dma_start3A_239 = tpu.memref_slice %arg10[%add3A_156, %dma_start3A_238] : memref<20x50xi32, #tpu.memory_space<vmem>> -> memref<1x50xi32, #tpu.memory_space<vmem>>
          %dma_start3A_240 = tpu.memref_squeeze %dma_start3A_239 : memref<1x50xi32, #tpu.memory_space<vmem>> -> memref<50xi32, #tpu.memory_space<vmem>>
          %dma_start3A_241 = arith.constant 0 : i32
          %dma_start3A_242 = arith.constant 0 : i32
          %dma_start3A_243 = tpu.memref_slice %arg3[%dma_start3A_241, %dma_start3A_242] : memref<10000x128xbf16, #tpu.memory_space<hbm>> -> memref<10000x128xbf16, #tpu.memory_space<hbm>>
          tpu.enqueue_indirect_dma source(%dma_start3A_243 : memref<10000x128xbf16, #tpu.memory_space<hbm>>) target(%dma_start3A_237 : memref<50x128xbf16, #tpu.memory_space<vmem>>) offsets(%dma_start3A_240 : memref<50xi32, #tpu.memory_space<vmem>>) semaphore(%arg20 : memref<!tpu.dma_semaphore, #tpu.memory_space<semaphore_mem>>)
        } else {
        }
        %eq3A_167 = arith.constant 0 : i32
        %eq3A_168 = arith.cmpi eq, %arg0, %eq3A_167 : i32
        %convert_element_type3A_169 = arith.extui %eq3A_168 : i1 to i32
        %cond3A_170 = arith.constant 0 : i32
        %cond3A_171 = arith.cmpi ne, %convert_element_type3A_169, %cond3A_170 : i32
        scf.if %cond3A_171 {
          %dma_start3A_233 = arith.constant 0 : i32
          %dma_start3A_234 = tpu.memref_slice %arg11[%mul3A_154, %dma_start3A_233] : memref<20x50xi32, #tpu.memory_space<vmem>> -> memref<1x50xi32, #tpu.memory_space<vmem>>
          %dma_start3A_235 = tpu.memref_squeeze %dma_start3A_234 : memref<1x50xi32, #tpu.memory_space<vmem>> -> memref<50xi32, #tpu.memory_space<vmem>>
          %dma_start3A_236 = arith.constant 0 : i32
          %dma_start3A_237 = arith.constant 0 : i32
          %dma_start3A_238 = tpu.memref_slice %arg18[%dma_start3A_236, %dma_start3A_237] : memref<10000x16xf32, #tpu.memory_space<vmem_shared>> -> memref<10000x16xf32, #tpu.memory_space<vmem_shared>>
          tpu.enqueue_indirect_dma source(%arg15 : memref<50x16xf32, #tpu.memory_space<vmem>>) target(%dma_start3A_238 : memref<10000x16xf32, #tpu.memory_space<vmem_shared>>) offsets(%dma_start3A_235 : memref<50xi32, #tpu.memory_space<vmem>>) semaphore(%arg23 : memref<!tpu.dma_semaphore, #tpu.memory_space<semaphore_mem>>) {add = true}
          %dma_start3A_239 = arith.constant 0 : i32
          %dma_start3A_240 = tpu.memref_slice %arg11[%add3A_156, %dma_start3A_239] : memref<20x50xi32, #tpu.memory_space<vmem>> -> memref<1x50xi32, #tpu.memory_space<vmem>>
          %dma_start3A_241 = tpu.memref_squeeze %dma_start3A_240 : memref<1x50xi32, #tpu.memory_space<vmem>> -> memref<50xi32, #tpu.memory_space<vmem>>
          %dma_start3A_242 = arith.constant 0 : i32
          %dma_start3A_243 = arith.constant 0 : i32
          %dma_start3A_244 = tpu.memref_slice %arg18[%dma_start3A_242, %dma_start3A_243] : memref<10000x16xf32, #tpu.memory_space<vmem_shared>> -> memref<10000x16xf32, #tpu.memory_space<vmem_shared>>
          tpu.enqueue_indirect_dma source(%arg15 : memref<50x16xf32, #tpu.memory_space<vmem>>) target(%dma_start3A_244 : memref<10000x16xf32, #tpu.memory_space<vmem_shared>>) offsets(%dma_start3A_241 : memref<50xi32, #tpu.memory_space<vmem>>) semaphore(%arg23 : memref<!tpu.dma_semaphore, #tpu.memory_space<semaphore_mem>>) {add = true}
        } else {
        }
        %eq3A_172 = arith.constant 0 : i32
        %eq3A_173 = arith.cmpi eq, %arg0, %eq3A_172 : i32
        %convert_element_type3A_174 = arith.extui %eq3A_173 : i1 to i32
        %cond3A_175 = arith.constant 0 : i32
        %cond3A_176 = arith.cmpi ne, %convert_element_type3A_174, %cond3A_175 : i32
        scf.if %cond3A_176 {
          %dma_wait3A_233 = arith.constant 0 : i32
          %dma_wait3A_234 = arith.constant 0 : i32
          %dma_wait3A_235 = arith.constant 0 : i32
          %dma_wait3A_236 = tpu.memref_slice %arg13[%dma_wait3A_233, %dma_wait3A_234, %dma_wait3A_235] : memref<2x50x128xbf16, #tpu.memory_space<vmem>> -> memref<1x50x128xbf16, #tpu.memory_space<vmem>>
          %dma_wait3A_237 = tpu.memref_squeeze %dma_wait3A_236 : memref<1x50x128xbf16, #tpu.memory_space<vmem>> -> memref<50x128xbf16, #tpu.memory_space<vmem>>
          %dma_wait3A_238 = arith.constant 0 : i32
          %dma_wait3A_239 = tpu.memref_slice %arg10[%mul3A_154, %dma_wait3A_238] : memref<20x50xi32, #tpu.memory_space<vmem>> -> memref<1x50xi32, #tpu.memory_space<vmem>>
          %dma_wait3A_240 = tpu.memref_squeeze %dma_wait3A_239 : memref<1x50xi32, #tpu.memory_space<vmem>> -> memref<50xi32, #tpu.memory_space<vmem>>
          %dma_wait3A_241 = arith.constant 0 : i32
          %dma_wait3A_242 = arith.constant 0 : i32
          %dma_wait3A_243 = tpu.memref_slice %arg2[%dma_wait3A_241, %dma_wait3A_242] : memref<10000x128xbf16, #tpu.memory_space<hbm>> -> memref<10000x128xbf16, #tpu.memory_space<hbm>>
          tpu.wait_indirect_dma semaphore(%arg19 : memref<!tpu.dma_semaphore, #tpu.memory_space<semaphore_mem>>) src(%dma_wait3A_243 : memref<10000x128xbf16, #tpu.memory_space<hbm>>) dst(%dma_wait3A_237 : memref<50x128xbf16, #tpu.memory_space<vmem>>)
        } else {
        }
        %eq3A_177 = arith.constant 1 : i32
        %eq3A_178 = arith.cmpi eq, %arg0, %eq3A_177 : i32
        %convert_element_type3A_179 = arith.extui %eq3A_178 : i1 to i32
        %cond3A_180 = arith.constant 0 : i32
        %cond3A_181 = arith.cmpi ne, %convert_element_type3A_179, %cond3A_180 : i32
        scf.if %cond3A_181 {
          %dma_wait3A_233 = arith.constant 0 : i32
          %dma_wait3A_234 = arith.constant 0 : i32
          %dma_wait3A_235 = arith.constant 0 : i32
          %dma_wait3A_236 = tpu.memref_slice %arg13[%dma_wait3A_233, %dma_wait3A_234, %dma_wait3A_235] : memref<2x50x128xbf16, #tpu.memory_space<vmem>> -> memref<1x50x128xbf16, #tpu.memory_space<vmem>>
          %dma_wait3A_237 = tpu.memref_squeeze %dma_wait3A_236 : memref<1x50x128xbf16, #tpu.memory_space<vmem>> -> memref<50x128xbf16, #tpu.memory_space<vmem>>
          %dma_wait3A_238 = arith.constant 0 : i32
          %dma_wait3A_239 = tpu.memref_slice %arg10[%mul3A_154, %dma_wait3A_238] : memref<20x50xi32, #tpu.memory_space<vmem>> -> memref<1x50xi32, #tpu.memory_space<vmem>>
          %dma_wait3A_240 = tpu.memref_squeeze %dma_wait3A_239 : memref<1x50xi32, #tpu.memory_space<vmem>> -> memref<50xi32, #tpu.memory_space<vmem>>
          %dma_wait3A_241 = arith.constant 0 : i32
          %dma_wait3A_242 = arith.constant 0 : i32
          %dma_wait3A_243 = tpu.memref_slice %arg3[%dma_wait3A_241, %dma_wait3A_242] : memref<10000x128xbf16, #tpu.memory_space<hbm>> -> memref<10000x128xbf16, #tpu.memory_space<hbm>>
          tpu.wait_indirect_dma semaphore(%arg19 : memref<!tpu.dma_semaphore, #tpu.memory_space<semaphore_mem>>) src(%dma_wait3A_243 : memref<10000x128xbf16, #tpu.memory_space<hbm>>) dst(%dma_wait3A_237 : memref<50x128xbf16, #tpu.memory_space<vmem>>)
        } else {
        }
        %gt3A = arith.constant 0 : i32
        %gt3A_182 = arith.cmpi sgt, %scan3A_152, %gt3A : i32
        %convert_element_type3A_183 = arith.extui %gt3A_182 : i1 to i32
        %cond3A_184 = arith.constant 0 : i32
        %cond3A_185 = arith.cmpi ne, %convert_element_type3A_183, %cond3A_184 : i32
        scf.if %cond3A_185 {
          %dma_wait3A_233 = arith.constant 0 : i32
          %dma_wait3A_234 = arith.constant 0 : i32
          %dma_wait3A_235 = arith.constant 0 : i32
          %dma_wait3A_236 = tpu.memref_slice %arg14[%dma_wait3A_233, %dma_wait3A_234, %dma_wait3A_235] : memref<2x50x128xf32, #tpu.memory_space<vmem>> -> memref<1x50x128xf32, #tpu.memory_space<vmem>>
          %dma_wait3A_237 = tpu.memref_squeeze %dma_wait3A_236 : memref<1x50x128xf32, #tpu.memory_space<vmem>> -> memref<50x128xf32, #tpu.memory_space<vmem>>
          %dma_wait3A_238 = arith.constant 0 : i32
          %dma_wait3A_239 = tpu.memref_slice %arg11[%mul3A_154, %dma_wait3A_238] : memref<20x50xi32, #tpu.memory_space<vmem>> -> memref<1x50xi32, #tpu.memory_space<vmem>>
          %dma_wait3A_240 = tpu.memref_squeeze %dma_wait3A_239 : memref<1x50xi32, #tpu.memory_space<vmem>> -> memref<50xi32, #tpu.memory_space<vmem>>
          %dma_wait3A_241 = arith.constant 0 : i32
          %dma_wait3A_242 = arith.constant 0 : i32
          %dma_wait3A_243 = tpu.memref_slice %arg17[%dma_wait3A_241, %dma_wait3A_242] : memref<10000x128xf32, #tpu.memory_space<vmem_shared>> -> memref<10000x128xf32, #tpu.memory_space<vmem_shared>>
          tpu.wait_indirect_dma semaphore(%arg21 : memref<!tpu.dma_semaphore, #tpu.memory_space<semaphore_mem>>) src(%dma_wait3A_237 : memref<50x128xf32, #tpu.memory_space<vmem>>) dst(%dma_wait3A_243 : memref<10000x128xf32, #tpu.memory_space<vmem_shared>>)
        } else {
        }
        %parallel_loop3A = arith.constant 0 : i32
        %parallel_loop3A_186 = arith.constant 50 : i32
        %parallel_loop3A_187 = arith.constant 1 : i32
        scf.for %parallel_loop3A_233 = %parallel_loop3A to %parallel_loop3A_186 step %parallel_loop3A_187  : i32 {
          %parallel_loop3A_234 = vector.broadcast %mul3A_154 : i32 to vector<16xi32>
          %parallel_loop3A_235 = vector.broadcast %parallel_loop3A_233 : i32 to vector<16xi32>
          %parallel_loop3A_236 = tpu.vector_load_idx %arg12[%parallel_loop3A_234, %parallel_loop3A_235] : memref<20x50xf32, #tpu.memory_space<vmem>>[vector<16xi32>, vector<16xi32>], vector<16xf32>,
          %parallel_loop3A_237 = arith.constant 0 : i32
          %parallel_loop3A_238 = arith.index_cast %parallel_loop3A_237 : i32 to index
          %parallel_loop3A_239 = arith.index_cast %parallel_loop3A_233 : i32 to index
          %parallel_loop3A_240 = arith.constant 0 : index
          %parallel_loop3A_241 = tpu.vector_load %arg13[%parallel_loop3A_238, %parallel_loop3A_239, %parallel_loop3A_240] {strides = array<i32>} : memref<2x50x128xbf16, #tpu.memory_space<vmem>>, vector<32xbf16>,
          %parallel_loop3A_242 = tpu.unpack_subelements %parallel_loop3A_241, 0 {pack_format = #tpu.pack_format<interleaved>} : vector<32xbf16> -> vector<16xf32>
          %parallel_loop3A_243 = tpu.unpack_subelements %parallel_loop3A_241, 1 {pack_format = #tpu.pack_format<interleaved>} : vector<32xbf16> -> vector<16xf32>
          %parallel_loop3A_244 = arith.mulf %parallel_loop3A_236, %get3A_76 : vector<16xf32>
          %parallel_loop3A_245 = arith.addf %parallel_loop3A_242, %parallel_loop3A_244 : vector<16xf32>
          %parallel_loop3A_246 = arith.constant 0.000000e+00 : f32
          %parallel_loop3A_247 = vector.broadcast %parallel_loop3A_246 : f32 to vector<16xf32>
          %parallel_loop3A_248 = arith.maximumf %parallel_loop3A_245, %parallel_loop3A_247 : vector<16xf32>
          %parallel_loop3A_249 = arith.constant 0 : i32
          %parallel_loop3A_250 = arith.index_cast %parallel_loop3A_249 : i32 to index
          %parallel_loop3A_251 = arith.index_cast %parallel_loop3A_233 : i32 to index
          %parallel_loop3A_252 = arith.constant 0 : index
          %parallel_loop3A_253 = tpu.vector_load %arg14[%parallel_loop3A_250, %parallel_loop3A_251, %parallel_loop3A_252] {strides = array<i32>} : memref<2x50x128xf32, #tpu.memory_space<vmem>>, vector<16xf32>,
          tpu.vector_store %arg14[%parallel_loop3A_250, %parallel_loop3A_251, %parallel_loop3A_252], %parallel_loop3A_248 {strides = array<i32>} : memref<2x50x128xf32, #tpu.memory_space<vmem>>, vector<16xf32>,
          %parallel_loop3A_254 = arith.mulf %parallel_loop3A_236, %get3A_78 : vector<16xf32>
          %parallel_loop3A_255 = arith.addf %parallel_loop3A_243, %parallel_loop3A_254 : vector<16xf32>
          %parallel_loop3A_256 = arith.constant 0.000000e+00 : f32
          %parallel_loop3A_257 = vector.broadcast %parallel_loop3A_256 : f32 to vector<16xf32>
          %parallel_loop3A_258 = arith.maximumf %parallel_loop3A_255, %parallel_loop3A_257 : vector<16xf32>
          %parallel_loop3A_259 = arith.constant 0 : i32
          %parallel_loop3A_260 = arith.index_cast %parallel_loop3A_259 : i32 to index
          %parallel_loop3A_261 = arith.index_cast %parallel_loop3A_233 : i32 to index
          %parallel_loop3A_262 = arith.constant 16 : index
          %parallel_loop3A_263 = tpu.vector_load %arg14[%parallel_loop3A_260, %parallel_loop3A_261, %parallel_loop3A_262] {strides = array<i32>} : memref<2x50x128xf32, #tpu.memory_space<vmem>>, vector<16xf32>,
          tpu.vector_store %arg14[%parallel_loop3A_260, %parallel_loop3A_261, %parallel_loop3A_262], %parallel_loop3A_258 {strides = array<i32>} : memref<2x50x128xf32, #tpu.memory_space<vmem>>, vector<16xf32>,
          %parallel_loop3A_264 = arith.constant 0 : i32
          %parallel_loop3A_265 = arith.index_cast %parallel_loop3A_264 : i32 to index
          %parallel_loop3A_266 = arith.index_cast %parallel_loop3A_233 : i32 to index
          %parallel_loop3A_267 = arith.constant 32 : index
          %parallel_loop3A_268 = tpu.vector_load %arg13[%parallel_loop3A_265, %parallel_loop3A_266, %parallel_loop3A_267] {strides = array<i32>} : memref<2x50x128xbf16, #tpu.memory_space<vmem>>, vector<32xbf16>,
          %parallel_loop3A_269 = tpu.unpack_subelements %parallel_loop3A_268, 0 {pack_format = #tpu.pack_format<interleaved>} : vector<32xbf16> -> vector<16xf32>
          %parallel_loop3A_270 = tpu.unpack_subelements %parallel_loop3A_268, 1 {pack_format = #tpu.pack_format<interleaved>} : vector<32xbf16> -> vector<16xf32>
          %parallel_loop3A_271 = arith.mulf %parallel_loop3A_236, %get3A_80 : vector<16xf32>
          %parallel_loop3A_272 = arith.addf %parallel_loop3A_269, %parallel_loop3A_271 : vector<16xf32>
          %parallel_loop3A_273 = arith.constant 0.000000e+00 : f32
          %parallel_loop3A_274 = vector.broadcast %parallel_loop3A_273 : f32 to vector<16xf32>
          %parallel_loop3A_275 = arith.maximumf %parallel_loop3A_272, %parallel_loop3A_274 : vector<16xf32>
          %parallel_loop3A_276 = arith.constant 0 : i32
          %parallel_loop3A_277 = arith.index_cast %parallel_loop3A_276 : i32 to index
          %parallel_loop3A_278 = arith.index_cast %parallel_loop3A_233 : i32 to index
          %parallel_loop3A_279 = arith.constant 32 : index
          %parallel_loop3A_280 = tpu.vector_load %arg14[%parallel_loop3A_277, %parallel_loop3A_278, %parallel_loop3A_279] {strides = array<i32>} : memref<2x50x128xf32, #tpu.memory_space<vmem>>, vector<16xf32>,
          tpu.vector_store %arg14[%parallel_loop3A_277, %parallel_loop3A_278, %parallel_loop3A_279], %parallel_loop3A_275 {strides = array<i32>} : memref<2x50x128xf32, #tpu.memory_space<vmem>>, vector<16xf32>,
          %parallel_loop3A_281 = arith.mulf %parallel_loop3A_236, %get3A_82 : vector<16xf32>
          %parallel_loop3A_282 = arith.addf %parallel_loop3A_270, %parallel_loop3A_281 : vector<16xf32>
          %parallel_loop3A_283 = arith.constant 0.000000e+00 : f32
          %parallel_loop3A_284 = vector.broadcast %parallel_loop3A_283 : f32 to vector<16xf32>
          %parallel_loop3A_285 = arith.maximumf %parallel_loop3A_282, %parallel_loop3A_284 : vector<16xf32>
          %parallel_loop3A_286 = arith.constant 0 : i32
          %parallel_loop3A_287 = arith.index_cast %parallel_loop3A_286 : i32 to index
          %parallel_loop3A_288 = arith.index_cast %parallel_loop3A_233 : i32 to index
          %parallel_loop3A_289 = arith.constant 48 : index
          %parallel_loop3A_290 = tpu.vector_load %arg14[%parallel_loop3A_287, %parallel_loop3A_288, %parallel_loop3A_289] {strides = array<i32>} : memref<2x50x128xf32, #tpu.memory_space<vmem>>, vector<16xf32>,
          tpu.vector_store %arg14[%parallel_loop3A_287, %parallel_loop3A_288, %parallel_loop3A_289], %parallel_loop3A_285 {strides = array<i32>} : memref<2x50x128xf32, #tpu.memory_space<vmem>>, vector<16xf32>,
          %parallel_loop3A_291 = arith.constant 0 : i32
          %parallel_loop3A_292 = arith.index_cast %parallel_loop3A_291 : i32 to index
          %parallel_loop3A_293 = arith.index_cast %parallel_loop3A_233 : i32 to index
          %parallel_loop3A_294 = arith.constant 64 : index
          %parallel_loop3A_295 = tpu.vector_load %arg13[%parallel_loop3A_292, %parallel_loop3A_293, %parallel_loop3A_294] {strides = array<i32>} : memref<2x50x128xbf16, #tpu.memory_space<vmem>>, vector<32xbf16>,
          %parallel_loop3A_296 = tpu.unpack_subelements %parallel_loop3A_295, 0 {pack_format = #tpu.pack_format<interleaved>} : vector<32xbf16> -> vector<16xf32>
          %parallel_loop3A_297 = tpu.unpack_subelements %parallel_loop3A_295, 1 {pack_format = #tpu.pack_format<interleaved>} : vector<32xbf16> -> vector<16xf32>
          %parallel_loop3A_298 = arith.mulf %parallel_loop3A_236, %get3A_84 : vector<16xf32>
          %parallel_loop3A_299 = arith.addf %parallel_loop3A_296, %parallel_loop3A_298 : vector<16xf32>
          %parallel_loop3A_300 = arith.constant 0.000000e+00 : f32
          %parallel_loop3A_301 = vector.broadcast %parallel_loop3A_300 : f32 to vector<16xf32>
          %parallel_loop3A_302 = arith.maximumf %parallel_loop3A_299, %parallel_loop3A_301 : vector<16xf32>
          %parallel_loop3A_303 = arith.constant 0 : i32
          %parallel_loop3A_304 = arith.index_cast %parallel_loop3A_303 : i32 to index
          %parallel_loop3A_305 = arith.index_cast %parallel_loop3A_233 : i32 to index
          %parallel_loop3A_306 = arith.constant 64 : index
          %parallel_loop3A_307 = tpu.vector_load %arg14[%parallel_loop3A_304, %parallel_loop3A_305, %parallel_loop3A_306] {strides = array<i32>} : memref<2x50x128xf32, #tpu.memory_space<vmem>>, vector<16xf32>,
          tpu.vector_store %arg14[%parallel_loop3A_304, %parallel_loop3A_305, %parallel_loop3A_306], %parallel_loop3A_302 {strides = array<i32>} : memref<2x50x128xf32, #tpu.memory_space<vmem>>, vector<16xf32>,
          %parallel_loop3A_308 = arith.mulf %parallel_loop3A_236, %get3A_86 : vector<16xf32>
          %parallel_loop3A_309 = arith.addf %parallel_loop3A_297, %parallel_loop3A_308 : vector<16xf32>
          %parallel_loop3A_310 = arith.constant 0.000000e+00 : f32
          %parallel_loop3A_311 = vector.broadcast %parallel_loop3A_310 : f32 to vector<16xf32>
          %parallel_loop3A_312 = arith.maximumf %parallel_loop3A_309, %parallel_loop3A_311 : vector<16xf32>
          %parallel_loop3A_313 = arith.constant 0 : i32
          %parallel_loop3A_314 = arith.index_cast %parallel_loop3A_313 : i32 to index
          %parallel_loop3A_315 = arith.index_cast %parallel_loop3A_233 : i32 to index
          %parallel_loop3A_316 = arith.constant 80 : index
          %parallel_loop3A_317 = tpu.vector_load %arg14[%parallel_loop3A_314, %parallel_loop3A_315, %parallel_loop3A_316] {strides = array<i32>} : memref<2x50x128xf32, #tpu.memory_space<vmem>>, vector<16xf32>,
          tpu.vector_store %arg14[%parallel_loop3A_314, %parallel_loop3A_315, %parallel_loop3A_316], %parallel_loop3A_312 {strides = array<i32>} : memref<2x50x128xf32, #tpu.memory_space<vmem>>, vector<16xf32>,
          %parallel_loop3A_318 = arith.constant 0 : i32
          %parallel_loop3A_319 = arith.index_cast %parallel_loop3A_318 : i32 to index
          %parallel_loop3A_320 = arith.index_cast %parallel_loop3A_233 : i32 to index
          %parallel_loop3A_321 = arith.constant 96 : index
          %parallel_loop3A_322 = tpu.vector_load %arg13[%parallel_loop3A_319, %parallel_loop3A_320, %parallel_loop3A_321] {strides = array<i32>} : memref<2x50x128xbf16, #tpu.memory_space<vmem>>, vector<32xbf16>,
          %parallel_loop3A_323 = tpu.unpack_subelements %parallel_loop3A_322, 0 {pack_format = #tpu.pack_format<interleaved>} : vector<32xbf16> -> vector<16xf32>
          %parallel_loop3A_324 = tpu.unpack_subelements %parallel_loop3A_322, 1 {pack_format = #tpu.pack_format<interleaved>} : vector<32xbf16> -> vector<16xf32>
          %parallel_loop3A_325 = arith.mulf %parallel_loop3A_236, %get3A_88 : vector<16xf32>
          %parallel_loop3A_326 = arith.addf %parallel_loop3A_323, %parallel_loop3A_325 : vector<16xf32>
          %parallel_loop3A_327 = arith.constant 0.000000e+00 : f32
          %parallel_loop3A_328 = vector.broadcast %parallel_loop3A_327 : f32 to vector<16xf32>
          %parallel_loop3A_329 = arith.maximumf %parallel_loop3A_326, %parallel_loop3A_328 : vector<16xf32>
          %parallel_loop3A_330 = arith.constant 0 : i32
          %parallel_loop3A_331 = arith.index_cast %parallel_loop3A_330 : i32 to index
          %parallel_loop3A_332 = arith.index_cast %parallel_loop3A_233 : i32 to index
          %parallel_loop3A_333 = arith.constant 96 : index
          %parallel_loop3A_334 = tpu.vector_load %arg14[%parallel_loop3A_331, %parallel_loop3A_332, %parallel_loop3A_333] {strides = array<i32>} : memref<2x50x128xf32, #tpu.memory_space<vmem>>, vector<16xf32>,
          tpu.vector_store %arg14[%parallel_loop3A_331, %parallel_loop3A_332, %parallel_loop3A_333], %parallel_loop3A_329 {strides = array<i32>} : memref<2x50x128xf32, #tpu.memory_space<vmem>>, vector<16xf32>,
          %parallel_loop3A_335 = arith.mulf %parallel_loop3A_236, %get3A_90 : vector<16xf32>
          %parallel_loop3A_336 = arith.addf %parallel_loop3A_324, %parallel_loop3A_335 : vector<16xf32>
          %parallel_loop3A_337 = arith.constant 0.000000e+00 : f32
          %parallel_loop3A_338 = vector.broadcast %parallel_loop3A_337 : f32 to vector<16xf32>
          %parallel_loop3A_339 = arith.maximumf %parallel_loop3A_336, %parallel_loop3A_338 : vector<16xf32>
          %parallel_loop3A_340 = arith.constant 0 : i32
          %parallel_loop3A_341 = arith.index_cast %parallel_loop3A_340 : i32 to index
          %parallel_loop3A_342 = arith.index_cast %parallel_loop3A_233 : i32 to index
          %parallel_loop3A_343 = arith.constant 112 : index
          %parallel_loop3A_344 = tpu.vector_load %arg14[%parallel_loop3A_341, %parallel_loop3A_342, %parallel_loop3A_343] {strides = array<i32>} : memref<2x50x128xf32, #tpu.memory_space<vmem>>, vector<16xf32>,
          tpu.vector_store %arg14[%parallel_loop3A_341, %parallel_loop3A_342, %parallel_loop3A_343], %parallel_loop3A_339 {strides = array<i32>} : memref<2x50x128xf32, #tpu.memory_space<vmem>>, vector<16xf32>,
        } {sc.loop_unroll_factor = 5 : i64, sc.parallel_access}
        %dma_start3A = arith.constant 0 : i32
        %dma_start3A_188 = arith.constant 0 : i32
        %dma_start3A_189 = arith.constant 0 : i32
        %dma_start3A_190 = tpu.memref_slice %arg14[%dma_start3A, %dma_start3A_188, %dma_start3A_189] : memref<2x50x128xf32, #tpu.memory_space<vmem>> -> memref<1x50x128xf32, #tpu.memory_space<vmem>>
        %dma_start3A_191 = tpu.memref_squeeze %dma_start3A_190 : memref<1x50x128xf32, #tpu.memory_space<vmem>> -> memref<50x128xf32, #tpu.memory_space<vmem>>
        %dma_start3A_192 = arith.constant 0 : i32
        %dma_start3A_193 = tpu.memref_slice %arg11[%mul3A_154, %dma_start3A_192] : memref<20x50xi32, #tpu.memory_space<vmem>> -> memref<1x50xi32, #tpu.memory_space<vmem>>
        %dma_start3A_194 = tpu.memref_squeeze %dma_start3A_193 : memref<1x50xi32, #tpu.memory_space<vmem>> -> memref<50xi32, #tpu.memory_space<vmem>>
        %dma_start3A_195 = arith.constant 0 : i32
        %dma_start3A_196 = arith.constant 0 : i32
        %dma_start3A_197 = tpu.memref_slice %arg17[%dma_start3A_195, %dma_start3A_196] : memref<10000x128xf32, #tpu.memory_space<vmem_shared>> -> memref<10000x128xf32, #tpu.memory_space<vmem_shared>>
        tpu.enqueue_indirect_dma source(%dma_start3A_191 : memref<50x128xf32, #tpu.memory_space<vmem>>) target(%dma_start3A_197 : memref<10000x128xf32, #tpu.memory_space<vmem_shared>>) offsets(%dma_start3A_194 : memref<50xi32, #tpu.memory_space<vmem>>) semaphore(%arg21 : memref<!tpu.dma_semaphore, #tpu.memory_space<semaphore_mem>>) {add = true}
        %add3A_198 = arith.constant 1 : i32
        %add3A_199 = arith.addi %add3A_156, %add3A_198 : i32
        %lt3A = arith.constant 20 : i32
        %lt3A_200 = arith.cmpi slt, %add3A_199, %lt3A : i32
        %convert_element_type3A_201 = arith.extui %lt3A_200 : i1 to i32
        %cond3A_202 = arith.constant 0 : i32
        %cond3A_203 = arith.cmpi ne, %convert_element_type3A_201, %cond3A_202 : i32
        scf.if %cond3A_203 {
          %add3A_233 = arith.constant 1 : i32
          %add3A_234 = arith.addi %add3A_156, %add3A_233 : i32
          %eq3A_235 = arith.constant 0 : i32
          %eq3A_236 = arith.cmpi eq, %arg0, %eq3A_235 : i32
          %convert_element_type3A_237 = arith.extui %eq3A_236 : i1 to i32
          %cond3A_238 = arith.constant 0 : i32
          %cond3A_239 = arith.cmpi ne, %convert_element_type3A_237, %cond3A_238 : i32
          scf.if %cond3A_239 {
            %dma_start3A_245 = arith.constant 0 : i32
            %dma_start3A_246 = arith.constant 0 : i32
            %dma_start3A_247 = arith.constant 0 : i32
            %dma_start3A_248 = tpu.memref_slice %arg13[%dma_start3A_245, %dma_start3A_246, %dma_start3A_247] : memref<2x50x128xbf16, #tpu.memory_space<vmem>> -> memref<1x50x128xbf16, #tpu.memory_space<vmem>>
            %dma_start3A_249 = tpu.memref_squeeze %dma_start3A_248 : memref<1x50x128xbf16, #tpu.memory_space<vmem>> -> memref<50x128xbf16, #tpu.memory_space<vmem>>
            %dma_start3A_250 = arith.constant 0 : i32
            %dma_start3A_251 = tpu.memref_slice %arg10[%add3A_234, %dma_start3A_250] : memref<20x50xi32, #tpu.memory_space<vmem>> -> memref<1x50xi32, #tpu.memory_space<vmem>>
            %dma_start3A_252 = tpu.memref_squeeze %dma_start3A_251 : memref<1x50xi32, #tpu.memory_space<vmem>> -> memref<50xi32, #tpu.memory_space<vmem>>
            %dma_start3A_253 = arith.constant 0 : i32
            %dma_start3A_254 = arith.constant 0 : i32
            %dma_start3A_255 = tpu.memref_slice %arg2[%dma_start3A_253, %dma_start3A_254] : memref<10000x128xbf16, #tpu.memory_space<hbm>> -> memref<10000x128xbf16, #tpu.memory_space<hbm>>
            tpu.enqueue_indirect_dma source(%dma_start3A_255 : memref<10000x128xbf16, #tpu.memory_space<hbm>>) target(%dma_start3A_249 : memref<50x128xbf16, #tpu.memory_space<vmem>>) offsets(%dma_start3A_252 : memref<50xi32, #tpu.memory_space<vmem>>) semaphore(%arg19 : memref<!tpu.dma_semaphore, #tpu.memory_space<semaphore_mem>>)
          } else {
          }
          %eq3A_240 = arith.constant 1 : i32
          %eq3A_241 = arith.cmpi eq, %arg0, %eq3A_240 : i32
          %convert_element_type3A_242 = arith.extui %eq3A_241 : i1 to i32
          %cond3A_243 = arith.constant 0 : i32
          %cond3A_244 = arith.cmpi ne, %convert_element_type3A_242, %cond3A_243 : i32
          scf.if %cond3A_244 {
            %dma_start3A_245 = arith.constant 0 : i32
            %dma_start3A_246 = arith.constant 0 : i32
            %dma_start3A_247 = arith.constant 0 : i32
            %dma_start3A_248 = tpu.memref_slice %arg13[%dma_start3A_245, %dma_start3A_246, %dma_start3A_247] : memref<2x50x128xbf16, #tpu.memory_space<vmem>> -> memref<1x50x128xbf16, #tpu.memory_space<vmem>>
            %dma_start3A_249 = tpu.memref_squeeze %dma_start3A_248 : memref<1x50x128xbf16, #tpu.memory_space<vmem>> -> memref<50x128xbf16, #tpu.memory_space<vmem>>
            %dma_start3A_250 = arith.constant 0 : i32
            %dma_start3A_251 = tpu.memref_slice %arg10[%add3A_234, %dma_start3A_250] : memref<20x50xi32, #tpu.memory_space<vmem>> -> memref<1x50xi32, #tpu.memory_space<vmem>>
            %dma_start3A_252 = tpu.memref_squeeze %dma_start3A_251 : memref<1x50xi32, #tpu.memory_space<vmem>> -> memref<50xi32, #tpu.memory_space<vmem>>
            %dma_start3A_253 = arith.constant 0 : i32
            %dma_start3A_254 = arith.constant 0 : i32
            %dma_start3A_255 = tpu.memref_slice %arg3[%dma_start3A_253, %dma_start3A_254] : memref<10000x128xbf16, #tpu.memory_space<hbm>> -> memref<10000x128xbf16, #tpu.memory_space<hbm>>
            tpu.enqueue_indirect_dma source(%dma_start3A_255 : memref<10000x128xbf16, #tpu.memory_space<hbm>>) target(%dma_start3A_249 : memref<50x128xbf16, #tpu.memory_space<vmem>>) offsets(%dma_start3A_252 : memref<50xi32, #tpu.memory_space<vmem>>) semaphore(%arg19 : memref<!tpu.dma_semaphore, #tpu.memory_space<semaphore_mem>>)
          } else {
          }
        } else {
        }
        %eq3A_204 = arith.constant 0 : i32
        %eq3A_205 = arith.cmpi eq, %arg0, %eq3A_204 : i32
        %convert_element_type3A_206 = arith.extui %eq3A_205 : i1 to i32
        %cond3A_207 = arith.constant 0 : i32
        %cond3A_208 = arith.cmpi ne, %convert_element_type3A_206, %cond3A_207 : i32
        scf.if %cond3A_208 {
          %dma_wait3A_233 = arith.constant 1 : i32
          %dma_wait3A_234 = arith.constant 0 : i32
          %dma_wait3A_235 = arith.constant 0 : i32
          %dma_wait3A_236 = tpu.memref_slice %arg13[%dma_wait3A_233, %dma_wait3A_234, %dma_wait3A_235] : memref<2x50x128xbf16, #tpu.memory_space<vmem>> -> memref<1x50x128xbf16, #tpu.memory_space<vmem>>
          %dma_wait3A_237 = tpu.memref_squeeze %dma_wait3A_236 : memref<1x50x128xbf16, #tpu.memory_space<vmem>> -> memref<50x128xbf16, #tpu.memory_space<vmem>>
          %dma_wait3A_238 = arith.constant 0 : i32
          %dma_wait3A_239 = tpu.memref_slice %arg10[%add3A_156, %dma_wait3A_238] : memref<20x50xi32, #tpu.memory_space<vmem>> -> memref<1x50xi32, #tpu.memory_space<vmem>>
          %dma_wait3A_240 = tpu.memref_squeeze %dma_wait3A_239 : memref<1x50xi32, #tpu.memory_space<vmem>> -> memref<50xi32, #tpu.memory_space<vmem>>
          %dma_wait3A_241 = arith.constant 0 : i32
          %dma_wait3A_242 = arith.constant 0 : i32
          %dma_wait3A_243 = tpu.memref_slice %arg2[%dma_wait3A_241, %dma_wait3A_242] : memref<10000x128xbf16, #tpu.memory_space<hbm>> -> memref<10000x128xbf16, #tpu.memory_space<hbm>>
          tpu.wait_indirect_dma semaphore(%arg20 : memref<!tpu.dma_semaphore, #tpu.memory_space<semaphore_mem>>) src(%dma_wait3A_243 : memref<10000x128xbf16, #tpu.memory_space<hbm>>) dst(%dma_wait3A_237 : memref<50x128xbf16, #tpu.memory_space<vmem>>)
        } else {
        }
        %eq3A_209 = arith.constant 1 : i32
        %eq3A_210 = arith.cmpi eq, %arg0, %eq3A_209 : i32
        %convert_element_type3A_211 = arith.extui %eq3A_210 : i1 to i32
        %cond3A_212 = arith.constant 0 : i32
        %cond3A_213 = arith.cmpi ne, %convert_element_type3A_211, %cond3A_212 : i32
        scf.if %cond3A_213 {
          %dma_wait3A_233 = arith.constant 1 : i32
          %dma_wait3A_234 = arith.constant 0 : i32
          %dma_wait3A_235 = arith.constant 0 : i32
          %dma_wait3A_236 = tpu.memref_slice %arg13[%dma_wait3A_233, %dma_wait3A_234, %dma_wait3A_235] : memref<2x50x128xbf16, #tpu.memory_space<vmem>> -> memref<1x50x128xbf16, #tpu.memory_space<vmem>>
          %dma_wait3A_237 = tpu.memref_squeeze %dma_wait3A_236 : memref<1x50x128xbf16, #tpu.memory_space<vmem>> -> memref<50x128xbf16, #tpu.memory_space<vmem>>
          %dma_wait3A_238 = arith.constant 0 : i32
          %dma_wait3A_239 = tpu.memref_slice %arg10[%add3A_156, %dma_wait3A_238] : memref<20x50xi32, #tpu.memory_space<vmem>> -> memref<1x50xi32, #tpu.memory_space<vmem>>
          %dma_wait3A_240 = tpu.memref_squeeze %dma_wait3A_239 : memref<1x50xi32, #tpu.memory_space<vmem>> -> memref<50xi32, #tpu.memory_space<vmem>>
          %dma_wait3A_241 = arith.constant 0 : i32
          %dma_wait3A_242 = arith.constant 0 : i32
          %dma_wait3A_243 = tpu.memref_slice %arg3[%dma_wait3A_241, %dma_wait3A_242] : memref<10000x128xbf16, #tpu.memory_space<hbm>> -> memref<10000x128xbf16, #tpu.memory_space<hbm>>
          tpu.wait_indirect_dma semaphore(%arg20 : memref<!tpu.dma_semaphore, #tpu.memory_space<semaphore_mem>>) src(%dma_wait3A_243 : memref<10000x128xbf16, #tpu.memory_space<hbm>>) dst(%dma_wait3A_237 : memref<50x128xbf16, #tpu.memory_space<vmem>>)
        } else {
        }
        %gt3A_214 = arith.constant 0 : i32
        %gt3A_215 = arith.cmpi sgt, %scan3A_152, %gt3A_214 : i32
        %convert_element_type3A_216 = arith.extui %gt3A_215 : i1 to i32
        %cond3A_217 = arith.constant 0 : i32
        %cond3A_218 = arith.cmpi ne, %convert_element_type3A_216, %cond3A_217 : i32
        scf.if %cond3A_218 {
          %dma_wait3A_233 = arith.constant 1 : i32
          %dma_wait3A_234 = arith.constant 0 : i32
          %dma_wait3A_235 = arith.constant 0 : i32
          %dma_wait3A_236 = tpu.memref_slice %arg14[%dma_wait3A_233, %dma_wait3A_234, %dma_wait3A_235] : memref<2x50x128xf32, #tpu.memory_space<vmem>> -> memref<1x50x128xf32, #tpu.memory_space<vmem>>
          %dma_wait3A_237 = tpu.memref_squeeze %dma_wait3A_236 : memref<1x50x128xf32, #tpu.memory_space<vmem>> -> memref<50x128xf32, #tpu.memory_space<vmem>>
          %dma_wait3A_238 = arith.constant 0 : i32
          %dma_wait3A_239 = tpu.memref_slice %arg11[%add3A_156, %dma_wait3A_238] : memref<20x50xi32, #tpu.memory_space<vmem>> -> memref<1x50xi32, #tpu.memory_space<vmem>>
          %dma_wait3A_240 = tpu.memref_squeeze %dma_wait3A_239 : memref<1x50xi32, #tpu.memory_space<vmem>> -> memref<50xi32, #tpu.memory_space<vmem>>
          %dma_wait3A_241 = arith.constant 0 : i32
          %dma_wait3A_242 = arith.constant 0 : i32
          %dma_wait3A_243 = tpu.memref_slice %arg17[%dma_wait3A_241, %dma_wait3A_242] : memref<10000x128xf32, #tpu.memory_space<vmem_shared>> -> memref<10000x128xf32, #tpu.memory_space<vmem_shared>>
          tpu.wait_indirect_dma semaphore(%arg22 : memref<!tpu.dma_semaphore, #tpu.memory_space<semaphore_mem>>) src(%dma_wait3A_237 : memref<50x128xf32, #tpu.memory_space<vmem>>) dst(%dma_wait3A_243 : memref<10000x128xf32, #tpu.memory_space<vmem_shared>>)
        } else {
        }
        %parallel_loop3A_219 = arith.constant 0 : i32
        %parallel_loop3A_220 = arith.constant 50 : i32
        %parallel_loop3A_221 = arith.constant 1 : i32
        scf.for %parallel_loop3A_233 = %parallel_loop3A_219 to %parallel_loop3A_220 step %parallel_loop3A_221  : i32 {
          %parallel_loop3A_234 = vector.broadcast %add3A_156 : i32 to vector<16xi32>
          %parallel_loop3A_235 = vector.broadcast %parallel_loop3A_233 : i32 to vector<16xi32>
          %parallel_loop3A_236 = tpu.vector_load_idx %arg12[%parallel_loop3A_234, %parallel_loop3A_235] : memref<20x50xf32, #tpu.memory_space<vmem>>[vector<16xi32>, vector<16xi32>], vector<16xf32>,
          %parallel_loop3A_237 = arith.constant 1 : i32
          %parallel_loop3A_238 = arith.index_cast %parallel_loop3A_237 : i32 to index
          %parallel_loop3A_239 = arith.index_cast %parallel_loop3A_233 : i32 to index
          %parallel_loop3A_240 = arith.constant 0 : index
          %parallel_loop3A_241 = tpu.vector_load %arg13[%parallel_loop3A_238, %parallel_loop3A_239, %parallel_loop3A_240] {strides = array<i32>} : memref<2x50x128xbf16, #tpu.memory_space<vmem>>, vector<32xbf16>,
          %parallel_loop3A_242 = tpu.unpack_subelements %parallel_loop3A_241, 0 {pack_format = #tpu.pack_format<interleaved>} : vector<32xbf16> -> vector<16xf32>
          %parallel_loop3A_243 = tpu.unpack_subelements %parallel_loop3A_241, 1 {pack_format = #tpu.pack_format<interleaved>} : vector<32xbf16> -> vector<16xf32>
          %parallel_loop3A_244 = arith.mulf %parallel_loop3A_236, %get3A_76 : vector<16xf32>
          %parallel_loop3A_245 = arith.addf %parallel_loop3A_242, %parallel_loop3A_244 : vector<16xf32>
          %parallel_loop3A_246 = arith.constant 0.000000e+00 : f32
          %parallel_loop3A_247 = vector.broadcast %parallel_loop3A_246 : f32 to vector<16xf32>
          %parallel_loop3A_248 = arith.maximumf %parallel_loop3A_245, %parallel_loop3A_247 : vector<16xf32>
          %parallel_loop3A_249 = arith.constant 1 : i32
          %parallel_loop3A_250 = arith.index_cast %parallel_loop3A_249 : i32 to index
          %parallel_loop3A_251 = arith.index_cast %parallel_loop3A_233 : i32 to index
          %parallel_loop3A_252 = arith.constant 0 : index
          %parallel_loop3A_253 = tpu.vector_load %arg14[%parallel_loop3A_250, %parallel_loop3A_251, %parallel_loop3A_252] {strides = array<i32>} : memref<2x50x128xf32, #tpu.memory_space<vmem>>, vector<16xf32>,
          tpu.vector_store %arg14[%parallel_loop3A_250, %parallel_loop3A_251, %parallel_loop3A_252], %parallel_loop3A_248 {strides = array<i32>} : memref<2x50x128xf32, #tpu.memory_space<vmem>>, vector<16xf32>,
          %parallel_loop3A_254 = arith.mulf %parallel_loop3A_236, %get3A_78 : vector<16xf32>
          %parallel_loop3A_255 = arith.addf %parallel_loop3A_243, %parallel_loop3A_254 : vector<16xf32>
          %parallel_loop3A_256 = arith.constant 0.000000e+00 : f32
          %parallel_loop3A_257 = vector.broadcast %parallel_loop3A_256 : f32 to vector<16xf32>
          %parallel_loop3A_258 = arith.maximumf %parallel_loop3A_255, %parallel_loop3A_257 : vector<16xf32>
          %parallel_loop3A_259 = arith.constant 1 : i32
          %parallel_loop3A_260 = arith.index_cast %parallel_loop3A_259 : i32 to index
          %parallel_loop3A_261 = arith.index_cast %parallel_loop3A_233 : i32 to index
          %parallel_loop3A_262 = arith.constant 16 : index
          %parallel_loop3A_263 = tpu.vector_load %arg14[%parallel_loop3A_260, %parallel_loop3A_261, %parallel_loop3A_262] {strides = array<i32>} : memref<2x50x128xf32, #tpu.memory_space<vmem>>, vector<16xf32>,
          tpu.vector_store %arg14[%parallel_loop3A_260, %parallel_loop3A_261, %parallel_loop3A_262], %parallel_loop3A_258 {strides = array<i32>} : memref<2x50x128xf32, #tpu.memory_space<vmem>>, vector<16xf32>,
          %parallel_loop3A_264 = arith.constant 1 : i32
          %parallel_loop3A_265 = arith.index_cast %parallel_loop3A_264 : i32 to index
          %parallel_loop3A_266 = arith.index_cast %parallel_loop3A_233 : i32 to index
          %parallel_loop3A_267 = arith.constant 32 : index
          %parallel_loop3A_268 = tpu.vector_load %arg13[%parallel_loop3A_265, %parallel_loop3A_266, %parallel_loop3A_267] {strides = array<i32>} : memref<2x50x128xbf16, #tpu.memory_space<vmem>>, vector<32xbf16>,
          %parallel_loop3A_269 = tpu.unpack_subelements %parallel_loop3A_268, 0 {pack_format = #tpu.pack_format<interleaved>} : vector<32xbf16> -> vector<16xf32>
          %parallel_loop3A_270 = tpu.unpack_subelements %parallel_loop3A_268, 1 {pack_format = #tpu.pack_format<interleaved>} : vector<32xbf16> -> vector<16xf32>
          %parallel_loop3A_271 = arith.mulf %parallel_loop3A_236, %get3A_80 : vector<16xf32>
          %parallel_loop3A_272 = arith.addf %parallel_loop3A_269, %parallel_loop3A_271 : vector<16xf32>
          %parallel_loop3A_273 = arith.constant 0.000000e+00 : f32
          %parallel_loop3A_274 = vector.broadcast %parallel_loop3A_273 : f32 to vector<16xf32>
          %parallel_loop3A_275 = arith.maximumf %parallel_loop3A_272, %parallel_loop3A_274 : vector<16xf32>
          %parallel_loop3A_276 = arith.constant 1 : i32
          %parallel_loop3A_277 = arith.index_cast %parallel_loop3A_276 : i32 to index
          %parallel_loop3A_278 = arith.index_cast %parallel_loop3A_233 : i32 to index
          %parallel_loop3A_279 = arith.constant 32 : index
          %parallel_loop3A_280 = tpu.vector_load %arg14[%parallel_loop3A_277, %parallel_loop3A_278, %parallel_loop3A_279] {strides = array<i32>} : memref<2x50x128xf32, #tpu.memory_space<vmem>>, vector<16xf32>,
          tpu.vector_store %arg14[%parallel_loop3A_277, %parallel_loop3A_278, %parallel_loop3A_279], %parallel_loop3A_275 {strides = array<i32>} : memref<2x50x128xf32, #tpu.memory_space<vmem>>, vector<16xf32>,
          %parallel_loop3A_281 = arith.mulf %parallel_loop3A_236, %get3A_82 : vector<16xf32>
          %parallel_loop3A_282 = arith.addf %parallel_loop3A_270, %parallel_loop3A_281 : vector<16xf32>
          %parallel_loop3A_283 = arith.constant 0.000000e+00 : f32
          %parallel_loop3A_284 = vector.broadcast %parallel_loop3A_283 : f32 to vector<16xf32>
          %parallel_loop3A_285 = arith.maximumf %parallel_loop3A_282, %parallel_loop3A_284 : vector<16xf32>
          %parallel_loop3A_286 = arith.constant 1 : i32
          %parallel_loop3A_287 = arith.index_cast %parallel_loop3A_286 : i32 to index
          %parallel_loop3A_288 = arith.index_cast %parallel_loop3A_233 : i32 to index
          %parallel_loop3A_289 = arith.constant 48 : index
          %parallel_loop3A_290 = tpu.vector_load %arg14[%parallel_loop3A_287, %parallel_loop3A_288, %parallel_loop3A_289] {strides = array<i32>} : memref<2x50x128xf32, #tpu.memory_space<vmem>>, vector<16xf32>,
          tpu.vector_store %arg14[%parallel_loop3A_287, %parallel_loop3A_288, %parallel_loop3A_289], %parallel_loop3A_285 {strides = array<i32>} : memref<2x50x128xf32, #tpu.memory_space<vmem>>, vector<16xf32>,
          %parallel_loop3A_291 = arith.constant 1 : i32
          %parallel_loop3A_292 = arith.index_cast %parallel_loop3A_291 : i32 to index
          %parallel_loop3A_293 = arith.index_cast %parallel_loop3A_233 : i32 to index
          %parallel_loop3A_294 = arith.constant 64 : index
          %parallel_loop3A_295 = tpu.vector_load %arg13[%parallel_loop3A_292, %parallel_loop3A_293, %parallel_loop3A_294] {strides = array<i32>} : memref<2x50x128xbf16, #tpu.memory_space<vmem>>, vector<32xbf16>,
          %parallel_loop3A_296 = tpu.unpack_subelements %parallel_loop3A_295, 0 {pack_format = #tpu.pack_format<interleaved>} : vector<32xbf16> -> vector<16xf32>
          %parallel_loop3A_297 = tpu.unpack_subelements %parallel_loop3A_295, 1 {pack_format = #tpu.pack_format<interleaved>} : vector<32xbf16> -> vector<16xf32>
          %parallel_loop3A_298 = arith.mulf %parallel_loop3A_236, %get3A_84 : vector<16xf32>
          %parallel_loop3A_299 = arith.addf %parallel_loop3A_296, %parallel_loop3A_298 : vector<16xf32>
          %parallel_loop3A_300 = arith.constant 0.000000e+00 : f32
          %parallel_loop3A_301 = vector.broadcast %parallel_loop3A_300 : f32 to vector<16xf32>
          %parallel_loop3A_302 = arith.maximumf %parallel_loop3A_299, %parallel_loop3A_301 : vector<16xf32>
          %parallel_loop3A_303 = arith.constant 1 : i32
          %parallel_loop3A_304 = arith.index_cast %parallel_loop3A_303 : i32 to index
          %parallel_loop3A_305 = arith.index_cast %parallel_loop3A_233 : i32 to index
          %parallel_loop3A_306 = arith.constant 64 : index
          %parallel_loop3A_307 = tpu.vector_load %arg14[%parallel_loop3A_304, %parallel_loop3A_305, %parallel_loop3A_306] {strides = array<i32>} : memref<2x50x128xf32, #tpu.memory_space<vmem>>, vector<16xf32>,
          tpu.vector_store %arg14[%parallel_loop3A_304, %parallel_loop3A_305, %parallel_loop3A_306], %parallel_loop3A_302 {strides = array<i32>} : memref<2x50x128xf32, #tpu.memory_space<vmem>>, vector<16xf32>,
          %parallel_loop3A_308 = arith.mulf %parallel_loop3A_236, %get3A_86 : vector<16xf32>
          %parallel_loop3A_309 = arith.addf %parallel_loop3A_297, %parallel_loop3A_308 : vector<16xf32>
          %parallel_loop3A_310 = arith.constant 0.000000e+00 : f32
          %parallel_loop3A_311 = vector.broadcast %parallel_loop3A_310 : f32 to vector<16xf32>
          %parallel_loop3A_312 = arith.maximumf %parallel_loop3A_309, %parallel_loop3A_311 : vector<16xf32>
          %parallel_loop3A_313 = arith.constant 1 : i32
          %parallel_loop3A_314 = arith.index_cast %parallel_loop3A_313 : i32 to index
          %parallel_loop3A_315 = arith.index_cast %parallel_loop3A_233 : i32 to index
          %parallel_loop3A_316 = arith.constant 80 : index
          %parallel_loop3A_317 = tpu.vector_load %arg14[%parallel_loop3A_314, %parallel_loop3A_315, %parallel_loop3A_316] {strides = array<i32>} : memref<2x50x128xf32, #tpu.memory_space<vmem>>, vector<16xf32>,
          tpu.vector_store %arg14[%parallel_loop3A_314, %parallel_loop3A_315, %parallel_loop3A_316], %parallel_loop3A_312 {strides = array<i32>} : memref<2x50x128xf32, #tpu.memory_space<vmem>>, vector<16xf32>,
          %parallel_loop3A_318 = arith.constant 1 : i32
          %parallel_loop3A_319 = arith.index_cast %parallel_loop3A_318 : i32 to index
          %parallel_loop3A_320 = arith.index_cast %parallel_loop3A_233 : i32 to index
          %parallel_loop3A_321 = arith.constant 96 : index
          %parallel_loop3A_322 = tpu.vector_load %arg13[%parallel_loop3A_319, %parallel_loop3A_320, %parallel_loop3A_321] {strides = array<i32>} : memref<2x50x128xbf16, #tpu.memory_space<vmem>>, vector<32xbf16>,
          %parallel_loop3A_323 = tpu.unpack_subelements %parallel_loop3A_322, 0 {pack_format = #tpu.pack_format<interleaved>} : vector<32xbf16> -> vector<16xf32>
          %parallel_loop3A_324 = tpu.unpack_subelements %parallel_loop3A_322, 1 {pack_format = #tpu.pack_format<interleaved>} : vector<32xbf16> -> vector<16xf32>
          %parallel_loop3A_325 = arith.mulf %parallel_loop3A_236, %get3A_88 : vector<16xf32>
          %parallel_loop3A_326 = arith.addf %parallel_loop3A_323, %parallel_loop3A_325 : vector<16xf32>
          %parallel_loop3A_327 = arith.constant 0.000000e+00 : f32
          %parallel_loop3A_328 = vector.broadcast %parallel_loop3A_327 : f32 to vector<16xf32>
          %parallel_loop3A_329 = arith.maximumf %parallel_loop3A_326, %parallel_loop3A_328 : vector<16xf32>
          %parallel_loop3A_330 = arith.constant 1 : i32
          %parallel_loop3A_331 = arith.index_cast %parallel_loop3A_330 : i32 to index
          %parallel_loop3A_332 = arith.index_cast %parallel_loop3A_233 : i32 to index
          %parallel_loop3A_333 = arith.constant 96 : index
          %parallel_loop3A_334 = tpu.vector_load %arg14[%parallel_loop3A_331, %parallel_loop3A_332, %parallel_loop3A_333] {strides = array<i32>} : memref<2x50x128xf32, #tpu.memory_space<vmem>>, vector<16xf32>,
          tpu.vector_store %arg14[%parallel_loop3A_331, %parallel_loop3A_332, %parallel_loop3A_333], %parallel_loop3A_329 {strides = array<i32>} : memref<2x50x128xf32, #tpu.memory_space<vmem>>, vector<16xf32>,
          %parallel_loop3A_335 = arith.mulf %parallel_loop3A_236, %get3A_90 : vector<16xf32>
          %parallel_loop3A_336 = arith.addf %parallel_loop3A_324, %parallel_loop3A_335 : vector<16xf32>
          %parallel_loop3A_337 = arith.constant 0.000000e+00 : f32
          %parallel_loop3A_338 = vector.broadcast %parallel_loop3A_337 : f32 to vector<16xf32>
          %parallel_loop3A_339 = arith.maximumf %parallel_loop3A_336, %parallel_loop3A_338 : vector<16xf32>
          %parallel_loop3A_340 = arith.constant 1 : i32
          %parallel_loop3A_341 = arith.index_cast %parallel_loop3A_340 : i32 to index
          %parallel_loop3A_342 = arith.index_cast %parallel_loop3A_233 : i32 to index
          %parallel_loop3A_343 = arith.constant 112 : index
          %parallel_loop3A_344 = tpu.vector_load %arg14[%parallel_loop3A_341, %parallel_loop3A_342, %parallel_loop3A_343] {strides = array<i32>} : memref<2x50x128xf32, #tpu.memory_space<vmem>>, vector<16xf32>,
          tpu.vector_store %arg14[%parallel_loop3A_341, %parallel_loop3A_342, %parallel_loop3A_343], %parallel_loop3A_339 {strides = array<i32>} : memref<2x50x128xf32, #tpu.memory_space<vmem>>, vector<16xf32>,
        } {sc.loop_unroll_factor = 5 : i64, sc.parallel_access}
        %dma_start3A_222 = arith.constant 1 : i32
        %dma_start3A_223 = arith.constant 0 : i32
        %dma_start3A_224 = arith.constant 0 : i32
        %dma_start3A_225 = tpu.memref_slice %arg14[%dma_start3A_222, %dma_start3A_223, %dma_start3A_224] : memref<2x50x128xf32, #tpu.memory_space<vmem>> -> memref<1x50x128xf32, #tpu.memory_space<vmem>>
        %dma_start3A_226 = tpu.memref_squeeze %dma_start3A_225 : memref<1x50x128xf32, #tpu.memory_space<vmem>> -> memref<50x128xf32, #tpu.memory_space<vmem>>
        %dma_start3A_227 = arith.constant 0 : i32
        %dma_start3A_228 = tpu.memref_slice %arg11[%add3A_156, %dma_start3A_227] : memref<20x50xi32, #tpu.memory_space<vmem>> -> memref<1x50xi32, #tpu.memory_space<vmem>>
        %dma_start3A_229 = tpu.memref_squeeze %dma_start3A_228 : memref<1x50xi32, #tpu.memory_space<vmem>> -> memref<50xi32, #tpu.memory_space<vmem>>
        %dma_start3A_230 = arith.constant 0 : i32
        %dma_start3A_231 = arith.constant 0 : i32
        %dma_start3A_232 = tpu.memref_slice %arg17[%dma_start3A_230, %dma_start3A_231] : memref<10000x128xf32, #tpu.memory_space<vmem_shared>> -> memref<10000x128xf32, #tpu.memory_space<vmem_shared>>
        tpu.enqueue_indirect_dma source(%dma_start3A_226 : memref<50x128xf32, #tpu.memory_space<vmem>>) target(%dma_start3A_232 : memref<10000x128xf32, #tpu.memory_space<vmem_shared>>) offsets(%dma_start3A_229 : memref<50xi32, #tpu.memory_space<vmem>>) semaphore(%arg22 : memref<!tpu.dma_semaphore, #tpu.memory_space<semaphore_mem>>) {add = true}
      }
      %scan3A_123 = arith.constant 10 : i32
      %dma_wait3A = arith.constant 0 : i32
      %dma_wait3A_124 = arith.constant 18 : i32
      %dma_wait3A_125 = arith.constant 0 : i32
      %dma_wait3A_126 = arith.constant 0 : i32
      %dma_wait3A_127 = tpu.memref_slice %arg14[%dma_wait3A, %dma_wait3A_125, %dma_wait3A_126] : memref<2x50x128xf32, #tpu.memory_space<vmem>> -> memref<1x50x128xf32, #tpu.memory_space<vmem>>
      %dma_wait3A_128 = tpu.memref_squeeze %dma_wait3A_127 : memref<1x50x128xf32, #tpu.memory_space<vmem>> -> memref<50x128xf32, #tpu.memory_space<vmem>>
      %dma_wait3A_129 = arith.constant 0 : i32
      %dma_wait3A_130 = tpu.memref_slice %arg11[%dma_wait3A_124, %dma_wait3A_129] : memref<20x50xi32, #tpu.memory_space<vmem>> -> memref<1x50xi32, #tpu.memory_space<vmem>>
      %dma_wait3A_131 = tpu.memref_squeeze %dma_wait3A_130 : memref<1x50xi32, #tpu.memory_space<vmem>> -> memref<50xi32, #tpu.memory_space<vmem>>
      %dma_wait3A_132 = arith.constant 0 : i32
      %dma_wait3A_133 = arith.constant 0 : i32
      %dma_wait3A_134 = tpu.memref_slice %arg17[%dma_wait3A_132, %dma_wait3A_133] : memref<10000x128xf32, #tpu.memory_space<vmem_shared>> -> memref<10000x128xf32, #tpu.memory_space<vmem_shared>>
      tpu.wait_indirect_dma semaphore(%arg21 : memref<!tpu.dma_semaphore, #tpu.memory_space<semaphore_mem>>) src(%dma_wait3A_128 : memref<50x128xf32, #tpu.memory_space<vmem>>) dst(%dma_wait3A_134 : memref<10000x128xf32, #tpu.memory_space<vmem_shared>>)
      %dma_wait3A_135 = arith.constant 1 : i32
      %dma_wait3A_136 = arith.constant 19 : i32
      %dma_wait3A_137 = arith.constant 0 : i32
      %dma_wait3A_138 = arith.constant 0 : i32
      %dma_wait3A_139 = tpu.memref_slice %arg14[%dma_wait3A_135, %dma_wait3A_137, %dma_wait3A_138] : memref<2x50x128xf32, #tpu.memory_space<vmem>> -> memref<1x50x128xf32, #tpu.memory_space<vmem>>
      %dma_wait3A_140 = tpu.memref_squeeze %dma_wait3A_139 : memref<1x50x128xf32, #tpu.memory_space<vmem>> -> memref<50x128xf32, #tpu.memory_space<vmem>>
      %dma_wait3A_141 = arith.constant 0 : i32
      %dma_wait3A_142 = tpu.memref_slice %arg11[%dma_wait3A_136, %dma_wait3A_141] : memref<20x50xi32, #tpu.memory_space<vmem>> -> memref<1x50xi32, #tpu.memory_space<vmem>>
      %dma_wait3A_143 = tpu.memref_squeeze %dma_wait3A_142 : memref<1x50xi32, #tpu.memory_space<vmem>> -> memref<50xi32, #tpu.memory_space<vmem>>
      %dma_wait3A_144 = arith.constant 0 : i32
      %dma_wait3A_145 = arith.constant 0 : i32
      %dma_wait3A_146 = tpu.memref_slice %arg17[%dma_wait3A_144, %dma_wait3A_145] : memref<10000x128xf32, #tpu.memory_space<vmem_shared>> -> memref<10000x128xf32, #tpu.memory_space<vmem_shared>>
      tpu.wait_indirect_dma semaphore(%arg22 : memref<!tpu.dma_semaphore, #tpu.memory_space<semaphore_mem>>) src(%dma_wait3A_140 : memref<50x128xf32, #tpu.memory_space<vmem>>) dst(%dma_wait3A_146 : memref<10000x128xf32, #tpu.memory_space<vmem_shared>>)
      %eq3A_147 = arith.constant 0 : i32
      %eq3A_148 = arith.cmpi eq, %arg0, %eq3A_147 : i32
      %convert_element_type3A_149 = arith.extui %eq3A_148 : i1 to i32
      %cond3A_150 = arith.constant 0 : i32
      %cond3A_151 = arith.cmpi ne, %convert_element_type3A_149, %cond3A_150 : i32
      scf.if %cond3A_151 {
        %scan3A_152 = arith.constant 0 : i32
        %scan3A_153 = arith.constant 0 : i32
        %scan3A_154 = arith.constant 20 : i32
        %scan3A_155 = arith.addi %scan3A_153, %scan3A_154 : i32
        %scan3A_156 = arith.constant 1 : i32
        scf.for %scan3A_158 = %scan3A_153 to %scan3A_155 step %scan3A_156  : i32 {
          %dma_wait3A_159 = arith.constant 0 : i32
          %dma_wait3A_160 = tpu.memref_slice %arg11[%scan3A_158, %dma_wait3A_159] : memref<20x50xi32, #tpu.memory_space<vmem>> -> memref<1x50xi32, #tpu.memory_space<vmem>>
          %dma_wait3A_161 = tpu.memref_squeeze %dma_wait3A_160 : memref<1x50xi32, #tpu.memory_space<vmem>> -> memref<50xi32, #tpu.memory_space<vmem>>
          %dma_wait3A_162 = arith.constant 0 : i32
          %dma_wait3A_163 = arith.constant 0 : i32
          %dma_wait3A_164 = tpu.memref_slice %arg18[%dma_wait3A_162, %dma_wait3A_163] : memref<10000x16xf32, #tpu.memory_space<vmem_shared>> -> memref<10000x16xf32, #tpu.memory_space<vmem_shared>>
          tpu.wait_indirect_dma semaphore(%arg23 : memref<!tpu.dma_semaphore, #tpu.memory_space<semaphore_mem>>) src(%arg15 : memref<50x16xf32, #tpu.memory_space<vmem>>) dst(%dma_wait3A_164 : memref<10000x16xf32, #tpu.memory_space<vmem_shared>>)
        }
        %scan3A_157 = arith.constant 20 : i32
      } else {
      }
    }
    %scan3A_96 = arith.constant 10 : i32
    %barrier3A_97 = arith.constant 0 : index
    tpu.barrier barrier_id(%barrier3A_97)
    %mul3A_98 = arith.constant 625 : i32
    %mul3A_99 = arith.muli %arg1, %mul3A_98 : i32
    %mul3A_100 = arith.constant 625 : i32
    %mul3A_101 = arith.muli %arg1, %mul3A_100 : i32
    "tpu.region"() ({
      %run_scoped3A_107 = tpu.sem_alloc : memref<!tpu.dma_semaphore, #tpu.memory_space<semaphore_mem>>
      %dma_start3A = arith.constant 0 : i32
      %dma_start3A_108 = tpu.memref_slice %arg8[%arg0, %mul3A_101, %dma_start3A] : memref<2x10000x128xf32, #tpu.memory_space<hbm>> -> memref<1x625x128xf32, #tpu.memory_space<hbm>>
      %dma_start3A_109 = tpu.memref_squeeze %dma_start3A_108 : memref<1x625x128xf32, #tpu.memory_space<hbm>> -> memref<625x128xf32, #tpu.memory_space<hbm>>
      %dma_start3A_110 = arith.constant 0 : i32
      %dma_start3A_111 = tpu.memref_slice %arg17[%mul3A_99, %dma_start3A_110] : memref<10000x128xf32, #tpu.memory_space<vmem_shared>> -> memref<625x128xf32, #tpu.memory_space<vmem_shared>>
      tpu.enqueue_dma source(%dma_start3A_111 : memref<625x128xf32, #tpu.memory_space<vmem_shared>>) target(%dma_start3A_109 : memref<625x128xf32, #tpu.memory_space<hbm>>) target_semaphore(%run_scoped3A_107 : memref<!tpu.dma_semaphore, #tpu.memory_space<semaphore_mem>>)
      %dma_wait3A = arith.constant 0 : i32
      %dma_wait3A_112 = tpu.memref_slice %arg8[%arg0, %mul3A_101, %dma_wait3A] : memref<2x10000x128xf32, #tpu.memory_space<hbm>> -> memref<1x625x128xf32, #tpu.memory_space<hbm>>
      %dma_wait3A_113 = tpu.memref_squeeze %dma_wait3A_112 : memref<1x625x128xf32, #tpu.memory_space<hbm>> -> memref<625x128xf32, #tpu.memory_space<hbm>>
      %dma_wait3A_114 = arith.constant 0 : i32
      %dma_wait3A_115 = tpu.memref_slice %arg17[%mul3A_99, %dma_wait3A_114] : memref<10000x128xf32, #tpu.memory_space<vmem_shared>> -> memref<625x128xf32, #tpu.memory_space<vmem_shared>>
      tpu.wait_dma2 semaphore(%run_scoped3A_107 : memref<!tpu.dma_semaphore, #tpu.memory_space<semaphore_mem>>) src(%dma_wait3A_115 : memref<625x128xf32, #tpu.memory_space<vmem_shared>>) dst(%dma_wait3A_113 : memref<625x128xf32, #tpu.memory_space<hbm>>)
      tpu.yield
    }) : () -> ()
    %eq3A_102 = arith.constant 0 : i32
    %eq3A_103 = arith.cmpi eq, %arg0, %eq3A_102 : i32
    %convert_element_type3A_104 = arith.extui %eq3A_103 : i1 to i32
    %cond3A_105 = arith.constant 0 : i32
    %cond3A_106 = arith.cmpi ne, %convert_element_type3A_104, %cond3A_105 : i32
    scf.if %cond3A_106 {
      %mul3A_107 = arith.constant 625 : i32
      %mul3A_108 = arith.muli %arg1, %mul3A_107 : i32
      %mul3A_109 = arith.constant 625 : i32
      %mul3A_110 = arith.muli %arg1, %mul3A_109 : i32
      "tpu.region"() ({
        %run_scoped3A_111 = tpu.sem_alloc : memref<!tpu.dma_semaphore, #tpu.memory_space<semaphore_mem>>
        %dma_start3A = arith.constant 0 : i32
        %dma_start3A_112 = tpu.memref_slice %arg9[%mul3A_110, %dma_start3A] : memref<10000x16xf32, #tpu.memory_space<hbm>> -> memref<625x16xf32, #tpu.memory_space<hbm>>
        %dma_start3A_113 = arith.constant 0 : i32
        %dma_start3A_114 = tpu.memref_slice %arg18[%mul3A_108, %dma_start3A_113] : memref<10000x16xf32, #tpu.memory_space<vmem_shared>> -> memref<625x16xf32, #tpu.memory_space<vmem_shared>>
        tpu.enqueue_dma source(%dma_start3A_114 : memref<625x16xf32, #tpu.memory_space<vmem_shared>>) target(%dma_start3A_112 : memref<625x16xf32, #tpu.memory_space<hbm>>) target_semaphore(%run_scoped3A_111 : memref<!tpu.dma_semaphore, #tpu.memory_space<semaphore_mem>>)
        %dma_wait3A = arith.constant 0 : i32
        %dma_wait3A_115 = tpu.memref_slice %arg9[%mul3A_110, %dma_wait3A] : memref<10000x16xf32, #tpu.memory_space<hbm>> -> memref<625x16xf32, #tpu.memory_space<hbm>>
        %dma_wait3A_116 = arith.constant 0 : i32
        %dma_wait3A_117 = tpu.memref_slice %arg18[%mul3A_108, %dma_wait3A_116] : memref<10000x16xf32, #tpu.memory_space<vmem_shared>> -> memref<625x16xf32, #tpu.memory_space<vmem_shared>>
        tpu.wait_dma2 semaphore(%run_scoped3A_111 : memref<!tpu.dma_semaphore, #tpu.memory_space<semaphore_mem>>) src(%dma_wait3A_117 : memref<625x16xf32, #tpu.memory_space<vmem_shared>>) dst(%dma_wait3A_115 : memref<625x16xf32, #tpu.memory_space<hbm>>)
        tpu.yield
      }) : () -> ()
    } else {
    }
    return
  }
}

module attributes {stable_mosaic.version = 14 : i64} {
  func.func @_c_body(%arg0: i32, %arg1: memref<1000x256xf32, #tpu.memory_space<vmem>>, %arg2: memref<1000x64xf32, #tpu.memory_space<vmem>>, %arg3: memref<64x256xf32, #tpu.memory_space<vmem>>, %arg4: memref<256x256xf32, #tpu.memory_space<vmem>>, %arg5: memref<256x256xf32, #tpu.memory_space<vmem>>, %arg6: memref<1x256xf32, #tpu.memory_space<vmem>>, %arg7: memref<1000x128xbf16, #tpu.memory_space<vmem>>, %arg8: memref<1000x128xbf16, #tpu.memory_space<vmem>>) attributes {dimension_semantics = [#tpu.dimension_semantics<arbitrary>], iteration_bounds = array<i64: 10>, scalar_prefetch = 0 : i64, scratch_operands = 0 : i64, tpu.core_type = #tpu.core_type<tc>, window_params = [{transform_indices = @transform_0, window_bounds = array<i64: 1000, 256>}, {transform_indices = @transform_1, window_bounds = array<i64: 1000, 64>}, {pipeline_mode = #tpu.pipeline_mode<synchronous>, transform_indices = @transform_2, window_bounds = array<i64: 64, 256>}, {transform_indices = @transform_3, window_bounds = array<i64: 256, 256>}, {transform_indices = @transform_4, window_bounds = array<i64: 256, 256>}, {pipeline_mode = #tpu.pipeline_mode<synchronous>, transform_indices = @transform_5, window_bounds = array<i64: 1, 256>}, {transform_indices = @transform_6, window_bounds = array<i64: 1000, 128>}, {transform_indices = @transform_7, window_bounds = array<i64: 1000, 128>}]} {
    %get3A = arith.constant 0 : index
    %get3A_0 = arith.constant 0 : index
    %get3A_1 = vector.load %arg1[%get3A, %get3A_0] : memref<1000x256xf32, #tpu.memory_space<vmem>>, vector<1000x256xf32>
    %get3A_2 = arith.constant 0 : index
    %get3A_3 = arith.constant 0 : index
    %get3A_4 = vector.load %arg2[%get3A_2, %get3A_3] : memref<1000x64xf32, #tpu.memory_space<vmem>>, vector<1000x64xf32>
    %get3A_5 = arith.constant 0 : index
    %get3A_6 = arith.constant 0 : index
    %get3A_7 = vector.load %arg3[%get3A_5, %get3A_6] : memref<64x256xf32, #tpu.memory_space<vmem>>, vector<64x256xf32>
    %dot_general3A = arith.constant dense<0.000000e+00> : vector<1000x256xf32>
    %dot_general3A_8 = tpu.matmul %get3A_4, %get3A_7, %dot_general3A {dimension_numbers = #tpu.dot_dimension_numbers<[1], [0], [0], [1], [0, 0, 1, 1], [], []>, transpose_lhs_hint = false} : vector<1000x64xf32>, vector<64x256xf32>, vector<1000x256xf32> -> vector<1000x256xf32>
    %get3A_9 = arith.constant 0 : index
    %get3A_10 = arith.constant 0 : index
    %get3A_11 = vector.load %arg4[%get3A_9, %get3A_10] : memref<256x256xf32, #tpu.memory_space<vmem>>, vector<256x256xf32>
    %dot_general3A_12 = arith.constant dense<0.000000e+00> : vector<1000x256xf32>
    %dot_general3A_13 = tpu.matmul %get3A_1, %get3A_11, %dot_general3A_12 {dimension_numbers = #tpu.dot_dimension_numbers<[1], [1], [0], [0], [0, 0, 1, 0], [], []>, transpose_lhs_hint = false} : vector<1000x256xf32>, vector<256x256xf32>, vector<1000x256xf32> -> vector<1000x256xf32>
    %get3A_14 = arith.constant 0 : index
    %get3A_15 = arith.constant 0 : index
    %get3A_16 = vector.load %arg5[%get3A_14, %get3A_15] : memref<256x256xf32, #tpu.memory_space<vmem>>, vector<256x256xf32>
    %dot_general3A_17 = arith.constant dense<0.000000e+00> : vector<1000x256xf32>
    %dot_general3A_18 = tpu.matmul %dot_general3A_8, %get3A_16, %dot_general3A_17 {dimension_numbers = #tpu.dot_dimension_numbers<[1], [1], [0], [0], [0, 0, 1, 0], [], []>, transpose_lhs_hint = false} : vector<1000x256xf32>, vector<256x256xf32>, vector<1000x256xf32> -> vector<1000x256xf32>
    %add3A = arith.addf %dot_general3A_13, %dot_general3A_18 : vector<1000x256xf32>
    %get3A_19 = arith.constant 0 : index
    %get3A_20 = arith.constant 0 : index
    %get3A_21 = vector.load %arg6[%get3A_19, %get3A_20] : memref<1x256xf32, #tpu.memory_space<vmem>>, vector<1x256xf32>
    %add3A_22 = vector.broadcast %get3A_21 : vector<1x256xf32> to vector<1000x256xf32>
    %add3A_23 = arith.addf %add3A, %add3A_22 : vector<1000x256xf32>
    %convert_element_type3A = arith.truncf %add3A_23 : vector<1000x256xf32> to vector<1000x256xbf16>
    %slice3A = vector.extract_strided_slice %convert_element_type3A {offsets = [0, 0], sizes = [1000, 128], strides = [1, 1]} : vector<1000x256xbf16> to vector<1000x128xbf16>
    %swap3A = arith.constant 0 : index
    %swap3A_24 = arith.constant 0 : index
    %swap3A_25 = vector.load %arg7[%swap3A, %swap3A_24] : memref<1000x128xbf16, #tpu.memory_space<vmem>>, vector<1000x128xbf16>
    tpu.vector_store %arg7[%swap3A, %swap3A_24], %slice3A {strides = array<i32>} : memref<1000x128xbf16, #tpu.memory_space<vmem>>, vector<1000x128xbf16>,
    %slice3A_26 = vector.extract_strided_slice %convert_element_type3A {offsets = [0, 128], sizes = [1000, 128], strides = [1, 1]} : vector<1000x256xbf16> to vector<1000x128xbf16>
    %swap3A_27 = arith.constant 0 : index
    %swap3A_28 = arith.constant 0 : index
    %swap3A_29 = vector.load %arg8[%swap3A_27, %swap3A_28] : memref<1000x128xbf16, #tpu.memory_space<vmem>>, vector<1000x128xbf16>
    tpu.vector_store %arg8[%swap3A_27, %swap3A_28], %slice3A_26 {strides = array<i32>} : memref<1000x128xbf16, #tpu.memory_space<vmem>>, vector<1000x128xbf16>,
    return
  }
  func.func @transform_0(%arg0: i32) -> (i32, i32) {
    %c0_i32 = arith.constant 0 : i32
    %c0_i32_0 = arith.constant 0 : i32
    return %arg0, %c0_i32 : i32, i32
  }
  func.func @transform_1(%arg0: i32) -> (i32, i32) {
    %c0_i32 = arith.constant 0 : i32
    %c0_i32_0 = arith.constant 0 : i32
    return %arg0, %c0_i32 : i32, i32
  }
  func.func @transform_2(%arg0: i32) -> (i32, i32) {
    %c0_i32 = arith.constant 0 : i32
    %c0_i32_0 = arith.constant 0 : i32
    %c0_i32_1 = arith.constant 0 : i32
    return %c0_i32, %c0_i32_0 : i32, i32
  }
  func.func @transform_3(%arg0: i32) -> (i32, i32) {
    %c0_i32 = arith.constant 0 : i32
    %c0_i32_0 = arith.constant 0 : i32
    %c0_i32_1 = arith.constant 0 : i32
    return %c0_i32, %c0_i32_0 : i32, i32
  }
  func.func @transform_4(%arg0: i32) -> (i32, i32) {
    %c0_i32 = arith.constant 0 : i32
    %c1_i32 = arith.constant 1 : i32
    %c0_i32_0 = arith.constant 0 : i32
    return %c0_i32, %c1_i32 : i32, i32
  }
  func.func @transform_5(%arg0: i32) -> (i32, i32) {
    %c0_i32 = arith.constant 0 : i32
    %c0_i32_0 = arith.constant 0 : i32
    %c0_i32_1 = arith.constant 0 : i32
    return %c0_i32, %c0_i32_0 : i32, i32
  }
  func.func @transform_6(%arg0: i32) -> (i32, i32) {
    %c0_i32 = arith.constant 0 : i32
    %c0_i32_0 = arith.constant 0 : i32
    return %arg0, %c0_i32 : i32, i32
  }
  func.func @transform_7(%arg0: i32) -> (i32, i32) {
    %c0_i32 = arith.constant 0 : i32
    %c0_i32_0 = arith.constant 0 : i32
    return %arg0, %c0_i32 : i32, i32
  }
}

module attributes {stable_mosaic.version = 14 : i64} {
  func.func @_a_body(%arg0: i32, %arg1: memref<1000x256xf32, #tpu.memory_space<vmem>>, %arg2: memref<256x256xf32, #tpu.memory_space<vmem>>, %arg3: memref<1x256xf32, #tpu.memory_space<vmem>>, %arg4: memref<1000x64xf32, #tpu.memory_space<vmem>>, %arg5: memref<2048x1xi32, #tpu.memory_space<vmem>>, %arg6: memref<2048x1xi32, #tpu.memory_space<vmem>>, %arg7: memref<2048x16xf32, #tpu.memory_space<vmem>>, %arg8: memref<256x256xf32, #tpu.memory_space<vmem>>, %arg9: memref<256x16xf32, #tpu.memory_space<vmem>>, %arg10: memref<1x256xf32, #tpu.memory_space<vmem>>, %arg11: memref<256x256xf32, #tpu.memory_space<vmem>>, %arg12: memref<256x256xf32, #tpu.memory_space<vmem>>, %arg13: memref<1x256xf32, #tpu.memory_space<vmem>>, %arg14: memref<1000x256xf32, #tpu.memory_space<vmem>>, %arg15: memref<64x256xf32, #tpu.memory_space<vmem>>, %arg16: memref<64x256xf32, #tpu.memory_space<vmem>>) attributes {dimension_semantics = [#tpu.dimension_semantics<arbitrary>], iteration_bounds = array<i64: 10>, scalar_prefetch = 0 : i64, scratch_operands = 0 : i64, tpu.core_type = #tpu.core_type<tc>, window_params = [{transform_indices = @transform_0, window_bounds = array<i64: 1000, 256>}, {pipeline_mode = #tpu.pipeline_mode<synchronous>, transform_indices = @transform_1, window_bounds = array<i64: 256, 256>}, {pipeline_mode = #tpu.pipeline_mode<synchronous>, transform_indices = @transform_2, window_bounds = array<i64: 1, 256>}, {transform_indices = @transform_3, window_bounds = array<i64: 1000, 64>}, {pipeline_mode = #tpu.pipeline_mode<synchronous>, transform_indices = @transform_4, window_bounds = array<i64: 2048, 1>}, {pipeline_mode = #tpu.pipeline_mode<synchronous>, transform_indices = @transform_5, window_bounds = array<i64: 2048, 1>}, {pipeline_mode = #tpu.pipeline_mode<synchronous>, transform_indices = @transform_6, window_bounds = array<i64: 2048, 16>}, {transform_indices = @transform_7, window_bounds = array<i64: 256, 256>}, {pipeline_mode = #tpu.pipeline_mode<synchronous>, transform_indices = @transform_8, window_bounds = array<i64: 256, 16>}, {pipeline_mode = #tpu.pipeline_mode<synchronous>, transform_indices = @transform_9, window_bounds = array<i64: 1, 256>}, {transform_indices = @transform_10, window_bounds = array<i64: 256, 256>}, {transform_indices = @transform_11, window_bounds = array<i64: 256, 256>}, {pipeline_mode = #tpu.pipeline_mode<synchronous>, transform_indices = @transform_12, window_bounds = array<i64: 1, 256>}, {transform_indices = @transform_13, window_bounds = array<i64: 1000, 256>}, {pipeline_mode = #tpu.pipeline_mode<synchronous>, transform_indices = @transform_14, window_bounds = array<i64: 64, 256>}, {pipeline_mode = #tpu.pipeline_mode<synchronous>, transform_indices = @transform_15, window_bounds = array<i64: 64, 256>}]} {
    %get3A = arith.constant 0 : index
    %get3A_0 = arith.constant 0 : index
    %get3A_1 = vector.load %arg1[%get3A, %get3A_0] : memref<1000x256xf32, #tpu.memory_space<vmem>>, vector<1000x256xf32>
    %get3A_2 = arith.constant 0 : index
    %get3A_3 = arith.constant 0 : index
    %get3A_4 = vector.load %arg2[%get3A_2, %get3A_3] : memref<256x256xf32, #tpu.memory_space<vmem>>, vector<256x256xf32>
    %dot_general3A = arith.constant dense<0.000000e+00> : vector<1000x256xf32>
    %dot_general3A_5 = tpu.matmul %get3A_1, %get3A_4, %dot_general3A {dimension_numbers = #tpu.dot_dimension_numbers<[1], [1], [0], [0], [0, 0, 1, 0], [], []>, transpose_lhs_hint = false} : vector<1000x256xf32>, vector<256x256xf32>, vector<1000x256xf32> -> vector<1000x256xf32>
    %get3A_6 = arith.constant 0 : index
    %get3A_7 = arith.constant 0 : index
    %get3A_8 = vector.load %arg3[%get3A_6, %get3A_7] : memref<1x256xf32, #tpu.memory_space<vmem>>, vector<1x256xf32>
    %add3A = vector.broadcast %get3A_8 : vector<1x256xf32> to vector<1000x256xf32>
    %add3A_9 = arith.addf %dot_general3A_5, %add3A : vector<1000x256xf32>
    %swap3A = arith.constant 0 : index
    %swap3A_10 = arith.constant 0 : index
    %swap3A_11 = vector.load %arg14[%swap3A, %swap3A_10] : memref<1000x256xf32, #tpu.memory_space<vmem>>, vector<1000x256xf32>
    tpu.vector_store %arg14[%swap3A, %swap3A_10], %add3A_9 {strides = array<i32>} : memref<1000x256xf32, #tpu.memory_space<vmem>>, vector<1000x256xf32>,
    %get3A_12 = arith.constant 0 : index
    %get3A_13 = arith.constant 0 : index
    %get3A_14 = vector.load %arg4[%get3A_12, %get3A_13] : memref<1000x64xf32, #tpu.memory_space<vmem>>, vector<1000x64xf32>
    %dot_general3A_15 = arith.constant dense<0.000000e+00> : vector<64x256xf32>
    %dot_general3A_16 = tpu.matmul %get3A_14, %add3A_9, %dot_general3A_15 {dimension_numbers = #tpu.dot_dimension_numbers<[0], [0], [1], [1], [0, 1, 1, 1], [], []>, transpose_lhs_hint = false} : vector<1000x64xf32>, vector<1000x256xf32>, vector<64x256xf32> -> vector<64x256xf32>
    %eq3A = arith.constant 0 : i32
    %eq3A_17 = arith.cmpi eq, %arg0, %eq3A : i32
    %convert_element_type3A = arith.extui %eq3A_17 : i1 to i32
    %cond3A = arith.constant 0 : i32
    %cond3A_18 = arith.cmpi ne, %convert_element_type3A, %cond3A : i32
    scf.if %cond3A_18 {
      %swap3A_28 = arith.constant 0 : index
      %swap3A_29 = arith.constant 0 : index
      %swap3A_30 = vector.load %arg16[%swap3A_28, %swap3A_29] : memref<64x256xf32, #tpu.memory_space<vmem>>, vector<64x256xf32>
      tpu.vector_store %arg16[%swap3A_28, %swap3A_29], %dot_general3A_16 {strides = array<i32>} : memref<64x256xf32, #tpu.memory_space<vmem>>, vector<64x256xf32>,
    } else {
    }
    %ne3A = arith.constant 0 : i32
    %ne3A_19 = arith.cmpi ne, %arg0, %ne3A : i32
    %convert_element_type3A_20 = arith.extui %ne3A_19 : i1 to i32
    %cond3A_21 = arith.constant 0 : i32
    %cond3A_22 = arith.cmpi ne, %convert_element_type3A_20, %cond3A_21 : i32
    scf.if %cond3A_22 {
      %get3A_28 = arith.constant 0 : index
      %get3A_29 = arith.constant 0 : index
      %get3A_30 = vector.load %arg16[%get3A_28, %get3A_29] : memref<64x256xf32, #tpu.memory_space<vmem>>, vector<64x256xf32>
      %add3A_31 = arith.addf %get3A_30, %dot_general3A_16 : vector<64x256xf32>
      %swap3A_32 = arith.constant 0 : index
      %swap3A_33 = arith.constant 0 : index
      %swap3A_34 = vector.load %arg16[%swap3A_32, %swap3A_33] : memref<64x256xf32, #tpu.memory_space<vmem>>, vector<64x256xf32>
      tpu.vector_store %arg16[%swap3A_32, %swap3A_33], %add3A_31 {strides = array<i32>} : memref<64x256xf32, #tpu.memory_space<vmem>>, vector<64x256xf32>,
    } else {
    }
    %eq3A_23 = arith.constant 9 : i32
    %eq3A_24 = arith.cmpi eq, %arg0, %eq3A_23 : i32
    %convert_element_type3A_25 = arith.extui %eq3A_24 : i1 to i32
    %cond3A_26 = arith.constant 0 : i32
    %cond3A_27 = arith.cmpi ne, %convert_element_type3A_25, %cond3A_26 : i32
    scf.if %cond3A_27 {
      %get3A_28 = arith.constant 0 : index
      %get3A_29 = arith.constant 0 : index
      %get3A_30 = vector.load %arg16[%get3A_28, %get3A_29] : memref<64x256xf32, #tpu.memory_space<vmem>>, vector<64x256xf32>
      %iota3A = tpu.iota {dimensions = array<i32: 1>} : vector<2048x64xi32>
      %get3A_31 = arith.constant 0 : index
      %get3A_32 = arith.constant 0 : index
      %get3A_33 = vector.load %arg5[%get3A_31, %get3A_32] : memref<2048x1xi32, #tpu.memory_space<vmem>>, vector<2048x1xi32>
      %eq3A_34 = vector.broadcast %get3A_33 : vector<2048x1xi32> to vector<2048x64xi32>
      %eq3A_35 = arith.cmpi eq, %eq3A_34, %iota3A : vector<2048x64xi32>
      %convert_element_type3A_36 = arith.extui %eq3A_35 : vector<2048x64xi1> to vector<2048x64xi32>
      %convert_element_type3A_37 = arith.sitofp %convert_element_type3A_36 : vector<2048x64xi32> to vector<2048x64xf32>
      %get3A_38 = arith.constant 0 : index
      %get3A_39 = arith.constant 0 : index
      %get3A_40 = vector.load %arg6[%get3A_38, %get3A_39] : memref<2048x1xi32, #tpu.memory_space<vmem>>, vector<2048x1xi32>
      %eq3A_41 = vector.broadcast %get3A_40 : vector<2048x1xi32> to vector<2048x64xi32>
      %eq3A_42 = arith.cmpi eq, %eq3A_41, %iota3A : vector<2048x64xi32>
      %convert_element_type3A_43 = arith.extui %eq3A_42 : vector<2048x64xi1> to vector<2048x64xi32>
      %convert_element_type3A_44 = arith.sitofp %convert_element_type3A_43 : vector<2048x64xi32> to vector<2048x64xf32>
      %get3A_45 = arith.constant 0 : index
      %get3A_46 = arith.constant 0 : index
      %get3A_47 = vector.load %arg8[%get3A_45, %get3A_46] : memref<256x256xf32, #tpu.memory_space<vmem>>, vector<256x256xf32>
      %dot_general3A_48 = arith.constant dense<0.000000e+00> : vector<64x256xf32>
      %dot_general3A_49 = tpu.matmul %get3A_30, %get3A_47, %dot_general3A_48 {dimension_numbers = #tpu.dot_dimension_numbers<[1], [1], [0], [0], [0, 0, 1, 0], [], []>, transpose_lhs_hint = false} : vector<64x256xf32>, vector<256x256xf32>, vector<64x256xf32> -> vector<64x256xf32>
      %dot_general3A_50 = arith.constant dense<0.000000e+00> : vector<2048x256xf32>
      %dot_general3A_51 = tpu.matmul %convert_element_type3A_37, %dot_general3A_49, %dot_general3A_50 {dimension_numbers = #tpu.dot_dimension_numbers<[1], [0], [0], [1], [0, 0, 1, 1], [], []>, transpose_lhs_hint = false} : vector<2048x64xf32>, vector<64x256xf32>, vector<2048x256xf32> -> vector<2048x256xf32>
      %get3A_52 = arith.constant 0 : index
      %get3A_53 = arith.constant 0 : index
      %get3A_54 = vector.load %arg7[%get3A_52, %get3A_53] : memref<2048x16xf32, #tpu.memory_space<vmem>>, vector<2048x16xf32>
      %get3A_55 = arith.constant 0 : index
      %get3A_56 = arith.constant 0 : index
      %get3A_57 = vector.load %arg9[%get3A_55, %get3A_56] : memref<256x16xf32, #tpu.memory_space<vmem>>, vector<256x16xf32>
      %dot_general3A_58 = arith.constant dense<0.000000e+00> : vector<2048x256xf32>
      %dot_general3A_59 = tpu.matmul %get3A_54, %get3A_57, %dot_general3A_58 {dimension_numbers = #tpu.dot_dimension_numbers<[1], [1], [0], [0], [0, 0, 1, 0], [], []>, transpose_lhs_hint = false} : vector<2048x16xf32>, vector<256x16xf32>, vector<2048x256xf32> -> vector<2048x256xf32>
      %add3A_60 = arith.addf %dot_general3A_51, %dot_general3A_59 : vector<2048x256xf32>
      %get3A_61 = arith.constant 0 : index
      %get3A_62 = arith.constant 0 : index
      %get3A_63 = vector.load %arg10[%get3A_61, %get3A_62] : memref<1x256xf32, #tpu.memory_space<vmem>>, vector<1x256xf32>
      %add3A_64 = vector.broadcast %get3A_63 : vector<1x256xf32> to vector<2048x256xf32>
      %add3A_65 = arith.addf %add3A_60, %add3A_64 : vector<2048x256xf32>
      %max3A = arith.constant 0.000000e+00 : f32
      %max3A_66 = vector.broadcast %max3A : f32 to vector<2048x256xf32>
      %max3A_67 = arith.maximumf %add3A_65, %max3A_66 : vector<2048x256xf32>
      %dot_general3A_68 = arith.constant dense<0.000000e+00> : vector<64x256xf32>
      %dot_general3A_69 = tpu.matmul %convert_element_type3A_44, %max3A_67, %dot_general3A_68 {dimension_numbers = #tpu.dot_dimension_numbers<[0], [0], [1], [1], [0, 1, 1, 1], [], []>, transpose_lhs_hint = false} : vector<2048x64xf32>, vector<2048x256xf32>, vector<64x256xf32> -> vector<64x256xf32>
      %reduce_sum3A = arith.constant dense<0.000000e+00> : vector<64xf32>
      %reduce_sum3A_70 = vector.multi_reduction <add>, %convert_element_type3A_44, %reduce_sum3A [0] : vector<2048x64xf32> to vector<64xf32>
      %broadcast_in_dim3A = vector.shape_cast %reduce_sum3A_70 : vector<64xf32> to vector<1x64xf32>
      %max3A_71 = arith.constant 1.000000e+00 : f32
      %max3A_72 = vector.broadcast %max3A_71 : f32 to vector<1x64xf32>
      %max3A_73 = arith.maximumf %broadcast_in_dim3A, %max3A_72 : vector<1x64xf32>
      %reshape3A = vector.shape_cast %max3A_73 : vector<1x64xf32> to vector<64x1xf32>
      %div3A = vector.broadcast %reshape3A : vector<64x1xf32> to vector<64x256xf32>
      %div3A_74 = arith.divf %dot_general3A_69, %div3A : vector<64x256xf32>
      %get3A_75 = arith.constant 0 : index
      %get3A_76 = arith.constant 0 : index
      %get3A_77 = vector.load %arg11[%get3A_75, %get3A_76] : memref<256x256xf32, #tpu.memory_space<vmem>>, vector<256x256xf32>
      %dot_general3A_78 = arith.constant dense<0.000000e+00> : vector<64x256xf32>
      %dot_general3A_79 = tpu.matmul %get3A_30, %get3A_77, %dot_general3A_78 {dimension_numbers = #tpu.dot_dimension_numbers<[1], [1], [0], [0], [0, 0, 1, 0], [], []>, transpose_lhs_hint = false} : vector<64x256xf32>, vector<256x256xf32>, vector<64x256xf32> -> vector<64x256xf32>
      %get3A_80 = arith.constant 0 : index
      %get3A_81 = arith.constant 0 : index
      %get3A_82 = vector.load %arg12[%get3A_80, %get3A_81] : memref<256x256xf32, #tpu.memory_space<vmem>>, vector<256x256xf32>
      %dot_general3A_83 = arith.constant dense<0.000000e+00> : vector<64x256xf32>
      %dot_general3A_84 = tpu.matmul %div3A_74, %get3A_82, %dot_general3A_83 {dimension_numbers = #tpu.dot_dimension_numbers<[1], [1], [0], [0], [0, 0, 1, 0], [], []>, transpose_lhs_hint = false} : vector<64x256xf32>, vector<256x256xf32>, vector<64x256xf32> -> vector<64x256xf32>
      %add3A_85 = arith.addf %dot_general3A_79, %dot_general3A_84 : vector<64x256xf32>
      %get3A_86 = arith.constant 0 : index
      %get3A_87 = arith.constant 0 : index
      %get3A_88 = vector.load %arg13[%get3A_86, %get3A_87] : memref<1x256xf32, #tpu.memory_space<vmem>>, vector<1x256xf32>
      %add3A_89 = vector.broadcast %get3A_88 : vector<1x256xf32> to vector<64x256xf32>
      %add3A_90 = arith.addf %add3A_85, %add3A_89 : vector<64x256xf32>
      %max3A_91 = arith.constant 0.000000e+00 : f32
      %max3A_92 = vector.broadcast %max3A_91 : f32 to vector<64x256xf32>
      %max3A_93 = arith.maximumf %add3A_90, %max3A_92 : vector<64x256xf32>
      %swap3A_94 = arith.constant 0 : index
      %swap3A_95 = arith.constant 0 : index
      %swap3A_96 = vector.load %arg15[%swap3A_94, %swap3A_95] : memref<64x256xf32, #tpu.memory_space<vmem>>, vector<64x256xf32>
      tpu.vector_store %arg15[%swap3A_94, %swap3A_95], %max3A_93 {strides = array<i32>} : memref<64x256xf32, #tpu.memory_space<vmem>>, vector<64x256xf32>,
    } else {
    }
    return
  }
  func.func @transform_0(%arg0: i32) -> (i32, i32) {
    %c0_i32 = arith.constant 0 : i32
    %c0_i32_0 = arith.constant 0 : i32
    return %arg0, %c0_i32 : i32, i32
  }
  func.func @transform_1(%arg0: i32) -> (i32, i32) {
    %c0_i32 = arith.constant 0 : i32
    %c0_i32_0 = arith.constant 0 : i32
    %c0_i32_1 = arith.constant 0 : i32
    return %c0_i32, %c0_i32_0 : i32, i32
  }
  func.func @transform_2(%arg0: i32) -> (i32, i32) {
    %c0_i32 = arith.constant 0 : i32
    %c0_i32_0 = arith.constant 0 : i32
    %c0_i32_1 = arith.constant 0 : i32
    return %c0_i32, %c0_i32_0 : i32, i32
  }
  func.func @transform_3(%arg0: i32) -> (i32, i32) {
    %c0_i32 = arith.constant 0 : i32
    %c0_i32_0 = arith.constant 0 : i32
    return %arg0, %c0_i32 : i32, i32
  }
  func.func @transform_4(%arg0: i32) -> (i32, i32) {
    %c0_i32 = arith.constant 0 : i32
    %c0_i32_0 = arith.constant 0 : i32
    %c0_i32_1 = arith.constant 0 : i32
    return %c0_i32, %c0_i32_0 : i32, i32
  }
  func.func @transform_5(%arg0: i32) -> (i32, i32) {
    %c0_i32 = arith.constant 0 : i32
    %c0_i32_0 = arith.constant 0 : i32
    %c0_i32_1 = arith.constant 0 : i32
    return %c0_i32, %c0_i32_0 : i32, i32
  }
  func.func @transform_6(%arg0: i32) -> (i32, i32) {
    %c0_i32 = arith.constant 0 : i32
    %c0_i32_0 = arith.constant 0 : i32
    %c0_i32_1 = arith.constant 0 : i32
    return %c0_i32, %c0_i32_0 : i32, i32
  }
  func.func @transform_7(%arg0: i32) -> (i32, i32) {
    %c0_i32 = arith.constant 0 : i32
    %c0_i32_0 = arith.constant 0 : i32
    %c0_i32_1 = arith.constant 0 : i32
    return %c0_i32, %c0_i32_0 : i32, i32
  }
  func.func @transform_8(%arg0: i32) -> (i32, i32) {
    %c0_i32 = arith.constant 0 : i32
    %c0_i32_0 = arith.constant 0 : i32
    %c0_i32_1 = arith.constant 0 : i32
    return %c0_i32, %c0_i32_0 : i32, i32
  }
  func.func @transform_9(%arg0: i32) -> (i32, i32) {
    %c0_i32 = arith.constant 0 : i32
    %c0_i32_0 = arith.constant 0 : i32
    %c0_i32_1 = arith.constant 0 : i32
    return %c0_i32, %c0_i32_0 : i32, i32
  }
  func.func @transform_10(%arg0: i32) -> (i32, i32) {
    %c0_i32 = arith.constant 0 : i32
    %c0_i32_0 = arith.constant 0 : i32
    %c0_i32_1 = arith.constant 0 : i32
    return %c0_i32, %c0_i32_0 : i32, i32
  }
  func.func @transform_11(%arg0: i32) -> (i32, i32) {
    %c0_i32 = arith.constant 0 : i32
    %c1_i32 = arith.constant 1 : i32
    %c0_i32_0 = arith.constant 0 : i32
    return %c0_i32, %c1_i32 : i32, i32
  }
  func.func @transform_12(%arg0: i32) -> (i32, i32) {
    %c0_i32 = arith.constant 0 : i32
    %c0_i32_0 = arith.constant 0 : i32
    %c0_i32_1 = arith.constant 0 : i32
    return %c0_i32, %c0_i32_0 : i32, i32
  }
  func.func @transform_13(%arg0: i32) -> (i32, i32) {
    %c0_i32 = arith.constant 0 : i32
    %c0_i32_0 = arith.constant 0 : i32
    return %arg0, %c0_i32 : i32, i32
  }
  func.func @transform_14(%arg0: i32) -> (i32, i32) {
    %c0_i32 = arith.constant 0 : i32
    %c0_i32_0 = arith.constant 0 : i32
    %c0_i32_1 = arith.constant 0 : i32
    return %c0_i32, %c0_i32_0 : i32, i32
  }
  func.func @transform_15(%arg0: i32) -> (i32, i32) {
    %c0_i32 = arith.constant 0 : i32
    %c0_i32_0 = arith.constant 0 : i32
    %c0_i32_1 = arith.constant 0 : i32
    return %c0_i32, %c0_i32_0 : i32, i32
  }
}

module attributes {stable_mosaic.version = 14 : i64} {
  func.func @_e_body(%arg0: i32, %arg1: memref<1000x256xf32, #tpu.memory_space<vmem>>, %arg2: memref<1000x64xf32, #tpu.memory_space<vmem>>, %arg3: memref<64x256xf32, #tpu.memory_space<vmem>>, %arg4: memref<1x1000x128xf32, #tpu.memory_space<vmem>>, %arg5: memref<1x1000x128xf32, #tpu.memory_space<vmem>>, %arg6: memref<1000x16xf32, #tpu.memory_space<vmem>>, %arg7: memref<256x256xf32, #tpu.memory_space<vmem>>, %arg8: memref<256x256xf32, #tpu.memory_space<vmem>>, %arg9: memref<1x256xf32, #tpu.memory_space<vmem>>, %arg10: memref<128x256xf32, #tpu.memory_space<vmem>>, %arg11: memref<128x256xf32, #tpu.memory_space<vmem>>, %arg12: memref<1000x256xf32, #tpu.memory_space<vmem>>) attributes {dimension_semantics = [#tpu.dimension_semantics<arbitrary>], iteration_bounds = array<i64: 10>, scalar_prefetch = 0 : i64, scratch_operands = 0 : i64, tpu.core_type = #tpu.core_type<tc>, window_params = [{transform_indices = @transform_0, window_bounds = array<i64: 1000, 256>}, {transform_indices = @transform_1, window_bounds = array<i64: 1000, 64>}, {pipeline_mode = #tpu.pipeline_mode<synchronous>, transform_indices = @transform_2, window_bounds = array<i64: 64, 256>}, {transform_indices = @transform_3, window_bounds = array<i64: 1, 1000, 128>}, {transform_indices = @transform_4, window_bounds = array<i64: 1, 1000, 128>}, {transform_indices = @transform_5, window_bounds = array<i64: 1000, 16>}, {transform_indices = @transform_6, window_bounds = array<i64: 256, 256>}, {transform_indices = @transform_7, window_bounds = array<i64: 256, 256>}, {pipeline_mode = #tpu.pipeline_mode<synchronous>, transform_indices = @transform_8, window_bounds = array<i64: 1, 256>}, {pipeline_mode = #tpu.pipeline_mode<synchronous>, transform_indices = @transform_9, window_bounds = array<i64: 128, 256>}, {pipeline_mode = #tpu.pipeline_mode<synchronous>, transform_indices = @transform_10, window_bounds = array<i64: 128, 256>}, {transform_indices = @transform_11, window_bounds = array<i64: 1000, 256>}]} {
    %get3A = arith.constant 0 : index
    %get3A_0 = arith.constant 0 : index
    %get3A_1 = vector.load %arg1[%get3A, %get3A_0] : memref<1000x256xf32, #tpu.memory_space<vmem>>, vector<1000x256xf32>
    %get3A_2 = arith.constant 0 : index
    %get3A_3 = arith.constant 0 : index
    %get3A_4 = vector.load %arg2[%get3A_2, %get3A_3] : memref<1000x64xf32, #tpu.memory_space<vmem>>, vector<1000x64xf32>
    %get3A_5 = arith.constant 0 : index
    %get3A_6 = arith.constant 0 : index
    %get3A_7 = vector.load %arg3[%get3A_5, %get3A_6] : memref<64x256xf32, #tpu.memory_space<vmem>>, vector<64x256xf32>
    %dot_general3A = arith.constant dense<0.000000e+00> : vector<1000x256xf32>
    %dot_general3A_8 = tpu.matmul %get3A_4, %get3A_7, %dot_general3A {dimension_numbers = #tpu.dot_dimension_numbers<[1], [0], [0], [1], [0, 0, 1, 1], [], []>, transpose_lhs_hint = false} : vector<1000x64xf32>, vector<64x256xf32>, vector<1000x256xf32> -> vector<1000x256xf32>
    %get3A_9 = arith.constant 0 : index
    %get3A_10 = arith.constant 0 : index
    %get3A_11 = vector.load %arg6[%get3A_9, %get3A_10] : memref<1000x16xf32, #tpu.memory_space<vmem>>, vector<1000x1xf32>
    %max3A = arith.constant 1.000000e+00 : f32
    %max3A_12 = vector.broadcast %max3A : f32 to vector<1000x1xf32>
    %max3A_13 = arith.maximumf %get3A_11, %max3A_12 : vector<1000x1xf32>
    %get3A_14 = arith.constant 0 : index
    %get3A_15 = arith.constant 0 : index
    %get3A_16 = arith.constant 0 : index
    %get3A_17 = vector.load %arg4[%get3A_14, %get3A_15, %get3A_16] : memref<1x1000x128xf32, #tpu.memory_space<vmem>>, vector<1x1000x128xf32>
    %get3A_18 = vector.shape_cast %get3A_17 : vector<1x1000x128xf32> to vector<1000x128xf32>
    %div3A = vector.broadcast %max3A_13 : vector<1000x1xf32> to vector<1000x128xf32>
    %div3A_19 = arith.divf %get3A_18, %div3A : vector<1000x128xf32>
    %get3A_20 = arith.constant 0 : index
    %get3A_21 = arith.constant 0 : index
    %get3A_22 = arith.constant 0 : index
    %get3A_23 = vector.load %arg5[%get3A_20, %get3A_21, %get3A_22] : memref<1x1000x128xf32, #tpu.memory_space<vmem>>, vector<1x1000x128xf32>
    %get3A_24 = vector.shape_cast %get3A_23 : vector<1x1000x128xf32> to vector<1000x128xf32>
    %div3A_25 = vector.broadcast %max3A_13 : vector<1000x1xf32> to vector<1000x128xf32>
    %div3A_26 = arith.divf %get3A_24, %div3A_25 : vector<1000x128xf32>
    %get3A_27 = arith.constant 0 : index
    %get3A_28 = arith.constant 0 : index
    %get3A_29 = vector.load %arg7[%get3A_27, %get3A_28] : memref<256x256xf32, #tpu.memory_space<vmem>>, vector<256x256xf32>
    %dot_general3A_30 = arith.constant dense<0.000000e+00> : vector<1000x256xf32>
    %dot_general3A_31 = tpu.matmul %get3A_1, %get3A_29, %dot_general3A_30 {dimension_numbers = #tpu.dot_dimension_numbers<[1], [1], [0], [0], [0, 0, 1, 0], [], []>, transpose_lhs_hint = false} : vector<1000x256xf32>, vector<256x256xf32>, vector<1000x256xf32> -> vector<1000x256xf32>
    %get3A_32 = arith.constant 0 : index
    %get3A_33 = arith.constant 0 : index
    %get3A_34 = vector.load %arg8[%get3A_32, %get3A_33] : memref<256x256xf32, #tpu.memory_space<vmem>>, vector<256x256xf32>
    %dot_general3A_35 = arith.constant dense<0.000000e+00> : vector<1000x256xf32>
    %dot_general3A_36 = tpu.matmul %dot_general3A_8, %get3A_34, %dot_general3A_35 {dimension_numbers = #tpu.dot_dimension_numbers<[1], [1], [0], [0], [0, 0, 1, 0], [], []>, transpose_lhs_hint = false} : vector<1000x256xf32>, vector<256x256xf32>, vector<1000x256xf32> -> vector<1000x256xf32>
    %add3A = arith.addf %dot_general3A_31, %dot_general3A_36 : vector<1000x256xf32>
    %get3A_37 = arith.constant 0 : index
    %get3A_38 = arith.constant 0 : index
    %get3A_39 = vector.load %arg10[%get3A_37, %get3A_38] : memref<128x256xf32, #tpu.memory_space<vmem>>, vector<128x256xf32>
    %dot_general3A_40 = arith.constant dense<0.000000e+00> : vector<1000x256xf32>
    %dot_general3A_41 = tpu.matmul %div3A_19, %get3A_39, %dot_general3A_40 {dimension_numbers = #tpu.dot_dimension_numbers<[1], [0], [0], [1], [0, 0, 1, 1], [], []>, transpose_lhs_hint = false} : vector<1000x128xf32>, vector<128x256xf32>, vector<1000x256xf32> -> vector<1000x256xf32>
    %add3A_42 = arith.addf %add3A, %dot_general3A_41 : vector<1000x256xf32>
    %get3A_43 = arith.constant 0 : index
    %get3A_44 = arith.constant 0 : index
    %get3A_45 = vector.load %arg11[%get3A_43, %get3A_44] : memref<128x256xf32, #tpu.memory_space<vmem>>, vector<128x256xf32>
    %dot_general3A_46 = arith.constant dense<0.000000e+00> : vector<1000x256xf32>
    %dot_general3A_47 = tpu.matmul %div3A_26, %get3A_45, %dot_general3A_46 {dimension_numbers = #tpu.dot_dimension_numbers<[1], [0], [0], [1], [0, 0, 1, 1], [], []>, transpose_lhs_hint = false} : vector<1000x128xf32>, vector<128x256xf32>, vector<1000x256xf32> -> vector<1000x256xf32>
    %add3A_48 = arith.addf %add3A_42, %dot_general3A_47 : vector<1000x256xf32>
    %get3A_49 = arith.constant 0 : index
    %get3A_50 = arith.constant 0 : index
    %get3A_51 = vector.load %arg9[%get3A_49, %get3A_50] : memref<1x256xf32, #tpu.memory_space<vmem>>, vector<1x256xf32>
    %add3A_52 = vector.broadcast %get3A_51 : vector<1x256xf32> to vector<1000x256xf32>
    %add3A_53 = arith.addf %add3A_48, %add3A_52 : vector<1000x256xf32>
    %max3A_54 = arith.constant 0.000000e+00 : f32
    %max3A_55 = vector.broadcast %max3A_54 : f32 to vector<1000x256xf32>
    %max3A_56 = arith.maximumf %add3A_53, %max3A_55 : vector<1000x256xf32>
    %swap3A = arith.constant 0 : index
    %swap3A_57 = arith.constant 0 : index
    %swap3A_58 = vector.load %arg12[%swap3A, %swap3A_57] : memref<1000x256xf32, #tpu.memory_space<vmem>>, vector<1000x256xf32>
    tpu.vector_store %arg12[%swap3A, %swap3A_57], %max3A_56 {strides = array<i32>} : memref<1000x256xf32, #tpu.memory_space<vmem>>, vector<1000x256xf32>,
    return
  }
  func.func @transform_0(%arg0: i32) -> (i32, i32) {
    %c0_i32 = arith.constant 0 : i32
    %c0_i32_0 = arith.constant 0 : i32
    return %arg0, %c0_i32 : i32, i32
  }
  func.func @transform_1(%arg0: i32) -> (i32, i32) {
    %c0_i32 = arith.constant 0 : i32
    %c0_i32_0 = arith.constant 0 : i32
    return %arg0, %c0_i32 : i32, i32
  }
  func.func @transform_2(%arg0: i32) -> (i32, i32) {
    %c0_i32 = arith.constant 0 : i32
    %c0_i32_0 = arith.constant 0 : i32
    %c0_i32_1 = arith.constant 0 : i32
    return %c0_i32, %c0_i32_0 : i32, i32
  }
  func.func @transform_3(%arg0: i32) -> (i32, i32, i32) {
    %c0_i32 = arith.constant 0 : i32
    %c0_i32_0 = arith.constant 0 : i32
    %c0_i32_1 = arith.constant 0 : i32
    return %c0_i32, %arg0, %c0_i32_0 : i32, i32, i32
  }
  func.func @transform_4(%arg0: i32) -> (i32, i32, i32) {
    %c1_i32 = arith.constant 1 : i32
    %c0_i32 = arith.constant 0 : i32
    %c0_i32_0 = arith.constant 0 : i32
    return %c1_i32, %arg0, %c0_i32 : i32, i32, i32
  }
  func.func @transform_5(%arg0: i32) -> (i32, i32) {
    %c0_i32 = arith.constant 0 : i32
    %c0_i32_0 = arith.constant 0 : i32
    return %arg0, %c0_i32 : i32, i32
  }
  func.func @transform_6(%arg0: i32) -> (i32, i32) {
    %c0_i32 = arith.constant 0 : i32
    %c0_i32_0 = arith.constant 0 : i32
    %c0_i32_1 = arith.constant 0 : i32
    return %c0_i32, %c0_i32_0 : i32, i32
  }
  func.func @transform_7(%arg0: i32) -> (i32, i32) {
    %c0_i32 = arith.constant 0 : i32
    %c1_i32 = arith.constant 1 : i32
    %c0_i32_0 = arith.constant 0 : i32
    return %c0_i32, %c1_i32 : i32, i32
  }
  func.func @transform_8(%arg0: i32) -> (i32, i32) {
    %c0_i32 = arith.constant 0 : i32
    %c0_i32_0 = arith.constant 0 : i32
    %c0_i32_1 = arith.constant 0 : i32
    return %c0_i32, %c0_i32_0 : i32, i32
  }
  func.func @transform_9(%arg0: i32) -> (i32, i32) {
    %c0_i32 = arith.constant 0 : i32
    %c0_i32_0 = arith.constant 0 : i32
    %c0_i32_1 = arith.constant 0 : i32
    return %c0_i32, %c0_i32_0 : i32, i32
  }
  func.func @transform_10(%arg0: i32) -> (i32, i32) {
    %c0_i32 = arith.constant 0 : i32
    %c0_i32_0 = arith.constant 0 : i32
    %c0_i32_1 = arith.constant 0 : i32
    return %c0_i32, %c0_i32_0 : i32, i32
  }
  func.func @transform_11(%arg0: i32) -> (i32, i32) {
    %c0_i32 = arith.constant 0 : i32
    %c0_i32_0 = arith.constant 0 : i32
    return %arg0, %c0_i32 : i32, i32
  }
}

</mosaic_0001>

<sc_bundles>
// kernel: kernel.6.cloned.1.call-start
scs
__scs_entry_jumppad:
0x0: {  	(pc) =	sbr.rel $0x88, $3  }
0x1: {  	(tag) =	ssettag $0x0;
	lr =	simm.s32 $0x1  }
0x2: {  	[smem:$0x3F91] =	sst lr;
	_ =	strace $0xD0000000  }
0x3: {  	_ = 	snop  }
0x4: {  	_ = 	snop  }
0x5: {  	_ = 	snop  }
0x6: {  	_ = 	snop  }
0x7: {  	_ = 	snop  }
__scs_overlays_trampoline_lowered:
0x8: {  	[smem:$0x3FA0] =	sst s0  }
0x9: {  	[smem:$0x3FA1] =	sst s1  }
0xa: {  	[smem:$0x3FA2] =	sst s2  }
0xb: {  	[smem:$0x3FA3] =	sst s3  }
0xc: {  	[smem:$0x3FA4] =	sst s4  }
0xd: {  	[smem:$0x3FA5] =	sst s5  }
0xe: {  	[smem:$0x3FA6] =	sst s6  }
0xf: {  	[smem:$0x3FA7] =	sst s7  }
0x10: {  	[smem:$0x3FA8] =	sst s8  }
0x11: {  	[smem:$0x3FA9] =	sst s9;
	s0 =	simm.s32 @!p0 $0x0  }
0x12: {  	s1 =	sld [smem:$0x3F8F];
	s0 =	simm.s32 @p0 $0x1  }
0x13: {  	[smem:$0x3FAA] =	sst s0;
	s0 =	simm.s32 @!p1 $0x0  }
0x14: {  	s2 =	sld [smem:$0x3F8E];
	s0 =	simm.s32 @p1 $0x1  }
0x15: {  	[smem:$0x3FAB] =	sst s0;
	s0 =	simm.s32 @!p2 $0x0  }
0x16: {  	s3 =	sld [smem:$0x3FDB];
	s0 =	simm.s32 @p2 $0x1  }
0x17: {  	s4 =	simm.s32 $0x1BF5;
	[smem:$0x3FAD] =	sst s0  }
0x18: {  	s0 =	sld [smem:$0x3F90];
	_ =	swait.ge [sflag:s4], $0x0  }
0x19: {  	s7 =	sld [smem:$0x3F91]  }
0x1a: {  	s8 =	sadd.s32 $0xFFFFE003, lr  }
0x1b: {  	s9 =	sadd.s32 $0xFFFFFEF7, lr;
	s5 =	simm.s32 $0xFFFFFFFF;
	p2 =	slt.u32 s8, $0xFFFFF086  }
0x1c: {  	p1 =	slt.u32 s9, $0xF7A;
	s5 =	simm.s32 @!p2 $0x0  }
0x1d: {  	s5 =	simm.s32 @p1 $0x1;
	p0 =	seq.s32 s7, s2  }
0x1e: {  	s7 =	smul.u32 @!p0 $0xF7A, s2;
	p2 =	seq.s32 @!p0 s5, $0x0  }
0x1f: {  	s9 =	smul.u32 $0xF7A, s1;
	s8 =	simm.s32 @!p0 $0x1BF5;
	p2 =	por !p2, p0  }
0x20: {  	[sflag:s8] =	ssyncset.s32 @!p0 $0xFFFFF086;
	s6 =	sadd.s32 @!p0 s3, s7;
	s7 =	simm.s32 @!p0 $0x108  }
0x21: {  	s3 =	sadd.s32 s3, s9;
	s6 =	sadd.s32 @!p0 $0x88, s6;
	s7 =	simm.s32 @p2 $0x1082  }
0x22: {  	[simem:s7], [sflag:s8] =	dma.local @!p0 [hbm:s6], $0xF7A  }
0x23: {  	s9 =	sor.u32 $0xD0000000, s2;
	s6 =	simm.s32 $0x108;
	_ =	swait.ge @!p0 [sflag:s8], $0x0  }
0x24: {  	s3 =	sadd.s32 $0x88, s3;
	s6 =	simm.s32 @!p1 $0x1082;
	[sflag:s4] =	ssyncset.s32 $0xFFFFF086  }
0x25: {  	[simem:s6], [sflag:s4] =	dma.local [hbm:s3], $0xF7A  }
0x26: {  	[smem:$0x3F91] =	sst s1;
	(tag) =	ssettag s2;
	_ =	strace s9  }
0x27: {  	s1 =	sld [smem:$0x3FA1]  }
0x28: {  	s2 =	sld [smem:$0x3FA2]  }
0x29: {  	s4 =	sld [smem:$0x3FA4]  }
0x2a: {  	p0 =	seq.s32 s5, $0x0;
	s5 =	sld [smem:$0x3FA5]  }
0x2b: {  	s6 =	sld [smem:$0x3FA6]  }
0x2c: {  	s7 =	sld [smem:$0x3FA7]  }
0x2d: {  	s3 =	simm.s32 $0x108;
	s8 =	sld [smem:$0x3FA8]  }
0x2e: {  	s3 =	simm.s32 @!p0 $0x1082;
	s9 =	sld [smem:$0x3FA9]  }
0x2f: {  	lr =	sadd.s32 s0, s3;
	s0 =	sld [smem:$0x3FA0]  }
0x30: {  	s3 =	sld [smem:$0x3FA3]  }
0x31: {  	[smem:$0x3FAC] =	sst s10  }
0x32: {  	s10 =	sld [smem:$0x3FAA];
	_ =	sdelay $0x3  }
0x33: {  	p0 =	seq.s32 s10, $0x1;
	s10 =	sld [smem:$0x3FAC];
	_ =	sdelay $0x3  }
0x34: {  	[smem:$0x3FAC] =	sst s10  }
0x35: {  	s10 =	sld [smem:$0x3FAB];
	_ =	sdelay $0x3  }
0x36: {  	p1 =	seq.s32 s10, $0x1;
	s10 =	sld [smem:$0x3FAC];
	_ =	sdelay $0x3  }
0x37: {  	[smem:$0x3FAC] =	sst s10  }
0x38: {  	s10 =	sld [smem:$0x3FAD]  }
0x39: {  	_ = 	snop;
	(pc) =	sbr.ind lr, $3  }
0x3a: {  	_ = 	snop  }
0x3b: {  	_ = 	snop  }
0x3c: {  	p2 =	seq.s32 s10, $0x1;
	s10 =	sld [smem:$0x3FAC]  }
0x3d: {  	_ =	shalt  }
0x3e: {  	_ =	shalt  }
0x3f: {  	_ =	shalt  }
0x40: {  	_ =	shalt  }
0x41: {  	_ =	shalt  }
0x42: {  	_ =	shalt  }
0x43: {  	_ =	shalt  }
0x44: {  	_ =	shalt  }
0x45: {  	_ =	shalt  }
0x46: {  	_ =	shalt  }
0x47: {  	_ =	shalt  }
0x48: {  	_ =	shalt  }
0x49: {  	_ =	shalt  }
0x4a: {  	_ =	shalt  }
0x4b: {  	_ =	shalt  }
0x4c: {  	_ =	shalt  }
0x4d: {  	_ =	shalt  }
0x4e: {  	_ =	shalt  }
0x4f: {  	_ =	shalt  }
0x50: {  	_ =	shalt  }
0x51: {  	_ =	shalt  }
0x52: {  	_ =	shalt  }
0x53: {  	_ =	shalt  }
0x54: {  	_ =	shalt  }
0x55: {  	_ =	shalt  }
0x56: {  	_ =	shalt  }
0x57: {  	_ =	shalt  }
0x58: {  	_ =	shalt  }
0x59: {  	_ =	shalt  }
0x5a: {  	_ =	shalt  }
0x5b: {  	_ =	shalt  }
0x5c: {  	_ =	shalt  }
0x5d: {  	_ =	shalt  }
0x5e: {  	_ =	shalt  }
0x5f: {  	_ =	shalt  }
0x60: {  	_ =	shalt  }
0x61: {  	_ =	shalt  }
0x62: {  	_ =	shalt  }
0x63: {  	_ =	shalt  }
0x64: {  	_ =	shalt  }
0x65: {  	_ =	shalt  }
0x66: {  	_ =	shalt  }
0x67: {  	_ =	shalt  }
0x68: {  	_ =	shalt  }
0x69: {  	_ =	shalt  }
0x6a: {  	_ =	shalt  }
0x6b: {  	_ =	shalt  }
0x6c: {  	_ =	shalt  }
0x6d: {  	_ =	shalt  }
0x6e: {  	_ =	shalt  }
0x6f: {  	_ =	shalt  }
0x70: {  	_ =	shalt  }
0x71: {  	_ =	shalt  }
0x72: {  	_ =	shalt  }
0x73: {  	_ =	shalt  }
0x74: {  	_ =	shalt  }
0x75: {  	_ =	shalt  }
0x76: {  	_ =	shalt  }
0x77: {  	_ =	shalt  }
0x78: {  	_ =	shalt  }
0x79: {  	_ =	shalt  }
0x7a: {  	_ =	shalt  }
0x7b: {  	_ =	shalt  }
0x7c: {  	_ =	shalt  }
0x7d: {  	_ =	shalt  }
0x7e: {  	_ =	shalt  }
0x7f: {  	_ =	shalt  }
0x80: {  	_ =	shalt  }
0x81: {  	_ =	shalt  }
0x82: {  	_ =	shalt  }
0x83: {  	_ =	shalt  }
0x84: {  	_ =	shalt  }
0x85: {  	_ =	shalt  }
0x86: {  	_ =	shalt  }
0x87: {  	_ =	shalt  }
.Lfunc_end0:
.L_simem_size_0:
called_computation_lowered:
.L_overlay_start_0:
0x88: {  	s2 =	sld [smem:$0x3FD9]  }
0x89: {  	s3 =	sld [smem:$0x3FFE];
	_ =	sdelay $0x1  }
0x8a: {  	s1 =	srdreg.scid  }
0x8b: {  	s0 =	sand.u32 $0x1, s1  }
0x8c: {  	s17 =	sshll.u32 s0, $0xA;
	s2 =	sadd.s32 s3, s2  }
0x8d: {  	s2 =	sadd.s32 s2, s17  }
0x8e: {  	[smem:$0x3FB8] =	sst s2  }
0x8f: {  	_ = 	snop  }
0x90: {  	s2 =	sld [smem:$0x3FD0];
	(tm) =	ssettm $0x1  }
0x91: {  	s18 =	sld [smem:$0x3FFB];
	_ =	sdelay $0x3  }
0x92: {  	_ =	strace s18  }
0x93: {  	s3 =	sld [smem:$0x3FFC];
	_ =	sdelay $0x3  }
0x94: {  	_ =	strace s3  }
0x95: {  	s3 =	sld [smem:$0x3FFD];
	_ =	sdelay $0x3  }
0x96: {  	_ =	strace s3  }
0x97: {  	_ =	strace $0x8FFFFFFF  }
0x98: {  	s19 =	sld [smem:$0x3FDB];
	_ =	sdelay $0x1  }
0x99: {  	s4 =	simm.s32 $_scs_section_size  }
0x9a: {  	s5 =	simm.s32 $_size__tile_overlayer_lowered;
	s6 =	simm.s32 $_tile_overlayer_lowered  }
0x9b: {  	s22 =	simm.s32 $0x1BFF;
	s21 =	sshll.u32 s6, $0x1;
	s3 =	sadd.s32 s4, s19  }
0x9c: {  	s7 =	simm.s32 $0x0;
	s20 =	sshll.u32 s5, $0x1;
	s5 =	sadd.s32 s21, s3  }
0x9d: {  	[timem:s7], [sflag:s22] =	dma.local [hbm:s5], s20  }
0x9e: {  	_ =	swait.ge [sflag:s22], s20  }
0x9f: {  	s4 =	ssub.s32 $0x0, s20;
	[sflag:s22] =	ssyncset.done $0x0  }
0xa0: {  	[sflag:s22] =	ssyncadd.s32 s4;
	_ =	sdelay $0x1  }
0xa1: {  	s23 =	simm.s32 $0x1B8B  }
0xa2: {  	_ =	swait.ge [sflag:s23], $0x1  }
0xa3: {  	[sflag:s23] =	ssyncset.done $0x0  }
0xa4: {  	s25 =	simm.s32 $0x1B8E;
	s24 =	sld [smem:$0x3FFE];
	[sflag:s23] =	ssyncadd.s32 $0xFFFFFFFF  }
0xa5: {  	s26 =	simm.s32 $execute0_lowered;
	[smem:$0x3FD2] =	sst s25  }
0xa6: {  	s5 =	sshll.u32 s26, $0x1;
	_ =	strace $0x80000046;
	[dreg:$0x1] =	wrdreg $0xFFFFFFFF  }
0xa7: {  	s28 =	simm.s32 $_size_execute0_lowered;
	s3 =	sadd.s32 s3, s5;
	[dreg:$0x0] =	wrdreg $0x0  }
0xa8: {  	s5 =	sshll.u32 s28, $0x1;
	[dreg:$0x2] =	wrdreg s3  }
0xa9: {  	[dreg:$0x3] =	wrdreg s5  }
0xaa: {  	[dreg:$0x4] =	wrdreg $0xC0  }
0xab: {  	_ =	task [dreg:s7], $0x5FFFF  }
0xac: {  	[dreg:$0x1] =	wrdreg $0xFFFFFFFF  }
0xad: {  	[dreg:$0x0] =	wrdreg $0x60  }
0xae: {  	[dreg:$0x2] =	wrdreg s2  }
0xaf: {  	[dreg:$0x3] =	wrdreg s24  }
0xb0: {  	[dreg:$0x4] =	wrdreg $0x5BC00  }
0xb1: {  	[dreg:$0x5] =	wrdreg $0x194400  }
0xb2: {  	[dreg:$0x6] =	wrdreg $0x9  }
0xb3: {  	_ =	task.clear_ibuf [dreg:s7], $0x7FFFF;
	_ =	strace $0x90000046  }
0xb4: {  	s29 =	simm.s32 $0x9;
	_ =	strace $0x80000048  }
0xb5: {  	_ =	swait.ge [sflag:s29], $0x1  }
0xb6: {  	[sflag:s29] =	ssyncadd.s32 $0xFFFFFFFF  }
0xb7: {  	_ =	strace $0x90000048  }
0xb8: {  	_ =	sfence  }
0xb9: {  	s30 =	sld [smem:$0x0];
	_ =	sdelay $0x2  }
0xba: {  	s31 =	sshll.u32 s1, $0xD;
	s1 =	sshrl.u32 s1, $0x2  }
0xbb: {  	s3 =	sand.u32 $0x4000, s31;
	s1 =	sadd.s32 s1, s30  }
0xbc: {  	s0 =	sor.u32 s3, s0;
	s1 =	sshll.u32 s1, $0x11  }
0xbd: {  	s0 =	sor.u32 s1, s0  }
0xbe: {  	s0 =	sadd.s32 $0x8F2B, s0  }
0xbf: {  	[sflag:s0] =	ssyncadd.remote.s32 $0x1  }
0xc0: {  	_ =	sfence.sel $0xFFFF  }
0xc1: {  	[dreg:$0x0] =	wrdreg $0xFFFFFFFF;
	(pc) =	sbr.abs _section_cstart, $3  }
0xc2: {  	[dreg:$0x1] =	wrdreg $0xFFFFFFFF  }
0xc3: {  	_ =	task.clear_ibuf [dreg:s7], $0x2FFFF;
	_ =	strace $0x9FFFFFFF  }
0xc4: {  	(tm) =	ssettm $0x7FFFFFFF  }
0xc5: {  	_ =	shalt  }
tec
execute0_lowered:
.L_overlay_start_1:
0x0: {  	(tag) =	ssettag $0x1  }
0x1: {  	s1 =	rddreg [dreg:$0x0]  }
0x2: {  	s0 =	rddreg [dreg:$0x1]  }
0x3: {  	s2 =	rddreg [dreg:$0x2]  }
0x4: {  	s3 =	rddreg [dreg:$0x3];
	s17 =	stileid.u32  }
0x5: {  	s4 =	simm.s32 $0x0;
	s19 =	srdreg.scid;
	s5 =	smul.u32 $0x13880, s17  }
0x6: {  	[smem:$0x7FF] =	sst s4;
	s4 =	sand.u32 $0x1, s19;
	s12 =	smul.u32 $0x2710, s17  }
0x7: {  	s6 =	sadd.s32 $0x2600, s0;
	s7 =	sadd.s32 $0x1B800, s0;
	s14 =	smul.u32 $0x4E200, s17  }
0x8: {  	s8 =	sadd.s32 $0x16000, s0;
	s9 =	sadd.s32 $0x21200, s0;
	s20 =	smul.u32 $0x271, s17  }
0x9: {  	_ =	strace $0x80000047;
	s10 =	smul.u32 $0x138800, s4;
	s11 =	sshll.u32 s4, $0x4  }
0xa: {  	s13 =	ssub.s32 $0x2, s4;
	p0 =	seq.s32 s4, $0x0;
	s18 =	smov.u32 s6  }
0xb: {  	s11 =	sadd.s32 s11, s0;
	s14 =	sshrl.u32 s14, $0x2;
	s25 =	sadd.s32 s5, s2  }
0xc: {  	s11 =	sadd.s32 $0x21000, s11;
	s14 =	sadd.s32 s14, s2;
	[dreg:$0x6] =	wrdreg s25  }
0xd: {  	s15 =	sshrl.u32 s12, $0x3;
	[dreg:$0x5] =	wrdreg s11;
	s21 =	sadd.s32 $0x1900, s14  }
0xe: {  	s16 =	sshrl.u32 s13, $0x1;
	s22 =	sadd.s32 $0x3200, s14;
	[dreg:$0x7] =	wrdreg s21  }
0xf: {  	s29 =	sadd.s32 $0x258, s20;
	s23 =	sadd.s32 $0x4B00, s14;
	[dreg:$0x8] =	wrdreg s22  }
0x10: {  	s18 =	smov.u32 @p0 s1;
	s24 =	sadd.s32 $0x6400, s14;
	[dreg:$0x9] =	wrdreg s23  }
0x11: {  	p0 =	sne.s32 s4, $0x0;
	s26 =	sadd.s32 $0x7D00, s14;
	[dreg:$0xa] =	wrdreg s24  }
0x12: {  	s10 =	sadd.s32 s5, s10;
	s28 =	sadd.s32 $0x9600, s14;
	[dreg:$0xb] =	wrdreg s26  }
0x13: {  	s13 =	ssub.s32 s13, s16;
	s31 =	sadd.s32 $0xAF00, s14;
	[dreg:$0xc] =	wrdreg s28  }
0x14: {  	s30 =	sshll.u32 s29, $0x7;
	s16 =	sadd.s32 $0xE100, s14;
	[dreg:$0xd] =	wrdreg s31  }
0x15: {  	s5 =	sshll.u32 s29, $0x4;
	s19 =	sadd.s32 $0xFA00, s14;
	[dreg:$0xf] =	wrdreg s16  }
0x16: {  	s10 =	sshrl.u32 s10, $0x3;
	s4 =	sadd.s32 s30, s2;
	[dreg:$0x10] =	wrdreg s19  }
0x17: {  	s5 =	sadd.s32 s5, s3;
	s10 =	sadd.s32 s10, s0;
	[dreg:$0x12] =	wrdreg s4  }
0x18: {  	s0 =	sadd.s32 s15, s0;
	s15 =	sadd.s32 $0xC800, s14;
	[dreg:$0x13] =	wrdreg s5  }
0x19: {  	s21 =	sadd.s32 $0x11300, s14;
	[dreg:$0xe] =	wrdreg s15  }
0x1a: {  	s24 =	smax.u32 s13, $0x1;
	[dreg:$0x11] =	wrdreg s21  }
0x1b: {  	s26 =	sadd.s32 $0x10, s5;
	[dreg:$0x16] =	wrdreg s24  }
0x1c: {  	s28 =	sadd.s32 $0x20, s5;
	[dreg:$0x19] =	wrdreg s26  }
0x1d: {  	s29 =	sadd.s32 $0x30, s5;
	[dreg:$0x1a] =	wrdreg s28  }
0x1e: {  	s30 =	sadd.s32 $0x40, s5;
	[dreg:$0x1b] =	wrdreg s29  }
0x1f: {  	s31 =	sadd.s32 $0x50, s5;
	[dreg:$0x1c] =	wrdreg s30  }
0x20: {  	s11 =	sadd.s32 $0x70, s5;
	[dreg:$0x1d] =	wrdreg s31  }
0x21: {  	s4 =	sadd.s32 s12, s3;
	s12 =	sadd.s32 $0x80, s5;
	[dreg:$0x1f] =	wrdreg s11  }
0x22: {  	s13 =	sadd.s32 $0x90, s5;
	[smem:$0x7ED] =	sst s12  }
0x23: {  	s14 =	sadd.s32 $0xA0, s5;
	[smem:$0x7EE] =	sst s13  }
0x24: {  	s20 =	smul.u32 $0x9C40, s17;
	s16 =	sadd.s32 $0xC0, s5;
	[smem:$0x7EF] =	sst s14  }
0x25: {  	s19 =	sadd.s32 $0xE0, s5;
	[smem:$0x7F1] =	sst s16  }
0x26: {  	s23 =	sshrl.u32 s20, $0x2;
	s20 =	sadd.s32 $0xF0, s5;
	[smem:$0x7F3] =	sst s19  }
0x27: {  	s22 =	sadd.s32 $0x2BA00, s10;
	[smem:$0x7F4] =	sst s20  }
0x28: {  	s0 =	sadd.s32 $0x26A00, s0;
	[dreg:$0x14] =	wrdreg s22  }
0x29: {  	s10 =	sadd.s32 $0x60, s5;
	[dreg:$0x15] =	wrdreg s0  }
0x2a: {  	s15 =	sadd.s32 $0xB0, s5;
	[dreg:$0x1e] =	wrdreg s10  }
0x2b: {  	s21 =	sadd.s32 $0x100, s5;
	[smem:$0x7F0] =	sst s15  }
0x2c: {  	s24 =	sadd.s32 $0x130, s5;
	s26 =	sadd.s32 $0x140, s5;
	[smem:$0x7F5] =	sst s21  }
0x2d: {  	s28 =	sadd.s32 $0x150, s5;
	s29 =	sadd.s32 $0x160, s5;
	[smem:$0x7F8] =	sst s24  }
0x2e: {  	s30 =	sadd.s32 $0x170, s5;
	s31 =	sadd.s32 $0x180, s5;
	[smem:$0x7F9] =	sst s26  }
0x2f: {  	s12 =	simm.s32 $0x8C0;
	s13 =	simm.s32 $0x32;
	[smem:$0x7FA] =	sst s28  }
0x30: {  	s14 =	simm.s32 $0xD20;
	s16 =	simm.s32 $0x2;
	[smem:$0x7FB] =	sst s29  }
0x31: {  	s19 =	simm.s32 $0x3;
	s20 =	simm.s32 $0x4;
	[smem:$0x7FC] =	sst s30  }
0x32: {  	s0 =	sadd.s32 s23, s3;
	s22 =	sadd.s32 $0x110, s5;
	[smem:$0x7FD] =	sst s31  }
0x33: {  	s23 =	sadd.s32 $0x120, s5;
	s10 =	simm.s32 $0x460;
	[dreg:$0x17] =	wrdreg s0  }
0x34: {  	s15 =	simm.s32 $0x1;
	s21 =	simm.s32 $0x0;
	[smem:$0x7F6] =	sst s22  }
0x35: {  	s0 =	sshrl.u32 @!p0 s4, $0x3;
	[smem:$0x7F7] =	sst s23;
	s4 =	simm.s32 $0x2620  }
0x36: {  	v0 =	vimm.f32 $0.0e+00;
	vm0 =	vcmask $0x300;
	[dreg:$0x18] =	wrdreg s0;
	s0 =	smul.u32 $0x2BC0, s17;
	s17 =	sadd.s32 $0xD0, s5  }
0x37: {  	v1 =	vsel vm0, $0x3F800000, v0;
	s5 =	simm.s32 $0x6;
	[smem:$0x7F2] =	sst s17;
	s17 =	simm.s32 $0x3F20  }
.LBB2_1:
0x38: {  	s11 =	simm.s32 $0x0;
	s22 =	rddreg [dreg:$0x5];
	s23 =	simm.s32 $0x5B40  }
0x39: {  	[tilespmem:s23], [sflag:$0x6] =	stream.linear.gather [hbm4b:s22+s11], $0x80, $0x38;
	[tilespmem:$0x1BB50] =	vst v63  }
0x3a: {  	_ =	swait.ge [sflag:s5], $0x80  }
0x3b: {  	[sflag:s5] =	ssyncset.done $0x0  }
0x3c: {  	s22 =	simm.s32 $0x2660;
	[sflag:s5] =	ssyncadd.s32 $0xFFFFFF80  }
0x3d: {  	[tilespmem:s22+$0xFFFFFFD0] =	vst v0  }
0x3e: {  	[tilespmem:s22+$0xFFFFFFE0] =	vst v0  }
0x3f: {  	[tilespmem:s22+$0xFFFFFFF0] =	vst v0  }
0x40: {  	[tilespmem:s22+$0x0] =	vst v0  }
0x41: {  	[tilespmem:s22+$0x10] =	vst v0  }
0x42: {  	[tilespmem:s22+$0x20] =	vst v0  }
0x43: {  	[tilespmem:s22+$0x30] =	vst v0  }
0x44: {  	s24 =	simm.s32 $0x0;
	s23 =	simm.s32 $0x40;
	[tilespmem:s22+$0xFFFFFFC0] =	vst v0  }
.LBB2_2:
0x45: {  	p1 =	sne.s32 s23, $0xC40;
	[tilespmem:s24+$0x5820] =	vst v1;
	s22 =	sadd.s32 $0x80, s22  }
0x46: {  	[tilespmem:s22+$0xFFFFFFD0] =	vst v0  }
0x47: {  	[tilespmem:s22+$0xFFFFFFE0] =	vst v0  }
0x48: {  	[tilespmem:s22+$0xFFFFFFF0] =	vst v0  }
.Ltmp0:
0x49: {  	[tilespmem:s22+$0x0] =	vst v0;
	(pc) =	sbr.rel @p1 .LBB2_2-.Ltmp0, $4  }
0x4a: {  	[tilespmem:s22+$0x10] =	vst v0  }
0x4b: {  	[tilespmem:s22+$0x20] =	vst v0  }
0x4c: {  	[tilespmem:s22+$0x30] =	vst v0  }
0x4d: {  	s24 =	sshra.s32 s23, $0x2;
	s23 =	sadd.s32 $0x40, s23;
	[tilespmem:s22+$0xFFFFFFC0] =	vst v0  }
0x4e: {  	[tilespmem:s24+$0x5820] =	vst v1  }
0x4f: {  	[spmem:s25] =	stream.linear.scatter [tilespmem:s4], [sflag:$0x6], $0x1900, $0x38;
	[tilespmem:$0x1BB50] =	vst v63  }
0x50: {  	_ =	swait.ge [sflag:s5], $0x1900  }
0x51: {  	[sflag:s5] =	ssyncset.done $0x0  }
0x52: {  	s11 =	rddreg [dreg:$0x7];
	[sflag:s5] =	ssyncadd.s32 $0xFFFFE700  }
0x53: {  	[spmem:s11] =	stream.linear.scatter [tilespmem:s4], [sflag:$0x6], $0x1900, $0x38;
	[tilespmem:$0x1BB50] =	vst v63  }
0x54: {  	_ =	swait.ge [sflag:s5], $0x1900  }
0x55: {  	[sflag:s5] =	ssyncset.done $0x0  }
0x56: {  	s30 =	rddreg [dreg:$0x8];
	[sflag:s5] =	ssyncadd.s32 $0xFFFFE700  }
0x57: {  	[spmem:s30] =	stream.linear.scatter [tilespmem:s4], [sflag:$0x6], $0x1900, $0x38;
	[tilespmem:$0x1BB50] =	vst v63  }
0x58: {  	_ =	swait.ge [sflag:s5], $0x1900  }
0x59: {  	[sflag:s5] =	ssyncset.done $0x0  }
0x5a: {  	s31 =	rddreg [dreg:$0x9];
	[sflag:s5] =	ssyncadd.s32 $0xFFFFE700  }
0x5b: {  	[spmem:s31] =	stream.linear.scatter [tilespmem:s4], [sflag:$0x6], $0x1900, $0x38;
	[tilespmem:$0x1BB50] =	vst v63  }
0x5c: {  	_ =	swait.ge [sflag:s5], $0x1900  }
0x5d: {  	[sflag:s5] =	ssyncset.done $0x0  }
0x5e: {  	s22 =	rddreg [dreg:$0xa];
	[sflag:s5] =	ssyncadd.s32 $0xFFFFE700  }
0x5f: {  	[spmem:s22] =	stream.linear.scatter [tilespmem:s4], [sflag:$0x6], $0x1900, $0x38;
	[tilespmem:$0x1BB50] =	vst v63  }
0x60: {  	_ =	swait.ge [sflag:s5], $0x1900  }
0x61: {  	[sflag:s5] =	ssyncset.done $0x0  }
0x62: {  	s23 =	rddreg [dreg:$0xb];
	[sflag:s5] =	ssyncadd.s32 $0xFFFFE700  }
0x63: {  	[spmem:s23] =	stream.linear.scatter [tilespmem:s4], [sflag:$0x6], $0x1900, $0x38;
	[tilespmem:$0x1BB50] =	vst v63  }
0x64: {  	_ =	swait.ge [sflag:s5], $0x1900  }
0x65: {  	[sflag:s5] =	ssyncset.done $0x0  }
0x66: {  	s24 =	rddreg [dreg:$0xc];
	[sflag:s5] =	ssyncadd.s32 $0xFFFFE700  }
0x67: {  	[spmem:s24] =	stream.linear.scatter [tilespmem:s4], [sflag:$0x6], $0x1900, $0x38;
	[tilespmem:$0x1BB50] =	vst v63  }
0x68: {  	_ =	swait.ge [sflag:s5], $0x1900  }
0x69: {  	[sflag:s5] =	ssyncset.done $0x0  }
0x6a: {  	s25 =	rddreg [dreg:$0xd];
	[sflag:s5] =	ssyncadd.s32 $0xFFFFE700  }
0x6b: {  	[spmem:s25] =	stream.linear.scatter [tilespmem:s4], [sflag:$0x6], $0x1900, $0x38;
	[tilespmem:$0x1BB50] =	vst v63  }
0x6c: {  	_ =	swait.ge [sflag:s5], $0x1900  }
0x6d: {  	[sflag:s5] =	ssyncset.done $0x0  }
0x6e: {  	s26 =	rddreg [dreg:$0xe];
	[sflag:s5] =	ssyncadd.s32 $0xFFFFE700  }
0x6f: {  	[spmem:s26] =	stream.linear.scatter [tilespmem:s4], [sflag:$0x6], $0x1900, $0x38;
	[tilespmem:$0x1BB50] =	vst v63  }
0x70: {  	_ =	swait.ge [sflag:s5], $0x1900  }
0x71: {  	[sflag:s5] =	ssyncset.done $0x0  }
0x72: {  	s28 =	rddreg [dreg:$0xf];
	[sflag:s5] =	ssyncadd.s32 $0xFFFFE700  }
0x73: {  	[spmem:s28] =	stream.linear.scatter [tilespmem:s4], [sflag:$0x6], $0x1900, $0x38;
	[tilespmem:$0x1BB50] =	vst v63  }
0x74: {  	_ =	swait.ge [sflag:s5], $0x1900  }
0x75: {  	[sflag:s5] =	ssyncset.done $0x0  }
0x76: {  	s29 =	rddreg [dreg:$0x10];
	[sflag:s5] =	ssyncadd.s32 $0xFFFFE700  }
0x77: {  	[spmem:s29] =	stream.linear.scatter [tilespmem:s4], [sflag:$0x6], $0x1900, $0x38;
	[tilespmem:$0x1BB50] =	vst v63  }
0x78: {  	_ =	swait.ge [sflag:s5], $0x1900  }
0x79: {  	[sflag:s5] =	ssyncset.done $0x0  }
0x7a: {  	s30 =	rddreg [dreg:$0x11];
	[sflag:s5] =	ssyncadd.s32 $0xFFFFE700  }
0x7b: {  	[spmem:s30] =	stream.linear.scatter [tilespmem:s4], [sflag:$0x6], $0x1900, $0x38;
	[tilespmem:$0x1BB50] =	vst v63  }
0x7c: {  	_ =	swait.ge [sflag:s5], $0x1900  }
0x7d: {  	[sflag:s5] =	ssyncset.done $0x0  }
.Ltmp1:
0x7e: {  	s31 =	rddreg [dreg:$0x12];
	[sflag:s5] =	ssyncadd.s32 $0xFFFFE700;
	(pc) =	sbr.rel @p0 .LBB2_8-.Ltmp1, $4  }
0x7f: {  	[spmem:s31] =	stream.linear.scatter [tilespmem:s4], [sflag:$0x6], $0xC80, $0x38;
	[tilespmem:$0x1BB50] =	vst v63  }
0x80: {  	_ =	swait.ge [sflag:s5], $0xC80  }
0x81: {  	[sflag:s5] =	ssyncset.done $0x0  }
0x82: {  	s22 =	simm.s32 $0x0;
	s23 =	rddreg [dreg:$0x17];
	[sflag:s5] =	ssyncadd.s32 $0xFFFFF380  }
.LBB2_4:
0x83: {  	s24 =	simm.s32 $0x2620;
	s26 =	sadd.s32 $0x0, s23  }
0x84: {  	[spmem:s26] =	stream.linear.scatter [tilespmem:s24], [sflag:$0x6], $0x10, $0x38;
	[tilespmem:$0x1BB50] =	vst v63  }
0x85: {  	s26 =	simm.s32 $0x40  }
.LBB2_5:
0x86: {  	p1 =	sne.s32 s26, $0xC40  }
.Ltmp2:
0x87: {  	_ = 	snop;
	(pc) =	sbr.rel @p1 .LBB2_5-.Ltmp2, $4  }
0x88: {  	_ = 	snop  }
0x89: {  	s28 =	sshra.s32 s26, $0x2;
	s26 =	sadd.s32 $0x40, s26  }
0x8a: {  	s24 =	sadd.s32 $0x80, s24;
	s28 =	sadd.s32 s28, s23  }
0x8b: {  	[spmem:s28] =	stream.linear.scatter [tilespmem:s24], [sflag:$0x6], $0x10, $0x38;
	[tilespmem:$0x1BB50] =	vst v63  }
0x8c: {  	s22 =	sadd.s32 $0x1, s22  }
0x8d: {  	p1 =	sne.s32 s22, $0xC  }
.Ltmp3:
0x8e: {  	_ = 	snop;
	(pc) =	sbr.rel @p1 .LBB2_4-.Ltmp3, $4  }
0x8f: {  	_ = 	snop  }
0x90: {  	_ =	swait.ge [sflag:s5], $0x320  }
0x91: {  	[sflag:s5] =	ssyncset.done $0x0  }
0x92: {  	s23 =	sadd.s32 $0x320, s23;
	[sflag:s5] =	ssyncadd.s32 $0xFFFFFCE0  }
0x93: {  	s11 =	rddreg [dreg:$0x13]  }
0x94: {  	s24 =	rddreg [dreg:$0x19]  }
0x95: {  	[spmem:s11] =	stream.linear.scatter [tilespmem:s4], [sflag:$0x6], $0x10, $0x38;
	[tilespmem:$0x1BB50] =	vst v63  }
0x96: {  	s22 =	simm.s32 $0x26A0;
	s25 =	rddreg [dreg:$0x1a]  }
0x97: {  	[spmem:s24] =	stream.linear.scatter [tilespmem:s22], [sflag:$0x6], $0x10, $0x38;
	[tilespmem:$0x1BB50] =	vst v63  }
0x98: {  	s26 =	simm.s32 $0x2720;
	s28 =	rddreg [dreg:$0x1b]  }
0x99: {  	[spmem:s25] =	stream.linear.scatter [tilespmem:s26], [sflag:$0x6], $0x10, $0x38;
	[tilespmem:$0x1BB50] =	vst v63  }
0x9a: {  	s29 =	simm.s32 $0x27A0;
	s30 =	rddreg [dreg:$0x1c]  }
0x9b: {  	[spmem:s28] =	stream.linear.scatter [tilespmem:s29], [sflag:$0x6], $0x10, $0x38;
	[tilespmem:$0x1BB50] =	vst v63  }
0x9c: {  	s31 =	simm.s32 $0x2820;
	s23 =	rddreg [dreg:$0x1d]  }
0x9d: {  	[spmem:s30] =	stream.linear.scatter [tilespmem:s31], [sflag:$0x6], $0x10, $0x38;
	[tilespmem:$0x1BB50] =	vst v63  }
0x9e: {  	s24 =	simm.s32 $0x28A0;
	s25 =	rddreg [dreg:$0x1e]  }
0x9f: {  	[spmem:s23] =	stream.linear.scatter [tilespmem:s24], [sflag:$0x6], $0x10, $0x38;
	[tilespmem:$0x1BB50] =	vst v63  }
0xa0: {  	s26 =	simm.s32 $0x2920;
	s28 =	rddreg [dreg:$0x1f]  }
0xa1: {  	[spmem:s25] =	stream.linear.scatter [tilespmem:s26], [sflag:$0x6], $0x10, $0x38;
	[tilespmem:$0x1BB50] =	vst v63  }
0xa2: {  	s29 =	simm.s32 $0x29A0;
	s30 =	sld [smem:$0x7ED]  }
0xa3: {  	[spmem:s28] =	stream.linear.scatter [tilespmem:s29], [sflag:$0x6], $0x10, $0x38;
	[tilespmem:$0x1BB50] =	vst v63  }
0xa4: {  	s31 =	simm.s32 $0x2A20;
	s23 =	sld [smem:$0x7EE]  }
0xa5: {  	[spmem:s30] =	stream.linear.scatter [tilespmem:s31], [sflag:$0x6], $0x10, $0x38;
	[tilespmem:$0x1BB50] =	vst v63  }
0xa6: {  	s24 =	simm.s32 $0x2AA0;
	s25 =	sld [smem:$0x7EF]  }
0xa7: {  	[spmem:s23] =	stream.linear.scatter [tilespmem:s24], [sflag:$0x6], $0x10, $0x38;
	[tilespmem:$0x1BB50] =	vst v63  }
0xa8: {  	s26 =	simm.s32 $0x2B20;
	s28 =	sld [smem:$0x7F0]  }
0xa9: {  	[spmem:s25] =	stream.linear.scatter [tilespmem:s26], [sflag:$0x6], $0x10, $0x38;
	[tilespmem:$0x1BB50] =	vst v63  }
0xaa: {  	s29 =	simm.s32 $0x2BA0;
	s30 =	sld [smem:$0x7F1]  }
0xab: {  	[spmem:s28] =	stream.linear.scatter [tilespmem:s29], [sflag:$0x6], $0x10, $0x38;
	[tilespmem:$0x1BB50] =	vst v63  }
0xac: {  	s31 =	simm.s32 $0x2C20;
	s23 =	sld [smem:$0x7F2]  }
0xad: {  	[spmem:s30] =	stream.linear.scatter [tilespmem:s31], [sflag:$0x6], $0x10, $0x38;
	[tilespmem:$0x1BB50] =	vst v63  }
0xae: {  	s24 =	simm.s32 $0x2CA0;
	s25 =	sld [smem:$0x7F3]  }
0xaf: {  	[spmem:s23] =	stream.linear.scatter [tilespmem:s24], [sflag:$0x6], $0x10, $0x38;
	[tilespmem:$0x1BB50] =	vst v63  }
0xb0: {  	s26 =	simm.s32 $0x2D20;
	s28 =	sld [smem:$0x7F4]  }
0xb1: {  	[spmem:s25] =	stream.linear.scatter [tilespmem:s26], [sflag:$0x6], $0x10, $0x38;
	[tilespmem:$0x1BB50] =	vst v63  }
0xb2: {  	s29 =	simm.s32 $0x2DA0;
	s30 =	sld [smem:$0x7F5]  }
0xb3: {  	[spmem:s28] =	stream.linear.scatter [tilespmem:s29], [sflag:$0x6], $0x10, $0x38;
	[tilespmem:$0x1BB50] =	vst v63  }
0xb4: {  	s31 =	simm.s32 $0x2E20;
	s23 =	sld [smem:$0x7F6]  }
0xb5: {  	[spmem:s30] =	stream.linear.scatter [tilespmem:s31], [sflag:$0x6], $0x10, $0x38;
	[tilespmem:$0x1BB50] =	vst v63  }
0xb6: {  	s24 =	simm.s32 $0x2EA0;
	s25 =	sld [smem:$0x7F7]  }
0xb7: {  	[spmem:s23] =	stream.linear.scatter [tilespmem:s24], [sflag:$0x6], $0x10, $0x38;
	[tilespmem:$0x1BB50] =	vst v63  }
0xb8: {  	s26 =	simm.s32 $0x2F20;
	s28 =	sld [smem:$0x7F8]  }
0xb9: {  	[spmem:s25] =	stream.linear.scatter [tilespmem:s26], [sflag:$0x6], $0x10, $0x38;
	[tilespmem:$0x1BB50] =	vst v63  }
0xba: {  	s29 =	simm.s32 $0x2FA0;
	s30 =	sld [smem:$0x7F9]  }
0xbb: {  	[spmem:s28] =	stream.linear.scatter [tilespmem:s29], [sflag:$0x6], $0x10, $0x38;
	[tilespmem:$0x1BB50] =	vst v63  }
0xbc: {  	s31 =	simm.s32 $0x3020;
	s23 =	sld [smem:$0x7FA]  }
0xbd: {  	[spmem:s30] =	stream.linear.scatter [tilespmem:s31], [sflag:$0x6], $0x10, $0x38;
	[tilespmem:$0x1BB50] =	vst v63  }
0xbe: {  	s24 =	simm.s32 $0x30A0;
	s25 =	sld [smem:$0x7FB]  }
0xbf: {  	[spmem:s23] =	stream.linear.scatter [tilespmem:s24], [sflag:$0x6], $0x10, $0x38;
	[tilespmem:$0x1BB50] =	vst v63  }
0xc0: {  	s26 =	simm.s32 $0x3120;
	s28 =	sld [smem:$0x7FC]  }
0xc1: {  	[spmem:s25] =	stream.linear.scatter [tilespmem:s26], [sflag:$0x6], $0x10, $0x38;
	[tilespmem:$0x1BB50] =	vst v63  }
0xc2: {  	s29 =	simm.s32 $0x31A0;
	s30 =	sld [smem:$0x7FD]  }
0xc3: {  	[spmem:s28] =	stream.linear.scatter [tilespmem:s29], [sflag:$0x6], $0x10, $0x38;
	[tilespmem:$0x1BB50] =	vst v63  }
0xc4: {  	s31 =	simm.s32 $0x3220  }
0xc5: {  	[spmem:s30] =	stream.linear.scatter [tilespmem:s31], [sflag:$0x6], $0x10, $0x38;
	[tilespmem:$0x1BB50] =	vst v63  }
0xc6: {  	_ =	swait.ge [sflag:s5], $0x190  }
0xc7: {  	[sflag:s5] =	ssyncset.done $0x0  }
0xc8: {  	[sflag:s5] =	ssyncadd.s32 $0xFFFFFE70  }
.LBB2_8:
0xc9: {  	[bflag:$0x0] =	sbarrier.arrive $0xFFFF  }
0xca: {  	v2 =	vld [tilespmem:$0x5B40]  }
0xcb: {  	v3 =	vld [tilespmem:$0x5B50]  }
0xcc: {  	v4 =	vld [tilespmem:$0x5B60]  }
0xcd: {  	v5 =	vld [tilespmem:$0x5B70]  }
0xce: {  	v6 =	vld [tilespmem:$0x5B80]  }
0xcf: {  	v7 =	vld [tilespmem:$0x5B90]  }
0xd0: {  	v8 =	vld [tilespmem:$0x5BA0]  }
0xd1: {  	s22 =	simm.s32 $0x0;
	s23 =	simm.s32 $0x0;
	v9 =	vld [tilespmem:$0x5BB0]  }
.LBB2_9:
0xd2: {  	s24 =	smul.u32 $0x460, s23;
	_ =	sdelay $0x1  }
0xd3: {  	s24 =	sadd.s32 s0, s24  }
0xd4: {  	s24 =	sshrl.u32 s24, $0x3  }
0xd5: {  	s26 =	sadd.s32 s7, s24  }
0xd6: {  	[tilespmem:s22], [sflag:$0x6] =	stream.linear.gather [hbm4b:s26+s22], $0x460, $0x38;
	[tilespmem:$0x1BB50] =	vst v63  }
0xd7: {  	_ =	swait.ge [sflag:s5], $0x460  }
0xd8: {  	[sflag:s5] =	ssyncset.done $0x0  }
0xd9: {  	s31 =	sadd.s32 s8, s24;
	[sflag:s5] =	ssyncadd.s32 $0xFFFFFBA0  }
0xda: {  	[tilespmem:s10], [sflag:$0x6] =	stream.linear.gather [hbm4b:s31+s22], $0x460, $0x38;
	[tilespmem:$0x1BB50] =	vst v63  }
0xdb: {  	_ =	swait.ge [sflag:s5], $0x460  }
0xdc: {  	[sflag:s5] =	ssyncset.done $0x0  }
0xdd: {  	s24 =	sadd.s32 s9, s24;
	[sflag:s5] =	ssyncadd.s32 $0xFFFFFBA0  }
0xde: {  	[tilespmem:s12], [sflag:$0x6] =	stream.linear.gather [hbm4b:s24+s22], $0x460, $0x38;
	[tilespmem:$0x1BB50] =	vst v63  }
0xdf: {  	_ =	swait.ge [sflag:s5], $0x460  }
0xe0: {  	[sflag:s5] =	ssyncset.done $0x0  }
0xe1: {  	s24 =	simm.s32 $0x0;
	[sflag:s5] =	ssyncadd.s32 $0xFFFFFBA0  }
0xe2: {  	[tilespmem:s14], [sflag:$0x1] =	stream.indirect.gather [hbm4b:s18+s13], $0x40, s22, s13, $0xb8;
	[tilespmem:$0x1BB50] =	vst v63  }
.LBB2_10:
0xe3: {  	s28 =	sshllo.u32 s24, $0x1  }
0xe4: {  	s29 =	smul.u32 $0xE0, s28  }
0xe5: {  	s30 =	simm.s32 @p0 $0x32  }
0xe6: {  	s31 =	simm.s32 @p0 $0x19A0;
	s25 =	smul.u32 @!p0 $0x1C0, s24;
	s26 =	sshra.s32 s29, $0x2  }
0xe7: {  	[tilespmem:s31], [sflag:$0x2] =	stream.indirect.gather @p0 [hbm4b:s6+s30], $0x40, s26, s30, $0xb8;
	[tilespmem:$0x1BB50] =	vst v63  }
0xe8: {  	s25 =	sshra.s32 @!p0 s25, $0x2;
	s30 =	simm.s32 @!p0 $0x32;
	s31 =	simm.s32 @!p0 $0x19A0  }
0xe9: {  	[tilespmem:s31], [sflag:$0x2] =	stream.indirect.gather @!p0 [hbm4b:s1+s30], $0x40, s26, s30, $0xb8;
	[tilespmem:$0x1BB50] =	vst v63  }
0xea: {  	s11 =	simm.s32 @!p0 $0x5820;
	s25 =	sadd.s32 @!p0 $0x460, s25  }
0xeb: {  	[spmem:s3] =	stream.indirect.scatter.add.f32 @!p0 [tilespmem:s11], [sflag:$0x5], $0x10, s25, s30, $0xb8;
	[tilespmem:$0x1BB50] =	vst v63  }
0xec: {  	s25 =	sshra.s32 @!p0 s29, $0x2  }
0xed: {  	s31 =	sshll.u32 s24, $0x1;
	s25 =	sadd.s32 @!p0 $0x460, s25  }
0xee: {  	v10 =	vmov s31;
	[spmem:s3] =	stream.indirect.scatter.add.f32 @!p0 [tilespmem:s11], [sflag:$0x5], $0x10, s25, s30, $0xb8;
	[tilespmem:$0x1BB50] =	vst v63  }
0xef: {  	p1 =	seq.s32 s24, $0x0;
	v10 =	vmul.u32 $0x38, v10;
	s11 =	simm.s32 $0x1;
	_ =	swait.ge [sflag:s15], $0xC80  }
0xf0: {  	s29 =	simm.s32 $0x0;
	v13 =	vmov s11;
	s11 =	simm.s32 $0x3;
	[sflag:s15] =	ssyncset.done $0x0  }
0xf1: {  	v11 =	vmov s29;
	v10 =	vbroadcast v10, $0x0;
	s25 =	simm.s32 $0x2;
	v15 =	vmov s11;
	s11 =	simm.s32 @!p1 $0x3;
	[sflag:s15] =	ssyncadd.s32 $0xFFFFF380  }
0xf2: {  	v12 =	vand.u32 $0x38, v11;
	v11 =	vand.u32 $0x7, v11;
	v14 =	vmov s25;
	_ =	swait.ge @!p1 [sflag:s11], $0x1900  }
0xf3: {  	v12 =	vadd.s32 v10, v12;
	v16 =	vand.u32 $0x7, v13;
	v13 =	vand.u32 $0x78, v13;
	[sflag:s11] =	ssyncset.done @!p1 $0x0  }
0xf4: {  	s31 =	simm.s32 $0xDC0;
	v11 =	vor.u32 v11, v12;
	v12 =	vand.u32 $0x7, v14;
	v17 =	vand.u32 $0x7, v15;
	[sflag:s11] =	ssyncadd.s32 @!p1 $0xFFFFE700  }
0xf5: {  	s25 =	simm.s32 $0x4;
	v14 =	vand.u32 $0x78, v14;
	v15 =	vand.u32 $0x78, v15;
	v13 =	vadd.s32 v10, v13;
	v31 =	vld [tilespmem:s31+$0x60]  }
0xf6: {  	v14 =	vadd.s32 v10, v14;
	v13 =	vor.u32 v16, v13;
	v16 =	vmov s25;
	v32 =	vld [tilespmem:s31+$0xFFFFFF60]  }
0xf7: {  	v15 =	vadd.s32 v10, v15;
	v12 =	vor.u32 v12, v14;
	v14 =	vand.u32 $0x78, v16;
	v35 =	vld [tilespmem:s31+$0xFFFFFFA0]  }
0xf8: {  	s25 =	simm.s32 $0x5;
	v17 =	vor.u32 v17, v15;
	v15 =	vand.u32 $0x7, v16;
	v14 =	vadd.s32 v10, v14;
	v38 =	vld [tilespmem:s31+$0xFFFFFFE0]  }
0xf9: {  	s11 =	simm.s32 $0x7;
	v16 =	vor.u32 v15, v14;
	v14 =	vmov s25;
	s25 =	simm.s32 $0x6;
	v57 =	vld [tilespmem:s31+$0x20]  }
0xfa: {  	v26 =	vmov s11;
	v11 =	vld.idx.msk [tilespmem:v11+s12+$0x0], $0xffff;
	v15 =	vand.u32 $0x38, v14;
	v19 =	vmov s25;
	s25 =	simm.s32 $0x8  }
0xfb: {  	v21 =	vand.u32 $0x7, v14;
	v23 =	vld.idx.msk [tilespmem:v13+s12+$0x0], $0xffff;
	v25 =	vadd.s32 v10, v15;
	v27 =	vmov s25  }
0xfc: {  	v22 =	vand.u32 $0x7, v19;
	v15 =	vand.u32 $0x7, v26;
	v18 =	vld.idx.msk [tilespmem:v12+s12+$0x0], $0xffff;
	v14 =	vand.u32 $0x7, v27  }
0xfd: {  	v13 =	vld.idx.msk [tilespmem:v17+s12+$0x0], $0xffff;
	v17 =	vand.u32 $0x78, v19;
	v27 =	vand.u32 $0x78, v27;
	v12 =	vor.u32 v21, v25  }
0xfe: {  	v25 =	vadd.s32 v10, v17;
	v17 =	vadd.s32 v10, v27;
	v24 =	vld.idx.msk [tilespmem:v16+s12+$0x0], $0xffff;
	v16 =	vand.u32 $0x78, v26  }
0xff: {  	v43 =	vunpack.i.l.bf16.f32 v31;
	v45 =	vunpack.i.u.bf16.f32 v32;
	v31 =	vunpack.i.u.bf16.f32 v31  }
0x100: {  	v32 =	vunpack.i.l.bf16.f32 v32;
	v58 =	vunpack.i.u.bf16.f32 v35;
	v35 =	vunpack.i.l.bf16.f32 v35  }
0x101: {  	v59 =	vunpack.i.u.bf16.f32 v38;
	v38 =	vunpack.i.l.bf16.f32 v38;
	v19 =	vmul.f32 v11, v6  }
0x102: {  	v46 =	vunpack.i.u.bf16.f32 v57;
	v20 =	vmul.f32 v11, v7;
	v26 =	vmul.f32 v11, v4  }
0x103: {  	v27 =	vunpack.i.l.bf16.f32 v57;
	v28 =	vmul.f32 v11, v5;
	v29 =	vmul.f32 v11, v2  }
0x104: {  	v22 =	vor.u32 v22, v25;
	v30 =	vmul.f32 v11, v3;
	v33 =	vmul.f32 v23, v2  }
0x105: {  	v16 =	vadd.s32 v10, v16;
	v34 =	vmul.f32 v23, v6;
	v36 =	vmul.f32 v23, v3  }
0x106: {  	v37 =	vmul.f32 v18, v2;
	v39 =	vmul.f32 v18, v3;
	v33 =	vadd.f32 v35, v33  }
0x107: {  	v42 =	vmul.f32 v13, v3;
	v60 =	vadd.f32 v58, v36;
	v41 =	vmul.f32 v24, v2  }
0x108: {  	s29 =	simm.s32 $0x2760;
	v44 =	vmul.f32 v24, v3;
	v61 =	vadd.f32 v38, v37;
	v33 =	vmax.f32 v33, $0.0e+00  }
0x109: {  	v30 =	vadd.f32 v45, v30;
	v45 =	vmax.f32 v60, $0.0e+00;
	v41 =	vadd.f32 v43, v41;
	[tilespmem:s29+$0xFFFFFF40] =	vst v33  }
0x10a: {  	v31 =	vadd.f32 v31, v44;
	v44 =	vadd.f32 v46, v42;
	[tilespmem:s29+$0xFFFFFF50] =	vst v45;
	v46 =	vmax.f32 v61, $0.0e+00  }
0x10b: {  	v40 =	vmul.f32 v13, v2;
	v62 =	vadd.f32 v59, v39;
	[tilespmem:s29+$0xFFFFFFC0] =	vst v46;
	v41 =	vmax.f32 v41, $0.0e+00  }
0x10c: {  	v55 =	vmul.f32 v23, v4;
	v56 =	vmul.f32 v23, v5;
	v31 =	vmax.f32 v31, $0.0e+00;
	[tilespmem:s29+$0xC0] =	vst v41  }
0x10d: {  	v29 =	vadd.f32 v32, v29;
	v27 =	vadd.f32 v27, v40;
	v47 =	vmax.f32 v62, $0.0e+00;
	v48 =	vld [tilespmem:s31+$0xFFFFFFB0];
	[tilespmem:s29+$0xD0] =	vst v31  }
0x10e: {  	v15 =	vor.u32 v15, v16;
	v57 =	vmul.f32 v18, v4;
	v58 =	vmul.f32 v18, v5;
	[tilespmem:s29+$0xFFFFFFD0] =	vst v47;
	v63 =	vld [tilespmem:s31+$0x70]  }
0x10f: {  	v21 =	vmul.f32 v24, v8;
	v29 =	vmax.f32 v29, $0.0e+00;
	v27 =	vmax.f32 v27, $0.0e+00;
	v53 =	vld [tilespmem:s31+$0xFFFFFFF0]  }
0x110: {  	v50 =	vmul.f32 v24, v4;
	v52 =	vmul.f32 v24, v5;
	[tilespmem:s29+$0x40] =	vst v27;
	v49 =	vmax.f32 v44, $0.0e+00  }
0x111: {  	v30 =	vmax.f32 v30, $0.0e+00;
	v40 =	vmul.f32 v18, v6;
	v46 =	vmul.f32 v13, v5;
	[tilespmem:s29+$0x50] =	vst v49  }
0x112: {  	v31 =	vmul.f32 v23, v7;
	v59 =	vld [tilespmem:s31+$0x30];
	v60 =	vunpack.i.u.bf16.f32 v48;
	v35 =	vunpack.i.l.bf16.f32 v48  }
0x113: {  	[tilespmem:s29+$0xFFFFFEC0] =	vst v29;
	v61 =	vadd.f32 v35, v55;
	v62 =	vadd.f32 v60, v56;
	v51 =	vunpack.i.l.bf16.f32 v63  }
0x114: {  	[tilespmem:s29+$0xFFFFFED0] =	vst v30;
	v44 =	vunpack.i.u.bf16.f32 v53;
	v54 =	vunpack.i.u.bf16.f32 v63;
	v33 =	vadd.f32 v51, v50  }
0x115: {  	v48 =	vld [tilespmem:s31+$0xFFFFFF70];
	v45 =	vunpack.i.l.bf16.f32 v53;
	v55 =	vmul.f32 v24, v6;
	v27 =	vadd.f32 v54, v52  }
0x116: {  	v29 =	vadd.f32 v45, v57;
	v63 =	vmul.f32 v13, v4;
	v33 =	vmax.f32 v33, $0.0e+00  }
0x117: {  	v49 =	vmax.f32 v62, $0.0e+00;
	v50 =	vunpack.i.u.bf16.f32 v59;
	v27 =	vmax.f32 v27, $0.0e+00;
	[tilespmem:s29+$0xE0] =	vst v33  }
0x118: {  	v51 =	vunpack.i.l.bf16.f32 v59;
	v29 =	vmax.f32 v29, $0.0e+00;
	v54 =	vmul.f32 v18, v7;
	[tilespmem:s29+$0xF0] =	vst v27  }
0x119: {  	[tilespmem:s29+$0xFFFFFF70] =	vst v49;
	v52 =	vadd.f32 v51, v63;
	v33 =	vmax.f32 v61, $0.0e+00;
	v27 =	vadd.f32 v44, v58;
	v47 =	vld [tilespmem:s31+$0x80]  }
0x11a: {  	v32 =	vadd.f32 v50, v46;
	v59 =	vunpack.i.u.bf16.f32 v48;
	v50 =	vmul.f32 v18, v8;
	[tilespmem:s29+$0xFFFFFF60] =	vst v33  }
0x11b: {  	[tilespmem:s29+$0xFFFFFFE0] =	vst v29;
	v51 =	vmul.f32 v13, v6;
	v18 =	vmul.f32 v18, v9;
	v53 =	vld [tilespmem:s31+$0xFFFFFFC0];
	v27 =	vmax.f32 v27, $0.0e+00  }
0x11c: {  	v28 =	vadd.f32 v59, v28;
	v56 =	vmax.f32 v52, $0.0e+00;
	v61 =	vunpack.i.l.bf16.f32 v48;
	[tilespmem:s29+$0xFFFFFFF0] =	vst v27  }
0x11d: {  	v58 =	vmul.f32 v24, v7;
	v62 =	vmax.f32 v32, $0.0e+00;
	[tilespmem:s29+$0x60] =	vst v56;
	v26 =	vadd.f32 v61, v26;
	v60 =	vld [tilespmem:s31+$0x0]  }
0x11e: {  	v24 =	vmul.f32 v24, v9;
	v28 =	vmax.f32 v28, $0.0e+00;
	[tilespmem:s29+$0x70] =	vst v62;
	v57 =	vunpack.i.l.bf16.f32 v47  }
0x11f: {  	v45 =	vld [tilespmem:s31+$0x40];
	[tilespmem:s29+$0xFFFFFEF0] =	vst v28;
	v26 =	vmax.f32 v26, $0.0e+00;
	v39 =	vunpack.i.u.bf16.f32 v47;
	v30 =	vadd.f32 v57, v55  }
0x120: {  	v52 =	vmul.f32 v13, v7;
	[tilespmem:s29+$0xFFFFFEE0] =	vst v26;
	v36 =	vadd.f32 v39, v58;
	v33 =	vunpack.i.l.bf16.f32 v53  }
0x121: {  	v48 =	vld [tilespmem:s31+$0xFFFFFF80];
	v63 =	vunpack.i.u.bf16.f32 v53;
	v37 =	vadd.f32 v33, v34;
	v30 =	vmax.f32 v30, $0.0e+00  }
0x122: {  	v31 =	vadd.f32 v63, v31;
	v36 =	vmax.f32 v36, $0.0e+00;
	v41 =	vunpack.i.l.bf16.f32 v60;
	[tilespmem:s29+$0x100] =	vst v30  }
0x123: {  	v39 =	vunpack.i.u.bf16.f32 v60;
	[tilespmem:s29+$0x110] =	vst v36;
	v44 =	vadd.f32 v41, v40;
	v46 =	vmax.f32 v37, $0.0e+00  }
0x124: {  	v32 =	vunpack.i.l.bf16.f32 v45;
	v43 =	vmax.f32 v31, $0.0e+00;
	v29 =	vadd.f32 v39, v54;
	v42 =	vld [tilespmem:s31+$0x90];
	[tilespmem:s29+$0xFFFFFF80] =	vst v46  }
0x125: {  	v25 =	vadd.f32 v32, v51;
	v54 =	vunpack.i.u.bf16.f32 v45;
	[tilespmem:s29+$0xFFFFFF90] =	vst v43;
	v49 =	vmax.f32 v44, $0.0e+00  }
0x126: {  	v57 =	vunpack.i.l.bf16.f32 v48;
	v28 =	vadd.f32 v54, v52;
	v29 =	vmax.f32 v29, $0.0e+00;
	v26 =	vld [tilespmem:s31+$0xFFFFFFD0];
	[tilespmem:s29+$0x0] =	vst v49  }
0x127: {  	v56 =	vunpack.i.u.bf16.f32 v48;
	v25 =	vmax.f32 v25, $0.0e+00;
	v19 =	vadd.f32 v57, v19;
	[tilespmem:s29+$0x10] =	vst v29  }
0x128: {  	v47 =	vmul.f32 v23, v8;
	v20 =	vadd.f32 v56, v20;
	[tilespmem:s29+$0x80] =	vst v25;
	v59 =	vmax.f32 v28, $0.0e+00;
	v55 =	vld [tilespmem:s31+$0x10]  }
0x129: {  	v23 =	vmul.f32 v23, v9;
	v19 =	vmax.f32 v19, $0.0e+00;
	[tilespmem:s29+$0x90] =	vst v59;
	v53 =	vunpack.i.u.bf16.f32 v42  }
0x12a: {  	v20 =	vmax.f32 v20, $0.0e+00;
	v61 =	vld [tilespmem:s31+$0x50];
	v27 =	vunpack.i.l.bf16.f32 v42;
	v24 =	vadd.f32 v53, v24  }
0x12b: {  	[tilespmem:s29+$0xFFFFFF00] =	vst v19;
	v58 =	vunpack.i.u.bf16.f32 v26;
	v26 =	vunpack.i.l.bf16.f32 v26;
	v21 =	vadd.f32 v27, v21  }
0x12c: {  	[tilespmem:s29+$0xFFFFFF10] =	vst v20;
	v26 =	vadd.f32 v26, v47;
	v19 =	vadd.f32 v58, v23;
	v24 =	vmax.f32 v24, $0.0e+00  }
0x12d: {  	v16 =	vld [tilespmem:s31+$0xFFFFFF90];
	v23 =	vunpack.i.u.bf16.f32 v55;
	v60 =	vunpack.i.l.bf16.f32 v55;
	v62 =	vmax.f32 v21, $0.0e+00  }
0x12e: {  	v20 =	vmax.f32 v26, $0.0e+00;
	v25 =	vadd.f32 v60, v50;
	v18 =	vadd.f32 v23, v18  }
0x12f: {  	v23 =	vmax.f32 v19, $0.0e+00;
	v19 =	vor.u32 v14, v17;
	v21 =	vunpack.i.u.bf16.f32 v61  }
0x130: {  	v63 =	vunpack.i.l.bf16.f32 v61;
	[tilespmem:s29+$0xFFFFFFA0] =	vst v20;
	v20 =	vmul.f32 v11, v8;
	v14 =	vmax.f32 v25, $0.0e+00  }
0x131: {  	[tilespmem:s29+$0x130] =	vst v24;
	v17 =	vmax.f32 v18, $0.0e+00;
	v18 =	vmul.f32 v13, v8;
	v13 =	vmul.f32 v13, v9  }
0x132: {  	s25 =	simm.s32 $0x9;
	v11 =	vmul.f32 v11, v9;
	[tilespmem:s29+$0x20] =	vst v14;
	v14 =	vunpack.i.u.bf16.f32 v16;
	v16 =	vunpack.i.l.bf16.f32 v16  }
0x133: {  	[tilespmem:s29+$0xFFFFFFB0] =	vst v23;
	v18 =	vadd.f32 v63, v18;
	v21 =	vadd.f32 v21, v13;
	v13 =	vmov s25  }
0x134: {  	[tilespmem:s29+$0x30] =	vst v17;
	v16 =	vadd.f32 v16, v20;
	v23 =	vadd.f32 v14, v11;
	v17 =	vand.u32 $0x78, v13  }
0x135: {  	s30 =	simm.s32 $0xA;
	[tilespmem:s29+$0x120] =	vst v62;
	v11 =	vld.idx.msk [tilespmem:v12+s12+$0x0], $0xffff;
	v12 =	vand.u32 $0x7, v13;
	v13 =	vadd.s32 v10, v17;
	v18 =	vmax.f32 v18, $0.0e+00  }
.LBB2_11:
0x136: {  	p2 =	slt.u32 s30, $0x2D;
	v12 =	vor.u32 v12, v13;
	v13 =	vmax.f32 v16, $0.0e+00;
	[tilespmem:s29+$0xA0] =	vst v18;
	v14 =	vmax.f32 v21, $0.0e+00  }
0x137: {  	v16 =	vmov s30;
	s11 =	sadd.s32 $0x1, s30;
	v17 =	vmax.f32 v23, $0.0e+00;
	[tilespmem:s29+$0xB0] =	vst v14  }
0x138: {  	s25 =	sadd.s32 $0x3, s30;
	v14 =	vand.u32 $0x38, v16;
	v16 =	vand.u32 $0x7, v16;
	v20 =	vmov s11;
	s11 =	sadd.s32 $0x2, s30;
	v22 =	vld.idx.msk [tilespmem:v22+s12+$0x0], $0xffff;
	[tilespmem:s29+$0xFFFFFF20] =	vst v13  }
0x139: {  	v26 =	vmov s25;
	v21 =	vadd.s32 v10, v14;
	v25 =	vmov s11;
	v18 =	vld.idx.msk [tilespmem:v15+s12+$0x0], $0xffff;
	[tilespmem:s29+$0xFFFFFF30] =	vst v17  }
0x13a: {  	v23 =	vand.u32 $0x7, v20;
	v14 =	vand.u32 $0x7, v26;
	v15 =	vand.u32 $0x7, v25;
	v13 =	vld.idx.msk [tilespmem:v19+s12+$0x0], $0xffff  }
0x13b: {  	v17 =	vand.u32 $0x78, v20;
	v19 =	vmul.f32 v11, v6;
	v20 =	vmul.f32 v11, v7;
	v24 =	vld.idx.msk [tilespmem:v12+s12+$0x0], $0xffff  }
0x13c: {  	s31 =	sadd.s32 $0x140, s31;
	v29 =	vand.u32 $0x78, v25;
	v27 =	vmul.f32 v11, v4;
	v28 =	vmul.f32 v11, v5  }
0x13d: {  	v30 =	vand.u32 $0x78, v26;
	v31 =	vmul.f32 v11, v2;
	v32 =	vmul.f32 v11, v3;
	v33 =	vld [tilespmem:s31+$0x60]  }
0x13e: {  	v12 =	vor.u32 v16, v21;
	v35 =	vmul.f32 v22, v2;
	v26 =	vmul.f32 v22, v6;
	v34 =	vld [tilespmem:s31+$0xFFFFFF60]  }
0x13f: {  	v25 =	vadd.s32 v10, v17;
	v37 =	vmul.f32 v22, v3;
	v38 =	vmul.f32 v18, v2;
	v36 =	vld [tilespmem:s31+$0xFFFFFFA0]  }
0x140: {  	v17 =	vadd.s32 v10, v29;
	v39 =	vmul.f32 v18, v3;
	v40 =	vmul.f32 v13, v2;
	v29 =	vld [tilespmem:s31+$0xFFFFFFE0]  }
0x141: {  	v16 =	vadd.s32 v10, v30;
	v41 =	vmul.f32 v24, v2;
	v21 =	vmul.f32 v24, v8;
	v30 =	vld [tilespmem:s31+$0x20]  }
0x142: {  	v42 =	vmul.f32 v13, v3;
	v44 =	vmul.f32 v24, v3;
	v43 =	vunpack.i.l.bf16.f32 v33  }
0x143: {  	v33 =	vunpack.i.u.bf16.f32 v33;
	v45 =	vunpack.i.u.bf16.f32 v34;
	v41 =	vadd.f32 v43, v41  }
0x144: {  	v34 =	vunpack.i.l.bf16.f32 v34;
	v33 =	vadd.f32 v33, v44;
	v43 =	vunpack.i.u.bf16.f32 v36  }
0x145: {  	s29 =	sadd.s32 $0x280, s29;
	v36 =	vunpack.i.l.bf16.f32 v36;
	v44 =	vunpack.i.u.bf16.f32 v29;
	v41 =	vmax.f32 v41, $0.0e+00  }
0x146: {  	v29 =	vunpack.i.l.bf16.f32 v29;
	v33 =	vmax.f32 v33, $0.0e+00;
	v46 =	vunpack.i.u.bf16.f32 v30;
	[tilespmem:s29+$0xC0] =	vst v41  }
0x147: {  	v35 =	vadd.f32 v36, v35;
	v36 =	vadd.f32 v43, v37;
	v30 =	vunpack.i.l.bf16.f32 v30;
	[tilespmem:s29+$0xD0] =	vst v33  }
0x148: {  	v29 =	vadd.f32 v29, v38;
	v37 =	vadd.f32 v44, v39;
	v33 =	vmul.f32 v22, v7;
	v38 =	vld [tilespmem:s31+$0x70]  }
0x149: {  	v35 =	vmax.f32 v35, $0.0e+00;
	v30 =	vadd.f32 v30, v40;
	v39 =	vadd.f32 v46, v42  }
0x14a: {  	v31 =	vadd.f32 v34, v31;
	v32 =	vadd.f32 v45, v32;
	v34 =	vmax.f32 v36, $0.0e+00;
	[tilespmem:s29+$0xFFFFFF40] =	vst v35  }
0x14b: {  	v29 =	vmax.f32 v29, $0.0e+00;
	v30 =	vmax.f32 v30, $0.0e+00;
	[tilespmem:s29+$0xFFFFFF50] =	vst v34;
	v34 =	vmax.f32 v37, $0.0e+00  }
0x14c: {  	v31 =	vmax.f32 v31, $0.0e+00;
	v36 =	vmul.f32 v24, v4;
	v35 =	vld [tilespmem:s31+$0xFFFFFFB0];
	[tilespmem:s29+$0xFFFFFFC0] =	vst v29;
	v29 =	vmax.f32 v39, $0.0e+00  }
0x14d: {  	v32 =	vmax.f32 v32, $0.0e+00;
	v37 =	vmul.f32 v24, v5;
	[tilespmem:s29+$0xFFFFFFD0] =	vst v34;
	v34 =	vunpack.i.l.bf16.f32 v38  }
0x14e: {  	v40 =	vmul.f32 v18, v6;
	v39 =	vld [tilespmem:s31+$0xFFFFFFF0];
	[tilespmem:s29+$0x40] =	vst v30;
	v30 =	vunpack.i.u.bf16.f32 v38;
	v34 =	vadd.f32 v34, v36  }
0x14f: {  	v36 =	vmul.f32 v22, v4;
	v38 =	vmul.f32 v22, v5;
	[tilespmem:s29+$0x50] =	vst v29;
	v29 =	vadd.f32 v30, v37  }
0x150: {  	v30 =	vmul.f32 v18, v4;
	[tilespmem:s29+$0xFFFFFEC0] =	vst v31;
	v31 =	vmul.f32 v18, v5;
	v37 =	vld [tilespmem:s31+$0x30];
	v34 =	vmax.f32 v34, $0.0e+00  }
0x151: {  	v41 =	vunpack.i.u.bf16.f32 v35;
	v35 =	vunpack.i.l.bf16.f32 v35;
	[tilespmem:s29+$0xE0] =	vst v34;
	v29 =	vmax.f32 v29, $0.0e+00  }
0x152: {  	v34 =	vadd.f32 v35, v36;
	v35 =	vadd.f32 v41, v38;
	v36 =	vmul.f32 v13, v4;
	[tilespmem:s29+$0xF0] =	vst v29  }
0x153: {  	v38 =	vmul.f32 v13, v5;
	[tilespmem:s29+$0xFFFFFED0] =	vst v32;
	v29 =	vunpack.i.u.bf16.f32 v39;
	v32 =	vunpack.i.l.bf16.f32 v39;
	v39 =	vld [tilespmem:s31+$0x80]  }
0x154: {  	v41 =	vld [tilespmem:s31+$0xFFFFFF70];
	v34 =	vmax.f32 v34, $0.0e+00;
	v30 =	vadd.f32 v32, v30;
	v29 =	vadd.f32 v29, v31  }
0x155: {  	v31 =	vmax.f32 v35, $0.0e+00;
	[tilespmem:s29+$0xFFFFFF60] =	vst v34;
	v32 =	vunpack.i.u.bf16.f32 v37;
	v34 =	vunpack.i.l.bf16.f32 v37  }
0x156: {  	[tilespmem:s29+$0xFFFFFF70] =	vst v31;
	v30 =	vmax.f32 v30, $0.0e+00;
	v31 =	vadd.f32 v34, v36;
	v32 =	vadd.f32 v32, v38  }
0x157: {  	v35 =	vmul.f32 v24, v6;
	v29 =	vmax.f32 v29, $0.0e+00;
	v34 =	vld [tilespmem:s31+$0xFFFFFFC0];
	[tilespmem:s29+$0xFFFFFFE0] =	vst v30;
	v30 =	vmul.f32 v18, v7  }
0x158: {  	v36 =	vmul.f32 v24, v7;
	[tilespmem:s29+$0xFFFFFFF0] =	vst v29;
	v29 =	vmax.f32 v31, $0.0e+00;
	v31 =	vunpack.i.l.bf16.f32 v39  }
0x159: {  	v37 =	vunpack.i.u.bf16.f32 v41;
	v38 =	vld [tilespmem:s31+$0x0];
	[tilespmem:s29+$0x60] =	vst v29;
	v29 =	vunpack.i.u.bf16.f32 v39;
	v31 =	vadd.f32 v31, v35  }
0x15a: {  	v35 =	vunpack.i.l.bf16.f32 v41;
	v28 =	vadd.f32 v37, v28;
	v29 =	vadd.f32 v29, v36  }
0x15b: {  	v32 =	vmax.f32 v32, $0.0e+00;
	v27 =	vadd.f32 v35, v27;
	v31 =	vmax.f32 v31, $0.0e+00  }
0x15c: {  	v28 =	vmax.f32 v28, $0.0e+00;
	v35 =	vunpack.i.u.bf16.f32 v34;
	[tilespmem:s29+$0x100] =	vst v31;
	v29 =	vmax.f32 v29, $0.0e+00  }
0x15d: {  	v27 =	vmax.f32 v27, $0.0e+00;
	v31 =	vunpack.i.l.bf16.f32 v34;
	v33 =	vadd.f32 v35, v33;
	[tilespmem:s29+$0x110] =	vst v29  }
0x15e: {  	v26 =	vadd.f32 v31, v26;
	v29 =	vunpack.i.u.bf16.f32 v38;
	v31 =	vunpack.i.l.bf16.f32 v38;
	[tilespmem:s29+$0x70] =	vst v32;
	v32 =	vld [tilespmem:s31+$0x90]  }
0x15f: {  	[tilespmem:s29+$0xFFFFFEE0] =	vst v27;
	v27 =	vmax.f32 v33, $0.0e+00;
	v31 =	vadd.f32 v31, v40;
	v29 =	vadd.f32 v29, v30;
	v30 =	vld [tilespmem:s31+$0x40]  }
0x160: {  	v26 =	vmax.f32 v26, $0.0e+00;
	v33 =	vmul.f32 v22, v9;
	[tilespmem:s29+$0xFFFFFEF0] =	vst v28;
	v28 =	vmul.f32 v22, v8  }
0x161: {  	v34 =	vld [tilespmem:s31+$0xFFFFFF80];
	[tilespmem:s29+$0xFFFFFF80] =	vst v26;
	v26 =	vmax.f32 v31, $0.0e+00;
	v29 =	vmax.f32 v29, $0.0e+00;
	v31 =	vmul.f32 v18, v8  }
0x162: {  	v24 =	vmul.f32 v24, v9;
	v22 =	vor.u32 v23, v25;
	v23 =	vmul.f32 v13, v6;
	[tilespmem:s29+$0xFFFFFF90] =	vst v27  }
0x163: {  	v25 =	vld [tilespmem:s31+$0xFFFFFFD0];
	[tilespmem:s29+$0x0] =	vst v26;
	v26 =	vmul.f32 v13, v7;
	v27 =	vunpack.i.u.bf16.f32 v32;
	v32 =	vunpack.i.l.bf16.f32 v32  }
0x164: {  	[tilespmem:s29+$0x10] =	vst v29;
	v29 =	vunpack.i.u.bf16.f32 v30;
	v30 =	vunpack.i.l.bf16.f32 v30;
	v24 =	vadd.f32 v27, v24  }
0x165: {  	v18 =	vmul.f32 v18, v9;
	v27 =	vld [tilespmem:s31+$0x10];
	v23 =	vadd.f32 v30, v23;
	v26 =	vadd.f32 v29, v26  }
0x166: {  	v29 =	vunpack.i.u.bf16.f32 v34;
	v30 =	vunpack.i.l.bf16.f32 v34;
	v24 =	vmax.f32 v24, $0.0e+00  }
0x167: {  	v19 =	vadd.f32 v30, v19;
	v20 =	vadd.f32 v29, v20;
	v23 =	vmax.f32 v23, $0.0e+00;
	[tilespmem:s29+$0x130] =	vst v24  }
0x168: {  	v24 =	vunpack.i.u.bf16.f32 v25;
	v25 =	vunpack.i.l.bf16.f32 v25;
	[tilespmem:s29+$0x80] =	vst v23;
	v23 =	vmax.f32 v26, $0.0e+00  }
0x169: {  	v19 =	vmax.f32 v19, $0.0e+00;
	v20 =	vmax.f32 v20, $0.0e+00;
	v25 =	vadd.f32 v25, v28;
	[tilespmem:s29+$0x90] =	vst v23  }
0x16a: {  	[tilespmem:s29+$0xFFFFFF00] =	vst v19;
	v19 =	vadd.f32 v24, v33;
	v23 =	vunpack.i.u.bf16.f32 v27;
	v24 =	vunpack.i.l.bf16.f32 v27;
	v26 =	vld [tilespmem:s31+$0x50]  }
0x16b: {  	[tilespmem:s29+$0xFFFFFF10] =	vst v20;
	v20 =	vmax.f32 v25, $0.0e+00;
	v24 =	vadd.f32 v24, v31;
	v18 =	vadd.f32 v23, v18  }
0x16c: {  	v15 =	vor.u32 v15, v17;
	v21 =	vadd.f32 v32, v21;
	v17 =	vld [tilespmem:s31+$0xFFFFFF90];
	[tilespmem:s29+$0xFFFFFFA0] =	vst v20;
	v20 =	vmax.f32 v19, $0.0e+00  }
0x16d: {  	v19 =	vor.u32 v14, v16;
	[tilespmem:s29+$0xFFFFFFB0] =	vst v20;
	v14 =	vmax.f32 v24, $0.0e+00;
	v16 =	vmax.f32 v18, $0.0e+00  }
0x16e: {  	v18 =	vmax.f32 v21, $0.0e+00;
	[tilespmem:s29+$0x20] =	vst v14;
	v14 =	vmul.f32 v13, v8;
	v13 =	vmul.f32 v13, v9  }
.Ltmp4:
0x16f: {  	v20 =	vmul.f32 v11, v8;
	[tilespmem:s29+$0x30] =	vst v16;
	v16 =	vunpack.i.u.bf16.f32 v26;
	v21 =	vunpack.i.l.bf16.f32 v26;
	(pc) =	sbr.rel @p2 .LBB2_11-.Ltmp4, $4  }
0x170: {  	s11 =	sadd.s32 $0x4, s30;
	v11 =	vmul.f32 v11, v9;
	v14 =	vadd.f32 v21, v14;
	v21 =	vadd.f32 v16, v13;
	[tilespmem:s29+$0x120] =	vst v18  }
0x171: {  	v13 =	vmov s11;
	v18 =	vunpack.i.u.bf16.f32 v17;
	v16 =	vunpack.i.l.bf16.f32 v17  }
0x172: {  	v17 =	vand.u32 $0x78, v13;
	v16 =	vadd.f32 v16, v20;
	v23 =	vadd.f32 v18, v11  }
0x173: {  	s30 =	sadd.s32 $0x5, s30;
	v18 =	vmax.f32 v14, $0.0e+00;
	v11 =	vld.idx.msk [tilespmem:v12+s12+$0x0], $0xffff;
	v12 =	vand.u32 $0x7, v13;
	v13 =	vadd.s32 v10, v17  }
0x174: {  	_ =	sdelay $0x1  }
0x175: {  	v10 =	vor.u32 v12, v13;
	_ =	sdelay $0x1  }
0x176: {  	v20 =	vld.idx.msk [tilespmem:v22+s12+$0x0], $0xffff  }
0x177: {  	s31 =	sadd.s32 $0x140, s31;
	v13 =	vld.idx.msk [tilespmem:v15+s12+$0x0], $0xffff  }
0x178: {  	v22 =	vld [tilespmem:s31+$0x60]  }
0x179: {  	v14 =	vmul.f32 v11, v6;
	v15 =	vmul.f32 v11, v7;
	v17 =	vld.idx.msk [tilespmem:v10+s12+$0x0], $0xffff  }
0x17a: {  	v27 =	vld [tilespmem:s31+$0xFFFFFF60];
	v24 =	vmul.f32 v11, v4;
	v25 =	vmul.f32 v11, v5  }
0x17b: {  	v26 =	vmul.f32 v11, v2;
	v10 =	vld.idx.msk [tilespmem:v19+s12+$0x0], $0xffff;
	v19 =	vmax.f32 v21, $0.0e+00;
	v21 =	vmul.f32 v11, v3  }
0x17c: {  	v12 =	vmax.f32 v23, $0.0e+00;
	v29 =	vld [tilespmem:s31+$0xFFFFFFA0];
	v28 =	vmul.f32 v20, v2;
	v23 =	vmul.f32 v20, v6  }
0x17d: {  	v31 =	vmul.f32 v20, v3;
	v35 =	vmul.f32 v13, v2  }
0x17e: {  	v16 =	vmax.f32 v16, $0.0e+00;
	v32 =	vld [tilespmem:s31+$0xFFFFFFE0];
	v58 =	vmul.f32 v13, v3;
	v30 =	vmul.f32 v17, v2  }
0x17f: {  	v45 =	vmul.f32 v20, v4;
	v33 =	vunpack.i.l.bf16.f32 v22;
	v34 =	vmul.f32 v17, v3  }
0x180: {  	v36 =	vld [tilespmem:s31+$0x20];
	v22 =	vunpack.i.u.bf16.f32 v22;
	v38 =	vunpack.i.u.bf16.f32 v27;
	v30 =	vadd.f32 v33, v30  }
0x181: {  	v39 =	vunpack.i.u.bf16.f32 v29;
	v29 =	vunpack.i.l.bf16.f32 v29;
	v22 =	vadd.f32 v22, v34  }
0x182: {  	s30 =	sadd.s32 $0x280, s29;
	v27 =	vunpack.i.l.bf16.f32 v27;
	v28 =	vadd.f32 v29, v28;
	v30 =	vmax.f32 v30, $0.0e+00  }
0x183: {  	v60 =	vunpack.i.u.bf16.f32 v32;
	v32 =	vunpack.i.l.bf16.f32 v32;
	v22 =	vmax.f32 v22, $0.0e+00;
	[tilespmem:s30+$0xC0] =	vst v30  }
0x184: {  	v32 =	vadd.f32 v32, v35;
	v28 =	vmax.f32 v28, $0.0e+00;
	v37 =	vmul.f32 v10, v2;
	[tilespmem:s30+$0xD0] =	vst v22  }
0x185: {  	v22 =	vunpack.i.u.bf16.f32 v36;
	v36 =	vunpack.i.l.bf16.f32 v36;
	v30 =	vadd.f32 v60, v58;
	v62 =	vld [tilespmem:s31+$0x70]  }
0x186: {  	v61 =	vadd.f32 v39, v31;
	[tilespmem:s30+$0xFFFFFF40] =	vst v28;
	v63 =	vadd.f32 v36, v37;
	v36 =	vmax.f32 v32, $0.0e+00  }
0x187: {  	v26 =	vadd.f32 v27, v26;
	v21 =	vadd.f32 v38, v21;
	v38 =	vmax.f32 v30, $0.0e+00;
	[tilespmem:s30+$0xFFFFFFC0] =	vst v36  }
0x188: {  	v46 =	vmul.f32 v20, v5;
	v35 =	vmax.f32 v61, $0.0e+00;
	v59 =	vmul.f32 v10, v3;
	[tilespmem:s30+$0xFFFFFFD0] =	vst v38  }
0x189: {  	v26 =	vmax.f32 v26, $0.0e+00;
	v21 =	vmax.f32 v21, $0.0e+00;
	[tilespmem:s30+$0xFFFFFF50] =	vst v35;
	v37 =	vmul.f32 v17, v4;
	v44 =	vld [tilespmem:s31+$0xFFFFFFF0]  }
0x18a: {  	v42 =	vmul.f32 v17, v5;
	[tilespmem:s30+$0xFFFFFEC0] =	vst v26;
	v40 =	vld [tilespmem:s31+$0xFFFFFFB0];
	v22 =	vadd.f32 v22, v59;
	v41 =	vunpack.i.l.bf16.f32 v62  }
0x18b: {  	[tilespmem:s30+$0xFFFFFED0] =	vst v21;
	v33 =	vmax.f32 v63, $0.0e+00;
	v43 =	vunpack.i.u.bf16.f32 v62;
	v27 =	vadd.f32 v41, v37  }
0x18c: {  	v47 =	vmul.f32 v13, v4;
	v22 =	vmax.f32 v22, $0.0e+00;
	[tilespmem:s30+$0x40] =	vst v33;
	v29 =	vadd.f32 v43, v42  }
0x18d: {  	v48 =	vmul.f32 v13, v5;
	v51 =	vmul.f32 v10, v4;
	v54 =	vld [tilespmem:s31+$0xFFFFFF70];
	[tilespmem:s30+$0x50] =	vst v22;
	v22 =	vmax.f32 v27, $0.0e+00  }
0x18e: {  	v53 =	vmul.f32 v10, v5;
	v33 =	vld [tilespmem:s31+$0x30];
	v21 =	vunpack.i.u.bf16.f32 v44;
	[tilespmem:s30+$0xE0] =	vst v22;
	v22 =	vmax.f32 v29, $0.0e+00  }
0x18f: {  	v57 =	vmul.f32 v17, v6;
	v30 =	vunpack.i.l.bf16.f32 v40;
	v21 =	vadd.f32 v21, v48;
	[tilespmem:s30+$0xF0] =	vst v22  }
0x190: {  	v58 =	vmul.f32 v17, v7;
	v49 =	vunpack.i.u.bf16.f32 v40;
	v22 =	vadd.f32 v30, v45;
	v52 =	vld [tilespmem:s31+$0x80]  }
0x191: {  	v50 =	vadd.f32 v49, v46;
	v28 =	vunpack.i.l.bf16.f32 v44;
	v21 =	vmax.f32 v21, $0.0e+00  }
0x192: {  	v60 =	vunpack.i.u.bf16.f32 v54;
	v28 =	vadd.f32 v28, v47;
	v22 =	vmax.f32 v22, $0.0e+00;
	[tilespmem:s30+$0xFFFFFFF0] =	vst v21  }
0x193: {  	v25 =	vadd.f32 v60, v25;
	v56 =	vunpack.i.l.bf16.f32 v33;
	[tilespmem:s30+$0xFFFFFF60] =	vst v22;
	v22 =	vmax.f32 v50, $0.0e+00  }
0x194: {  	v55 =	vunpack.i.u.bf16.f32 v33;
	v27 =	vadd.f32 v56, v51;
	[tilespmem:s30+$0xFFFFFF70] =	vst v22;
	v22 =	vmax.f32 v28, $0.0e+00  }
0x195: {  	v62 =	vunpack.i.l.bf16.f32 v54;
	v26 =	vadd.f32 v55, v53;
	[tilespmem:s30+$0xFFFFFFE0] =	vst v22;
	v59 =	vld [tilespmem:s31+$0xFFFFFFC0];
	v22 =	vunpack.i.l.bf16.f32 v52  }
0x196: {  	v27 =	vmax.f32 v27, $0.0e+00;
	v21 =	vunpack.i.u.bf16.f32 v52;
	v61 =	vld [tilespmem:s31+$0x0];
	v22 =	vadd.f32 v22, v57  }
0x197: {  	v24 =	vadd.f32 v62, v24;
	v26 =	vmax.f32 v26, $0.0e+00;
	[tilespmem:s30+$0x60] =	vst v27;
	v21 =	vadd.f32 v21, v58  }
0x198: {  	v39 =	vmul.f32 v20, v7;
	v63 =	vmul.f32 v13, v6;
	[tilespmem:s30+$0x70] =	vst v26;
	v22 =	vmax.f32 v22, $0.0e+00  }
0x199: {  	v25 =	vmax.f32 v25, $0.0e+00;
	v24 =	vmax.f32 v24, $0.0e+00;
	v35 =	vld [tilespmem:s31+$0x40];
	v21 =	vmax.f32 v21, $0.0e+00;
	[tilespmem:s30+$0x100] =	vst v22  }
0x19a: {  	v22 =	vmul.f32 v13, v7;
	[tilespmem:s30+$0x110] =	vst v21;
	v21 =	vunpack.i.u.bf16.f32 v59;
	v33 =	vunpack.i.l.bf16.f32 v59  }
0x19b: {  	[tilespmem:s30+$0xFFFFFEF0] =	vst v25;
	v21 =	vadd.f32 v21, v39;
	v23 =	vadd.f32 v33, v23;
	v34 =	vunpack.i.l.bf16.f32 v61  }
0x19c: {  	v36 =	vmul.f32 v17, v8;
	[tilespmem:s30+$0xFFFFFEE0] =	vst v24;
	v37 =	vunpack.i.u.bf16.f32 v61;
	v38 =	vld [tilespmem:s31+$0x90];
	v26 =	vadd.f32 v34, v63  }
0x19d: {  	[tilespmem:s29+$0xA0] =	vst v18;
	v18 =	vmax.f32 v21, $0.0e+00;
	v21 =	vadd.f32 v37, v22;
	v22 =	vmax.f32 v23, $0.0e+00;
	v23 =	vld [tilespmem:s31+$0xFFFFFF80]  }
0x19e: {  	v40 =	vmul.f32 v13, v8;
	v17 =	vmul.f32 v17, v9;
	v42 =	vunpack.i.l.bf16.f32 v35;
	[tilespmem:s30+$0xFFFFFF80] =	vst v22  }
0x19f: {  	v13 =	vmul.f32 v13, v9;
	v22 =	vmax.f32 v26, $0.0e+00;
	[tilespmem:s30+$0xFFFFFF90] =	vst v18;
	v18 =	vmul.f32 v10, v6  }
0x1a0: {  	v39 =	vmul.f32 v20, v8;
	v21 =	vmax.f32 v21, $0.0e+00;
	v41 =	vld [tilespmem:s31+$0xFFFFFFD0];
	[tilespmem:s30+$0x0] =	vst v22;
	v22 =	vmul.f32 v10, v7  }
0x1a1: {  	v20 =	vmul.f32 v20, v9;
	[tilespmem:s30+$0x10] =	vst v21;
	v21 =	vunpack.i.u.bf16.f32 v35;
	v18 =	vadd.f32 v42, v18  }
0x1a2: {  	[tilespmem:s29+$0xFFFFFF20] =	vst v16;
	v43 =	vunpack.i.u.bf16.f32 v38;
	v44 =	vld [tilespmem:s31+$0x10];
	v21 =	vadd.f32 v21, v22;
	v22 =	vunpack.i.l.bf16.f32 v23  }
0x1a3: {  	[tilespmem:s29+$0xB0] =	vst v19;
	v16 =	vunpack.i.u.bf16.f32 v23;
	v18 =	vmax.f32 v18, $0.0e+00;
	v14 =	vadd.f32 v22, v14  }
0x1a4: {  	v19 =	vunpack.i.l.bf16.f32 v38;
	v15 =	vadd.f32 v16, v15;
	[tilespmem:s30+$0x80] =	vst v18;
	v16 =	vmax.f32 v21, $0.0e+00  }
0x1a5: {  	v17 =	vadd.f32 v43, v17;
	v18 =	vunpack.i.l.bf16.f32 v41;
	[tilespmem:s30+$0x90] =	vst v16;
	v14 =	vmax.f32 v14, $0.0e+00  }
0x1a6: {  	v16 =	vunpack.i.u.bf16.f32 v41;
	v15 =	vmax.f32 v15, $0.0e+00;
	v18 =	vadd.f32 v18, v39;
	[tilespmem:s30+$0xFFFFFF00] =	vst v14;
	v14 =	vld [tilespmem:s31+$0x50]  }
0x1a7: {  	v16 =	vadd.f32 v16, v20;
	v20 =	vunpack.i.u.bf16.f32 v44;
	v21 =	vunpack.i.l.bf16.f32 v44;
	[tilespmem:s30+$0xFFFFFF10] =	vst v15  }
0x1a8: {  	[tilespmem:s29+$0xFFFFFF30] =	vst v12;
	v12 =	vmax.f32 v17, $0.0e+00;
	v15 =	vadd.f32 v21, v40;
	v13 =	vadd.f32 v20, v13;
	v17 =	vld [tilespmem:s31+$0xFFFFFF90]  }
0x1a9: {  	[tilespmem:s30+$0x130] =	vst v12;
	v12 =	vmax.f32 v18, $0.0e+00;
	v16 =	vmax.f32 v16, $0.0e+00;
	v18 =	vadd.f32 v19, v36  }
0x1aa: {  	[tilespmem:s30+$0xFFFFFFA0] =	vst v12;
	v12 =	vmax.f32 v15, $0.0e+00;
	v13 =	vmax.f32 v13, $0.0e+00;
	v15 =	vmul.f32 v10, v8  }
0x1ab: {  	[tilespmem:s30+$0xFFFFFFB0] =	vst v16;
	v10 =	vmul.f32 v10, v9;
	v16 =	vmax.f32 v18, $0.0e+00;
	v18 =	vunpack.i.l.bf16.f32 v14  }
0x1ac: {  	[tilespmem:s30+$0x20] =	vst v12;
	v12 =	vmul.f32 v11, v8;
	v14 =	vunpack.i.u.bf16.f32 v14;
	v15 =	vadd.f32 v18, v15  }
0x1ad: {  	[tilespmem:s30+$0x30] =	vst v13;
	v11 =	vmul.f32 v11, v9;
	v10 =	vadd.f32 v14, v10;
	v13 =	vunpack.i.l.bf16.f32 v17  }
0x1ae: {  	[tilespmem:s30+$0x120] =	vst v16;
	v14 =	vunpack.i.u.bf16.f32 v17;
	v12 =	vadd.f32 v13, v12;
	v13 =	vmax.f32 v15, $0.0e+00  }
0x1af: {  	s11 =	smul.u32 $0x1C0, s24;
	v11 =	vadd.f32 v14, v11;
	v10 =	vmax.f32 v10, $0.0e+00;
	[tilespmem:s30+$0xA0] =	vst v13  }
0x1b0: {  	p2 =	seq.s32 s24, $0x9;
	v12 =	vmax.f32 v12, $0.0e+00;
	[tilespmem:s30+$0xB0] =	vst v10  }
0x1b1: {  	s25 =	sshra.s32 s11, $0x2;
	s11 =	sshra.s32 @!p2 s11, $0x2;
	v10 =	vmax.f32 v11, $0.0e+00;
	[tilespmem:s30+$0xFFFFFF20] =	vst v12  }
0x1b2: {  	s25 =	sadd.s32 $0x460, s25;
	s11 =	sadd.s32 @!p2 $0x70, s11;
	[tilespmem:s30+$0xFFFFFF30] =	vst v10  }
0x1b3: {  	[spmem:s2] =	stream.indirect.scatter.add.f32 [tilespmem:s4], [sflag:$0x3], $0x80, s25, s13, $0xb8;
	[tilespmem:$0x1BB50] =	vst v63  }
0x1b4: {  	s29 =	simm.s32 $0x0;
	v10 =	vmov s28;
	s28 =	simm.s32 @!p2 $0xD20;
	s25 =	simm.s32 @!p2 $0x32  }
0x1b5: {  	[tilespmem:s28], [sflag:$0x1] =	stream.indirect.gather @!p2 [hbm4b:s18+s25], $0x40, s11, s25, $0xb8;
	[tilespmem:$0x1BB50] =	vst v63  }
0x1b6: {  	s31 =	simm.s32 $0x1;
	v11 =	vmov s29;
	v10 =	vmul.u32 $0x38, v10;
	_ =	swait.ge [sflag:s16], $0xC80  }
0x1b7: {  	v13 =	vmov s31;
	s31 =	simm.s32 $0x3;
	v12 =	vand.u32 $0x38, v11;
	[sflag:s16] =	ssyncset.done $0x0  }
0x1b8: {  	v11 =	vand.u32 $0x7, v11;
	v15 =	vmov s31;
	v10 =	vbroadcast v10, $0x0;
	s11 =	simm.s32 @!p1 $0x4;
	[sflag:s16] =	ssyncadd.s32 $0xFFFFF380  }
0x1b9: {  	v16 =	vand.u32 $0x7, v13;
	v13 =	vand.u32 $0x78, v13;
	v17 =	vand.u32 $0x7, v15;
	s25 =	simm.s32 $0x2;
	_ =	swait.ge @!p1 [sflag:s11], $0x1900  }
0x1ba: {  	v15 =	vand.u32 $0x78, v15;
	v14 =	vmov s25;
	v12 =	vadd.s32 v10, v12;
	[sflag:s11] =	ssyncset.done @!p1 $0x0  }
0x1bb: {  	s29 =	simm.s32 $0x1AD0;
	v13 =	vadd.s32 v10, v13;
	v15 =	vadd.s32 v10, v15;
	v11 =	vor.u32 v11, v12;
	[sflag:s11] =	ssyncadd.s32 @!p1 $0xFFFFE700  }
0x1bc: {  	s31 =	simm.s32 $0x4;
	v12 =	vand.u32 $0x7, v14;
	v14 =	vand.u32 $0x78, v14;
	v13 =	vor.u32 v16, v13;
	v49 =	vld [tilespmem:s29+$0xFFFFFFD0]  }
0x1bd: {  	v16 =	vmov s31;
	v17 =	vor.u32 v17, v15;
	s31 =	simm.s32 $0x6;
	v14 =	vadd.s32 v10, v14;
	v50 =	vld [tilespmem:s29+$0xFFFFFED0]  }
0x1be: {  	v19 =	vmov s31;
	s31 =	simm.s32 $0x8;
	v12 =	vor.u32 v12, v14;
	v14 =	vand.u32 $0x78, v16;
	v52 =	vld [tilespmem:s29+$0xFFFFFF10]  }
0x1bf: {  	s25 =	simm.s32 $0x5;
	v15 =	vand.u32 $0x7, v16;
	v47 =	vmov s31;
	v14 =	vadd.s32 v10, v14;
	v55 =	vld [tilespmem:s29+$0xFFFFFF50]  }
0x1c0: {  	v22 =	vand.u32 $0x7, v19;
	v16 =	vor.u32 v15, v14;
	v14 =	vmov s25;
	v11 =	vld.idx.msk [tilespmem:v11+s12+$0x0], $0xffff  }
0x1c1: {  	v27 =	vand.u32 $0x78, v47;
	s25 =	simm.s32 $0x7;
	v15 =	vand.u32 $0x38, v14;
	v21 =	vand.u32 $0x7, v14;
	v23 =	vld.idx.msk [tilespmem:v13+s12+$0x0], $0xffff  }
0x1c2: {  	v46 =	vmov s25;
	v14 =	vand.u32 $0x7, v47;
	v13 =	vld.idx.msk [tilespmem:v17+s12+$0x0], $0xffff;
	v17 =	vand.u32 $0x78, v19  }
0x1c3: {  	v57 =	vld [tilespmem:s29+$0xFFFFFF90];
	v45 =	vadd.s32 v10, v15;
	v15 =	vand.u32 $0x7, v46;
	v25 =	vadd.s32 v10, v17  }
0x1c4: {  	v17 =	vadd.s32 v10, v27;
	v18 =	vld.idx.msk [tilespmem:v12+s12+$0x0], $0xffff;
	v12 =	vor.u32 v21, v45;
	v22 =	vor.u32 v22, v25  }
0x1c5: {  	v24 =	vld.idx.msk [tilespmem:v16+s12+$0x0], $0xffff;
	v16 =	vand.u32 $0x78, v46;
	v43 =	vunpack.i.l.bf16.f32 v49;
	v45 =	vunpack.i.u.bf16.f32 v50  }
0x1c6: {  	v31 =	vunpack.i.u.bf16.f32 v49;
	v32 =	vunpack.i.l.bf16.f32 v50;
	v58 =	vunpack.i.u.bf16.f32 v52  }
0x1c7: {  	v35 =	vunpack.i.l.bf16.f32 v52;
	v59 =	vunpack.i.u.bf16.f32 v55;
	v19 =	vmul.f32 v11, v6  }
0x1c8: {  	v38 =	vunpack.i.l.bf16.f32 v55;
	v20 =	vmul.f32 v11, v7;
	v26 =	vmul.f32 v11, v4  }
0x1c9: {  	v46 =	vunpack.i.u.bf16.f32 v57;
	v28 =	vmul.f32 v11, v5;
	v29 =	vmul.f32 v11, v2  }
0x1ca: {  	v27 =	vunpack.i.l.bf16.f32 v57;
	v48 =	vmul.f32 v11, v3;
	v51 =	vmul.f32 v23, v2  }
0x1cb: {  	v34 =	vmul.f32 v23, v6;
	v53 =	vmul.f32 v23, v3;
	v16 =	vadd.s32 v10, v16  }
0x1cc: {  	v40 =	vmul.f32 v13, v2;
	v42 =	vmul.f32 v13, v3;
	v33 =	vadd.f32 v35, v51  }
0x1cd: {  	v54 =	vmul.f32 v18, v2;
	v60 =	vadd.f32 v58, v53;
	v41 =	vmul.f32 v24, v2  }
0x1ce: {  	s28 =	simm.s32 $0x4190;
	v27 =	vadd.f32 v27, v40;
	v44 =	vmul.f32 v24, v3;
	v33 =	vmax.f32 v33, $0.0e+00  }
0x1cf: {  	v30 =	vadd.f32 v45, v48;
	v45 =	vmax.f32 v60, $0.0e+00;
	[tilespmem:s28+$0xFFFFFE10] =	vst v33;
	v41 =	vadd.f32 v43, v41  }
0x1d0: {  	v56 =	vmul.f32 v18, v3;
	v27 =	vmax.f32 v27, $0.0e+00;
	[tilespmem:s28+$0xFFFFFE20] =	vst v45;
	v31 =	vadd.f32 v31, v44  }
0x1d1: {  	v55 =	vmul.f32 v23, v4;
	v61 =	vadd.f32 v38, v54;
	[tilespmem:s28+$0xFFFFFF10] =	vst v27;
	v41 =	vmax.f32 v41, $0.0e+00  }
0x1d2: {  	v15 =	vor.u32 v15, v16;
	v62 =	vadd.f32 v59, v56;
	v31 =	vmax.f32 v31, $0.0e+00;
	[tilespmem:s28+$0xFFFFFF90] =	vst v41  }
0x1d3: {  	v29 =	vadd.f32 v32, v29;
	v44 =	vadd.f32 v46, v42;
	v46 =	vmax.f32 v61, $0.0e+00;
	v48 =	vld [tilespmem:s29+$0xFFFFFF20];
	[tilespmem:s28+$0xFFFFFFA0] =	vst v31  }
0x1d4: {  	v40 =	vmul.f32 v18, v6;
	v57 =	vmul.f32 v18, v4;
	v47 =	vmax.f32 v62, $0.0e+00;
	[tilespmem:s28+$0xFFFFFE90] =	vst v46;
	v63 =	vld [tilespmem:s29+$0xFFFFFFE0]  }
0x1d5: {  	v58 =	vmul.f32 v18, v5;
	v21 =	vmul.f32 v24, v8;
	v29 =	vmax.f32 v29, $0.0e+00;
	[tilespmem:s28+$0xFFFFFEA0] =	vst v47  }
0x1d6: {  	v50 =	vmul.f32 v24, v4;
	v52 =	vmul.f32 v24, v5;
	[tilespmem:s28+$0xFFFFFD90] =	vst v29;
	v49 =	vmax.f32 v44, $0.0e+00;
	v53 =	vld [tilespmem:s29+$0xFFFFFF60]  }
0x1d7: {  	v30 =	vmax.f32 v30, $0.0e+00;
	v56 =	vmul.f32 v23, v5;
	v46 =	vmul.f32 v13, v5;
	[tilespmem:s28+$0xFFFFFF20] =	vst v49  }
0x1d8: {  	[tilespmem:s28+$0xFFFFFDA0] =	vst v30;
	v31 =	vmul.f32 v23, v7;
	v59 =	vld [tilespmem:s29+$0xFFFFFFA0];
	v60 =	vunpack.i.u.bf16.f32 v48;
	v35 =	vunpack.i.l.bf16.f32 v48  }
0x1d9: {  	v48 =	vld [tilespmem:s29+$0xFFFFFEE0];
	v61 =	vadd.f32 v35, v55;
	v62 =	vadd.f32 v60, v56;
	v51 =	vunpack.i.l.bf16.f32 v63  }
0x1da: {  	v55 =	vmul.f32 v24, v6;
	v54 =	vunpack.i.u.bf16.f32 v63;
	v33 =	vadd.f32 v51, v50  }
0x1db: {  	v44 =	vunpack.i.u.bf16.f32 v53;
	v45 =	vunpack.i.l.bf16.f32 v53;
	v27 =	vadd.f32 v54, v52  }
0x1dc: {  	v29 =	vadd.f32 v45, v57;
	v49 =	vmax.f32 v62, $0.0e+00;
	v33 =	vmax.f32 v33, $0.0e+00  }
0x1dd: {  	v63 =	vmul.f32 v13, v4;
	v50 =	vunpack.i.u.bf16.f32 v59;
	v27 =	vmax.f32 v27, $0.0e+00;
	[tilespmem:s28+$0xFFFFFFB0] =	vst v33  }
0x1de: {  	v51 =	vunpack.i.l.bf16.f32 v59;
	v29 =	vmax.f32 v29, $0.0e+00;
	v59 =	vunpack.i.u.bf16.f32 v48;
	[tilespmem:s28+$0xFFFFFFC0] =	vst v27  }
0x1df: {  	[tilespmem:s28+$0xFFFFFE40] =	vst v49;
	v52 =	vadd.f32 v51, v63;
	v33 =	vmax.f32 v61, $0.0e+00;
	v27 =	vadd.f32 v44, v58;
	v47 =	vld [tilespmem:s29+$0xFFFFFFF0]  }
0x1e0: {  	v54 =	vmul.f32 v18, v7;
	v32 =	vadd.f32 v50, v46;
	v28 =	vadd.f32 v59, v28;
	[tilespmem:s28+$0xFFFFFE30] =	vst v33  }
0x1e1: {  	[tilespmem:s28+$0xFFFFFEB0] =	vst v29;
	v50 =	vmul.f32 v18, v8;
	v51 =	vmul.f32 v13, v6;
	v53 =	vld [tilespmem:s29+$0xFFFFFF30];
	v27 =	vmax.f32 v27, $0.0e+00  }
0x1e2: {  	v18 =	vmul.f32 v18, v9;
	v56 =	vmax.f32 v52, $0.0e+00;
	v61 =	vunpack.i.l.bf16.f32 v48;
	[tilespmem:s28+$0xFFFFFEC0] =	vst v27  }
0x1e3: {  	v58 =	vmul.f32 v24, v7;
	v62 =	vmax.f32 v32, $0.0e+00;
	[tilespmem:s28+$0xFFFFFF30] =	vst v56;
	v26 =	vadd.f32 v61, v26;
	v60 =	vld [tilespmem:s29+$0xFFFFFF70]  }
0x1e4: {  	v28 =	vmax.f32 v28, $0.0e+00;
	v24 =	vmul.f32 v24, v9;
	[tilespmem:s28+$0xFFFFFF40] =	vst v62;
	v57 =	vunpack.i.l.bf16.f32 v47  }
0x1e5: {  	[tilespmem:s28+$0xFFFFFDC0] =	vst v28;
	v45 =	vld [tilespmem:s29+$0xFFFFFFB0];
	v26 =	vmax.f32 v26, $0.0e+00;
	v39 =	vunpack.i.u.bf16.f32 v47;
	v30 =	vadd.f32 v57, v55  }
0x1e6: {  	v52 =	vmul.f32 v13, v7;
	[tilespmem:s28+$0xFFFFFDB0] =	vst v26;
	v36 =	vadd.f32 v39, v58;
	v33 =	vunpack.i.l.bf16.f32 v53  }
0x1e7: {  	v48 =	vld [tilespmem:s29+$0xFFFFFEF0];
	v63 =	vunpack.i.u.bf16.f32 v53;
	v37 =	vadd.f32 v33, v34;
	v30 =	vmax.f32 v30, $0.0e+00  }
0x1e8: {  	v31 =	vadd.f32 v63, v31;
	v36 =	vmax.f32 v36, $0.0e+00;
	v41 =	vunpack.i.l.bf16.f32 v60;
	[tilespmem:s28+$0xFFFFFFD0] =	vst v30  }
0x1e9: {  	v39 =	vunpack.i.u.bf16.f32 v60;
	[tilespmem:s28+$0xFFFFFFE0] =	vst v36;
	v44 =	vadd.f32 v41, v40;
	v46 =	vmax.f32 v37, $0.0e+00  }
0x1ea: {  	v32 =	vunpack.i.l.bf16.f32 v45;
	v43 =	vmax.f32 v31, $0.0e+00;
	v29 =	vadd.f32 v39, v54;
	v42 =	vld [tilespmem:s29+$0x0];
	[tilespmem:s28+$0xFFFFFE50] =	vst v46  }
0x1eb: {  	v25 =	vadd.f32 v32, v51;
	v54 =	vunpack.i.u.bf16.f32 v45;
	[tilespmem:s28+$0xFFFFFE60] =	vst v43;
	v49 =	vmax.f32 v44, $0.0e+00  }
0x1ec: {  	v57 =	vunpack.i.l.bf16.f32 v48;
	v28 =	vadd.f32 v54, v52;
	v29 =	vmax.f32 v29, $0.0e+00;
	v26 =	vld [tilespmem:s29+$0xFFFFFF40];
	[tilespmem:s28+$0xFFFFFED0] =	vst v49  }
0x1ed: {  	v56 =	vunpack.i.u.bf16.f32 v48;
	v25 =	vmax.f32 v25, $0.0e+00;
	v19 =	vadd.f32 v57, v19;
	[tilespmem:s28+$0xFFFFFEE0] =	vst v29  }
0x1ee: {  	v47 =	vmul.f32 v23, v8;
	v20 =	vadd.f32 v56, v20;
	[tilespmem:s28+$0xFFFFFF50] =	vst v25;
	v59 =	vmax.f32 v28, $0.0e+00;
	v55 =	vld [tilespmem:s29+$0xFFFFFF80]  }
0x1ef: {  	v23 =	vmul.f32 v23, v9;
	v19 =	vmax.f32 v19, $0.0e+00;
	[tilespmem:s28+$0xFFFFFF60] =	vst v59;
	v53 =	vunpack.i.u.bf16.f32 v42  }
0x1f0: {  	v20 =	vmax.f32 v20, $0.0e+00;
	v61 =	vld [tilespmem:s29+$0xFFFFFFC0];
	v27 =	vunpack.i.l.bf16.f32 v42;
	v24 =	vadd.f32 v53, v24  }
0x1f1: {  	[tilespmem:s28+$0xFFFFFDD0] =	vst v19;
	v58 =	vunpack.i.u.bf16.f32 v26;
	v26 =	vunpack.i.l.bf16.f32 v26;
	v21 =	vadd.f32 v27, v21  }
0x1f2: {  	[tilespmem:s28+$0xFFFFFDE0] =	vst v20;
	v26 =	vadd.f32 v26, v47;
	v19 =	vadd.f32 v58, v23;
	v24 =	vmax.f32 v24, $0.0e+00  }
0x1f3: {  	v16 =	vld [tilespmem:s29+$0xFFFFFF00];
	v23 =	vunpack.i.u.bf16.f32 v55;
	v60 =	vunpack.i.l.bf16.f32 v55;
	v62 =	vmax.f32 v21, $0.0e+00  }
0x1f4: {  	v20 =	vmax.f32 v26, $0.0e+00;
	v25 =	vadd.f32 v60, v50;
	v18 =	vadd.f32 v23, v18  }
0x1f5: {  	v23 =	vmax.f32 v19, $0.0e+00;
	v19 =	vor.u32 v14, v17;
	v21 =	vunpack.i.u.bf16.f32 v61  }
0x1f6: {  	v63 =	vunpack.i.l.bf16.f32 v61;
	[tilespmem:s28+$0xFFFFFE70] =	vst v20;
	v20 =	vmul.f32 v11, v8;
	v14 =	vmax.f32 v25, $0.0e+00  }
0x1f7: {  	[tilespmem:s28+$0x0] =	vst v24;
	v17 =	vmax.f32 v18, $0.0e+00;
	v18 =	vmul.f32 v13, v8;
	v13 =	vmul.f32 v13, v9  }
0x1f8: {  	s31 =	simm.s32 $0x9;
	v11 =	vmul.f32 v11, v9;
	[tilespmem:s28+$0xFFFFFEF0] =	vst v14;
	v14 =	vunpack.i.u.bf16.f32 v16;
	v16 =	vunpack.i.l.bf16.f32 v16  }
0x1f9: {  	[tilespmem:s28+$0xFFFFFE80] =	vst v23;
	v18 =	vadd.f32 v63, v18;
	v21 =	vadd.f32 v21, v13;
	v13 =	vmov s31  }
0x1fa: {  	[tilespmem:s28+$0xFFFFFF00] =	vst v17;
	v16 =	vadd.f32 v16, v20;
	v23 =	vadd.f32 v14, v11;
	v17 =	vand.u32 $0x78, v13  }
0x1fb: {  	s30 =	simm.s32 $0xA;
	[tilespmem:s28+$0xFFFFFFF0] =	vst v62;
	v11 =	vld.idx.msk [tilespmem:v12+s12+$0x0], $0xffff;
	v12 =	vand.u32 $0x7, v13;
	v13 =	vadd.s32 v10, v17;
	v18 =	vmax.f32 v18, $0.0e+00  }
.LBB2_13:
0x1fc: {  	p1 =	slt.u32 s30, $0x2D;
	v12 =	vor.u32 v12, v13;
	v13 =	vmax.f32 v16, $0.0e+00;
	[tilespmem:s28+$0xFFFFFF70] =	vst v18;
	v14 =	vmax.f32 v21, $0.0e+00  }
0x1fd: {  	v16 =	vmov s30;
	s11 =	sadd.s32 $0x1, s30;
	v17 =	vmax.f32 v23, $0.0e+00;
	[tilespmem:s28+$0xFFFFFF80] =	vst v14  }
0x1fe: {  	s25 =	sadd.s32 $0x3, s30;
	v14 =	vand.u32 $0x38, v16;
	v16 =	vand.u32 $0x7, v16;
	v20 =	vmov s11;
	s11 =	sadd.s32 $0x2, s30;
	v22 =	vld.idx.msk [tilespmem:v22+s12+$0x0], $0xffff;
	[tilespmem:s28+$0xFFFFFDF0] =	vst v13  }
0x1ff: {  	v26 =	vmov s25;
	v21 =	vadd.s32 v10, v14;
	v25 =	vmov s11;
	v18 =	vld.idx.msk [tilespmem:v15+s12+$0x0], $0xffff;
	[tilespmem:s28+$0xFFFFFE00] =	vst v17  }
0x200: {  	v23 =	vand.u32 $0x7, v20;
	v14 =	vand.u32 $0x7, v26;
	v15 =	vand.u32 $0x7, v25;
	v13 =	vld.idx.msk [tilespmem:v19+s12+$0x0], $0xffff  }
0x201: {  	v17 =	vand.u32 $0x78, v20;
	v19 =	vmul.f32 v11, v6;
	v20 =	vmul.f32 v11, v7;
	v24 =	vld.idx.msk [tilespmem:v12+s12+$0x0], $0xffff  }
0x202: {  	s29 =	sadd.s32 $0x140, s29;
	v29 =	vand.u32 $0x78, v25;
	v27 =	vmul.f32 v11, v4;
	v28 =	vmul.f32 v11, v5  }
0x203: {  	v30 =	vand.u32 $0x78, v26;
	v31 =	vmul.f32 v11, v2;
	v32 =	vmul.f32 v11, v3;
	v33 =	vld [tilespmem:s29+$0xFFFFFFD0]  }
0x204: {  	v12 =	vor.u32 v16, v21;
	v35 =	vmul.f32 v22, v2;
	v26 =	vmul.f32 v22, v6;
	v34 =	vld [tilespmem:s29+$0xFFFFFED0]  }
0x205: {  	v25 =	vadd.s32 v10, v17;
	v37 =	vmul.f32 v22, v3;
	v38 =	vmul.f32 v18, v2;
	v36 =	vld [tilespmem:s29+$0xFFFFFF10]  }
0x206: {  	v17 =	vadd.s32 v10, v29;
	v39 =	vmul.f32 v18, v3;
	v40 =	vmul.f32 v13, v2;
	v29 =	vld [tilespmem:s29+$0xFFFFFF50]  }
0x207: {  	v16 =	vadd.s32 v10, v30;
	v41 =	vmul.f32 v24, v2;
	v21 =	vmul.f32 v24, v8;
	v30 =	vld [tilespmem:s29+$0xFFFFFF90]  }
0x208: {  	v42 =	vmul.f32 v13, v3;
	v44 =	vmul.f32 v24, v3;
	v43 =	vunpack.i.l.bf16.f32 v33  }
0x209: {  	v33 =	vunpack.i.u.bf16.f32 v33;
	v45 =	vunpack.i.u.bf16.f32 v34;
	v41 =	vadd.f32 v43, v41  }
0x20a: {  	v34 =	vunpack.i.l.bf16.f32 v34;
	v33 =	vadd.f32 v33, v44;
	v43 =	vunpack.i.u.bf16.f32 v36  }
0x20b: {  	s28 =	sadd.s32 $0x280, s28;
	v36 =	vunpack.i.l.bf16.f32 v36;
	v44 =	vunpack.i.u.bf16.f32 v29;
	v41 =	vmax.f32 v41, $0.0e+00  }
0x20c: {  	v29 =	vunpack.i.l.bf16.f32 v29;
	v33 =	vmax.f32 v33, $0.0e+00;
	v46 =	vunpack.i.u.bf16.f32 v30;
	[tilespmem:s28+$0xFFFFFF90] =	vst v41  }
0x20d: {  	v35 =	vadd.f32 v36, v35;
	v36 =	vadd.f32 v43, v37;
	v30 =	vunpack.i.l.bf16.f32 v30;
	[tilespmem:s28+$0xFFFFFFA0] =	vst v33  }
0x20e: {  	v29 =	vadd.f32 v29, v38;
	v37 =	vadd.f32 v44, v39;
	v33 =	vmul.f32 v22, v7;
	v38 =	vld [tilespmem:s29+$0xFFFFFFE0]  }
0x20f: {  	v35 =	vmax.f32 v35, $0.0e+00;
	v30 =	vadd.f32 v30, v40;
	v39 =	vadd.f32 v46, v42  }
0x210: {  	v31 =	vadd.f32 v34, v31;
	v32 =	vadd.f32 v45, v32;
	v34 =	vmax.f32 v36, $0.0e+00;
	[tilespmem:s28+$0xFFFFFE10] =	vst v35  }
0x211: {  	v29 =	vmax.f32 v29, $0.0e+00;
	v30 =	vmax.f32 v30, $0.0e+00;
	[tilespmem:s28+$0xFFFFFE20] =	vst v34;
	v34 =	vmax.f32 v37, $0.0e+00  }
0x212: {  	v31 =	vmax.f32 v31, $0.0e+00;
	v36 =	vmul.f32 v24, v4;
	v35 =	vld [tilespmem:s29+$0xFFFFFF20];
	[tilespmem:s28+$0xFFFFFE90] =	vst v29;
	v29 =	vmax.f32 v39, $0.0e+00  }
0x213: {  	v32 =	vmax.f32 v32, $0.0e+00;
	v37 =	vmul.f32 v24, v5;
	[tilespmem:s28+$0xFFFFFEA0] =	vst v34;
	v34 =	vunpack.i.l.bf16.f32 v38  }
0x214: {  	v40 =	vmul.f32 v18, v6;
	v39 =	vld [tilespmem:s29+$0xFFFFFF60];
	[tilespmem:s28+$0xFFFFFF10] =	vst v30;
	v30 =	vunpack.i.u.bf16.f32 v38;
	v34 =	vadd.f32 v34, v36  }
0x215: {  	v36 =	vmul.f32 v22, v4;
	v38 =	vmul.f32 v22, v5;
	[tilespmem:s28+$0xFFFFFF20] =	vst v29;
	v29 =	vadd.f32 v30, v37  }
0x216: {  	v30 =	vmul.f32 v18, v4;
	[tilespmem:s28+$0xFFFFFD90] =	vst v31;
	v31 =	vmul.f32 v18, v5;
	v37 =	vld [tilespmem:s29+$0xFFFFFFA0];
	v34 =	vmax.f32 v34, $0.0e+00  }
0x217: {  	v41 =	vunpack.i.u.bf16.f32 v35;
	v35 =	vunpack.i.l.bf16.f32 v35;
	[tilespmem:s28+$0xFFFFFFB0] =	vst v34;
	v29 =	vmax.f32 v29, $0.0e+00  }
0x218: {  	v34 =	vadd.f32 v35, v36;
	v35 =	vadd.f32 v41, v38;
	v36 =	vmul.f32 v13, v4;
	[tilespmem:s28+$0xFFFFFFC0] =	vst v29  }
0x219: {  	v38 =	vmul.f32 v13, v5;
	[tilespmem:s28+$0xFFFFFDA0] =	vst v32;
	v29 =	vunpack.i.u.bf16.f32 v39;
	v32 =	vunpack.i.l.bf16.f32 v39;
	v39 =	vld [tilespmem:s29+$0xFFFFFFF0]  }
0x21a: {  	v41 =	vld [tilespmem:s29+$0xFFFFFEE0];
	v34 =	vmax.f32 v34, $0.0e+00;
	v30 =	vadd.f32 v32, v30;
	v29 =	vadd.f32 v29, v31  }
0x21b: {  	v31 =	vmax.f32 v35, $0.0e+00;
	[tilespmem:s28+$0xFFFFFE30] =	vst v34;
	v32 =	vunpack.i.u.bf16.f32 v37;
	v34 =	vunpack.i.l.bf16.f32 v37  }
0x21c: {  	[tilespmem:s28+$0xFFFFFE40] =	vst v31;
	v30 =	vmax.f32 v30, $0.0e+00;
	v31 =	vadd.f32 v34, v36;
	v32 =	vadd.f32 v32, v38  }
0x21d: {  	v35 =	vmul.f32 v24, v6;
	v29 =	vmax.f32 v29, $0.0e+00;
	v34 =	vld [tilespmem:s29+$0xFFFFFF30];
	[tilespmem:s28+$0xFFFFFEB0] =	vst v30;
	v30 =	vmul.f32 v18, v7  }
0x21e: {  	v36 =	vmul.f32 v24, v7;
	[tilespmem:s28+$0xFFFFFEC0] =	vst v29;
	v29 =	vmax.f32 v31, $0.0e+00;
	v31 =	vunpack.i.l.bf16.f32 v39  }
0x21f: {  	v37 =	vunpack.i.u.bf16.f32 v41;
	v38 =	vld [tilespmem:s29+$0xFFFFFF70];
	[tilespmem:s28+$0xFFFFFF30] =	vst v29;
	v29 =	vunpack.i.u.bf16.f32 v39;
	v31 =	vadd.f32 v31, v35  }
0x220: {  	v35 =	vunpack.i.l.bf16.f32 v41;
	v28 =	vadd.f32 v37, v28;
	v29 =	vadd.f32 v29, v36  }
0x221: {  	v32 =	vmax.f32 v32, $0.0e+00;
	v27 =	vadd.f32 v35, v27;
	v31 =	vmax.f32 v31, $0.0e+00  }
0x222: {  	v28 =	vmax.f32 v28, $0.0e+00;
	v35 =	vunpack.i.u.bf16.f32 v34;
	[tilespmem:s28+$0xFFFFFFD0] =	vst v31;
	v29 =	vmax.f32 v29, $0.0e+00  }
0x223: {  	v27 =	vmax.f32 v27, $0.0e+00;
	v31 =	vunpack.i.l.bf16.f32 v34;
	v33 =	vadd.f32 v35, v33;
	[tilespmem:s28+$0xFFFFFFE0] =	vst v29  }
0x224: {  	v26 =	vadd.f32 v31, v26;
	v29 =	vunpack.i.u.bf16.f32 v38;
	v31 =	vunpack.i.l.bf16.f32 v38;
	[tilespmem:s28+$0xFFFFFF40] =	vst v32;
	v32 =	vld [tilespmem:s29+$0x0]  }
0x225: {  	[tilespmem:s28+$0xFFFFFDB0] =	vst v27;
	v27 =	vmax.f32 v33, $0.0e+00;
	v31 =	vadd.f32 v31, v40;
	v29 =	vadd.f32 v29, v30;
	v30 =	vld [tilespmem:s29+$0xFFFFFFB0]  }
0x226: {  	v26 =	vmax.f32 v26, $0.0e+00;
	v33 =	vmul.f32 v22, v9;
	[tilespmem:s28+$0xFFFFFDC0] =	vst v28;
	v28 =	vmul.f32 v22, v8  }
0x227: {  	v34 =	vld [tilespmem:s29+$0xFFFFFEF0];
	[tilespmem:s28+$0xFFFFFE50] =	vst v26;
	v26 =	vmax.f32 v31, $0.0e+00;
	v29 =	vmax.f32 v29, $0.0e+00;
	v31 =	vmul.f32 v18, v8  }
0x228: {  	v24 =	vmul.f32 v24, v9;
	v22 =	vor.u32 v23, v25;
	v23 =	vmul.f32 v13, v6;
	[tilespmem:s28+$0xFFFFFE60] =	vst v27  }
0x229: {  	v25 =	vld [tilespmem:s29+$0xFFFFFF40];
	[tilespmem:s28+$0xFFFFFED0] =	vst v26;
	v26 =	vmul.f32 v13, v7;
	v27 =	vunpack.i.u.bf16.f32 v32;
	v32 =	vunpack.i.l.bf16.f32 v32  }
0x22a: {  	[tilespmem:s28+$0xFFFFFEE0] =	vst v29;
	v29 =	vunpack.i.u.bf16.f32 v30;
	v30 =	vunpack.i.l.bf16.f32 v30;
	v24 =	vadd.f32 v27, v24  }
0x22b: {  	v18 =	vmul.f32 v18, v9;
	v27 =	vld [tilespmem:s29+$0xFFFFFF80];
	v23 =	vadd.f32 v30, v23;
	v26 =	vadd.f32 v29, v26  }
0x22c: {  	v29 =	vunpack.i.u.bf16.f32 v34;
	v30 =	vunpack.i.l.bf16.f32 v34;
	v24 =	vmax.f32 v24, $0.0e+00  }
0x22d: {  	v19 =	vadd.f32 v30, v19;
	v20 =	vadd.f32 v29, v20;
	v23 =	vmax.f32 v23, $0.0e+00;
	[tilespmem:s28+$0x0] =	vst v24  }
0x22e: {  	v24 =	vunpack.i.u.bf16.f32 v25;
	v25 =	vunpack.i.l.bf16.f32 v25;
	[tilespmem:s28+$0xFFFFFF50] =	vst v23;
	v23 =	vmax.f32 v26, $0.0e+00  }
0x22f: {  	v19 =	vmax.f32 v19, $0.0e+00;
	v20 =	vmax.f32 v20, $0.0e+00;
	v25 =	vadd.f32 v25, v28;
	[tilespmem:s28+$0xFFFFFF60] =	vst v23  }
0x230: {  	[tilespmem:s28+$0xFFFFFDD0] =	vst v19;
	v19 =	vadd.f32 v24, v33;
	v23 =	vunpack.i.u.bf16.f32 v27;
	v24 =	vunpack.i.l.bf16.f32 v27;
	v26 =	vld [tilespmem:s29+$0xFFFFFFC0]  }
0x231: {  	[tilespmem:s28+$0xFFFFFDE0] =	vst v20;
	v20 =	vmax.f32 v25, $0.0e+00;
	v24 =	vadd.f32 v24, v31;
	v18 =	vadd.f32 v23, v18  }
0x232: {  	v15 =	vor.u32 v15, v17;
	v21 =	vadd.f32 v32, v21;
	v17 =	vld [tilespmem:s29+$0xFFFFFF00];
	[tilespmem:s28+$0xFFFFFE70] =	vst v20;
	v20 =	vmax.f32 v19, $0.0e+00  }
0x233: {  	v19 =	vor.u32 v14, v16;
	[tilespmem:s28+$0xFFFFFE80] =	vst v20;
	v14 =	vmax.f32 v24, $0.0e+00;
	v16 =	vmax.f32 v18, $0.0e+00  }
0x234: {  	v18 =	vmax.f32 v21, $0.0e+00;
	[tilespmem:s28+$0xFFFFFEF0] =	vst v14;
	v14 =	vmul.f32 v13, v8;
	v13 =	vmul.f32 v13, v9  }
.Ltmp5:
0x235: {  	v20 =	vmul.f32 v11, v8;
	[tilespmem:s28+$0xFFFFFF00] =	vst v16;
	v16 =	vunpack.i.u.bf16.f32 v26;
	v21 =	vunpack.i.l.bf16.f32 v26;
	(pc) =	sbr.rel @p1 .LBB2_13-.Ltmp5, $4  }
0x236: {  	s11 =	sadd.s32 $0x4, s30;
	v11 =	vmul.f32 v11, v9;
	v14 =	vadd.f32 v21, v14;
	v21 =	vadd.f32 v16, v13;
	[tilespmem:s28+$0xFFFFFFF0] =	vst v18  }
0x237: {  	v13 =	vmov s11;
	v18 =	vunpack.i.u.bf16.f32 v17;
	v16 =	vunpack.i.l.bf16.f32 v17  }
0x238: {  	v17 =	vand.u32 $0x78, v13;
	v16 =	vadd.f32 v16, v20;
	v23 =	vadd.f32 v18, v11  }
0x239: {  	s30 =	sadd.s32 $0x5, s30;
	v18 =	vmax.f32 v14, $0.0e+00;
	v11 =	vld.idx.msk [tilespmem:v12+s12+$0x0], $0xffff;
	v12 =	vand.u32 $0x7, v13;
	v13 =	vadd.s32 v10, v17  }
0x23a: {  	_ =	sdelay $0x3  }
0x23b: {  	v20 =	vld.idx.msk [tilespmem:v22+s12+$0x0], $0xffff  }
0x23c: {  	v10 =	vor.u32 v12, v13  }
0x23d: {  	s29 =	sadd.s32 $0x140, s29;
	v13 =	vld.idx.msk [tilespmem:v15+s12+$0x0], $0xffff;
	v14 =	vmul.f32 v11, v6  }
0x23e: {  	v60 =	vld [tilespmem:s29+$0xFFFFFFD0];
	v15 =	vmul.f32 v11, v7;
	v24 =	vmul.f32 v11, v4  }
0x23f: {  	v27 =	vld [tilespmem:s29+$0xFFFFFED0];
	v25 =	vmul.f32 v11, v5;
	v26 =	vmul.f32 v11, v2  }
0x240: {  	v29 =	vld [tilespmem:s29+$0xFFFFFF10];
	v61 =	vmul.f32 v11, v3;
	v28 =	vmul.f32 v20, v2  }
0x241: {  	v12 =	vmax.f32 v23, $0.0e+00;
	v17 =	vld.idx.msk [tilespmem:v10+s12+$0x0], $0xffff;
	v23 =	vmul.f32 v20, v6;
	v31 =	vmul.f32 v20, v3  }
0x242: {  	v36 =	vld [tilespmem:s29+$0xFFFFFF90];
	v35 =	vmul.f32 v13, v2;
	v62 =	vmul.f32 v13, v3  }
0x243: {  	v16 =	vmax.f32 v16, $0.0e+00;
	v10 =	vld.idx.msk [tilespmem:v19+s12+$0x0], $0xffff;
	v54 =	vmul.f32 v20, v4;
	v55 =	vmul.f32 v20, v5  }
0x244: {  	v19 =	vmax.f32 v21, $0.0e+00;
	v56 =	vmul.f32 v13, v4;
	v57 =	vmul.f32 v13, v5  }
0x245: {  	v33 =	vunpack.i.l.bf16.f32 v60;
	v22 =	vunpack.i.u.bf16.f32 v60;
	v38 =	vunpack.i.u.bf16.f32 v27  }
0x246: {  	v32 =	vld [tilespmem:s29+$0xFFFFFF50];
	v40 =	vunpack.i.u.bf16.f32 v29;
	v29 =	vunpack.i.l.bf16.f32 v29;
	v30 =	vmul.f32 v17, v2  }
0x247: {  	v42 =	vunpack.i.u.bf16.f32 v36;
	v28 =	vadd.f32 v29, v28;
	v34 =	vmul.f32 v17, v3  }
0x248: {  	v36 =	vunpack.i.l.bf16.f32 v36;
	v37 =	vmul.f32 v10, v2;
	v30 =	vadd.f32 v33, v30  }
0x249: {  	s30 =	sadd.s32 $0x280, s28;
	v28 =	vmax.f32 v28, $0.0e+00;
	v63 =	vmul.f32 v10, v3;
	v22 =	vadd.f32 v22, v34  }
0x24a: {  	v27 =	vunpack.i.l.bf16.f32 v27;
	[tilespmem:s30+$0xFFFFFE10] =	vst v28;
	v44 =	vadd.f32 v36, v37;
	v30 =	vmax.f32 v30, $0.0e+00  }
0x24b: {  	v41 =	vunpack.i.u.bf16.f32 v32;
	v29 =	vadd.f32 v42, v63;
	v22 =	vmax.f32 v22, $0.0e+00;
	[tilespmem:s30+$0xFFFFFF90] =	vst v30  }
0x24c: {  	v32 =	vunpack.i.l.bf16.f32 v32;
	v33 =	vmax.f32 v44, $0.0e+00;
	[tilespmem:s30+$0xFFFFFFA0] =	vst v22;
	v30 =	vadd.f32 v40, v31  }
0x24d: {  	v32 =	vadd.f32 v32, v35;
	v26 =	vadd.f32 v27, v26;
	v52 =	vmax.f32 v29, $0.0e+00;
	[tilespmem:s30+$0xFFFFFF10] =	vst v33;
	v43 =	vld [tilespmem:s29+$0xFFFFFFE0]  }
0x24e: {  	v35 =	vmul.f32 v20, v7;
	v22 =	vadd.f32 v41, v62;
	[tilespmem:s30+$0xFFFFFF20] =	vst v52;
	v45 =	vmax.f32 v30, $0.0e+00  }
0x24f: {  	v21 =	vadd.f32 v38, v61;
	v46 =	vmax.f32 v32, $0.0e+00;
	v26 =	vmax.f32 v26, $0.0e+00;
	v33 =	vld [tilespmem:s29+$0xFFFFFFA0];
	[tilespmem:s30+$0xFFFFFE20] =	vst v45  }
0x250: {  	v47 =	vmul.f32 v17, v4;
	[tilespmem:s30+$0xFFFFFE90] =	vst v46;
	v50 =	vmul.f32 v17, v5;
	v22 =	vmax.f32 v22, $0.0e+00;
	v48 =	vld [tilespmem:s29+$0xFFFFFF20]  }
0x251: {  	v21 =	vmax.f32 v21, $0.0e+00;
	v61 =	vmul.f32 v10, v4;
	v36 =	vmul.f32 v10, v5;
	[tilespmem:s30+$0xFFFFFEA0] =	vst v22  }
0x252: {  	[tilespmem:s30+$0xFFFFFD90] =	vst v26;
	v42 =	vmul.f32 v17, v6;
	v34 =	vmul.f32 v13, v8;
	v53 =	vld [tilespmem:s29+$0xFFFFFF60];
	v49 =	vunpack.i.l.bf16.f32 v43  }
0x253: {  	[tilespmem:s30+$0xFFFFFDA0] =	vst v21;
	v44 =	vmul.f32 v17, v7;
	v51 =	vunpack.i.u.bf16.f32 v43;
	v27 =	vadd.f32 v49, v47  }
0x254: {  	v37 =	vld [tilespmem:s29+$0xFFFFFEE0];
	v39 =	vunpack.i.u.bf16.f32 v33;
	v40 =	vunpack.i.l.bf16.f32 v33;
	v22 =	vadd.f32 v51, v50  }
0x255: {  	v26 =	vadd.f32 v39, v36;
	v27 =	vmax.f32 v27, $0.0e+00;
	v30 =	vunpack.i.l.bf16.f32 v48  }
0x256: {  	v22 =	vmax.f32 v22, $0.0e+00;
	v58 =	vunpack.i.u.bf16.f32 v48;
	[tilespmem:s30+$0xFFFFFFB0] =	vst v27;
	v59 =	vadd.f32 v30, v54  }
0x257: {  	v29 =	vunpack.i.l.bf16.f32 v53;
	v26 =	vmax.f32 v26, $0.0e+00;
	[tilespmem:s30+$0xFFFFFFC0] =	vst v22;
	v60 =	vadd.f32 v58, v55  }
0x258: {  	v63 =	vunpack.i.u.bf16.f32 v53;
	v29 =	vadd.f32 v29, v56;
	[tilespmem:s30+$0xFFFFFF40] =	vst v26;
	v62 =	vld [tilespmem:s29+$0xFFFFFFF0];
	v22 =	vmax.f32 v59, $0.0e+00  }
0x259: {  	v49 =	vunpack.i.l.bf16.f32 v37;
	v21 =	vadd.f32 v63, v57;
	v38 =	vmax.f32 v60, $0.0e+00;
	[tilespmem:s30+$0xFFFFFE30] =	vst v22  }
0x25a: {  	v47 =	vunpack.i.u.bf16.f32 v37;
	v24 =	vadd.f32 v49, v24;
	v41 =	vmax.f32 v29, $0.0e+00;
	[tilespmem:s30+$0xFFFFFE40] =	vst v38  }
0x25b: {  	v50 =	vmul.f32 v13, v6;
	v27 =	vadd.f32 v40, v61;
	v21 =	vmax.f32 v21, $0.0e+00;
	[tilespmem:s30+$0xFFFFFEB0] =	vst v41;
	v45 =	vld [tilespmem:s29+$0xFFFFFF30]  }
0x25c: {  	v51 =	vmul.f32 v13, v7;
	v25 =	vadd.f32 v47, v25;
	v24 =	vmax.f32 v24, $0.0e+00;
	[tilespmem:s30+$0xFFFFFEC0] =	vst v21  }
0x25d: {  	v37 =	vmul.f32 v10, v7;
	[tilespmem:s30+$0xFFFFFDB0] =	vst v24;
	v27 =	vmax.f32 v27, $0.0e+00;
	v48 =	vld [tilespmem:s29+$0xFFFFFF70];
	v43 =	vunpack.i.l.bf16.f32 v62  }
0x25e: {  	v25 =	vmax.f32 v25, $0.0e+00;
	[tilespmem:s30+$0xFFFFFF30] =	vst v27;
	v46 =	vunpack.i.u.bf16.f32 v62;
	v22 =	vadd.f32 v43, v42  }
0x25f: {  	v13 =	vmul.f32 v13, v9;
	v56 =	vmul.f32 v17, v8;
	[tilespmem:s30+$0xFFFFFDC0] =	vst v25;
	v55 =	vld [tilespmem:s29+$0xFFFFFFB0];
	v21 =	vadd.f32 v46, v44  }
0x260: {  	[tilespmem:s28+$0xFFFFFF70] =	vst v18;
	v63 =	vmul.f32 v20, v8;
	v62 =	vld [tilespmem:s29+$0xFFFFFEF0];
	v22 =	vmax.f32 v22, $0.0e+00;
	v53 =	vunpack.i.l.bf16.f32 v45  }
0x261: {  	[tilespmem:s28+$0xFFFFFDF0] =	vst v16;
	v21 =	vmax.f32 v21, $0.0e+00;
	v52 =	vunpack.i.u.bf16.f32 v45;
	v23 =	vadd.f32 v53, v23  }
0x262: {  	v54 =	vunpack.i.l.bf16.f32 v48;
	v57 =	vunpack.i.u.bf16.f32 v48;
	[tilespmem:s30+$0xFFFFFFE0] =	vst v21;
	v21 =	vadd.f32 v52, v35  }
0x263: {  	[tilespmem:s30+$0xFFFFFFD0] =	vst v22;
	v26 =	vadd.f32 v54, v50;
	v35 =	vmul.f32 v10, v6;
	v61 =	vmax.f32 v23, $0.0e+00  }
0x264: {  	v38 =	vunpack.i.l.bf16.f32 v55;
	v60 =	vadd.f32 v57, v51;
	v59 =	vmax.f32 v21, $0.0e+00;
	[tilespmem:s30+$0xFFFFFE50] =	vst v61  }
0x265: {  	v58 =	vld [tilespmem:s29+$0x0];
	v43 =	vunpack.i.l.bf16.f32 v62;
	v33 =	vmax.f32 v26, $0.0e+00;
	v18 =	vadd.f32 v38, v35;
	[tilespmem:s30+$0xFFFFFE60] =	vst v59  }
0x266: {  	v44 =	vunpack.i.u.bf16.f32 v62;
	v21 =	vmax.f32 v60, $0.0e+00;
	v14 =	vadd.f32 v43, v14;
	[tilespmem:s30+$0xFFFFFED0] =	vst v33  }
0x267: {  	v40 =	vunpack.i.u.bf16.f32 v55;
	v15 =	vadd.f32 v44, v15;
	[tilespmem:s30+$0xFFFFFEE0] =	vst v21;
	v36 =	vld [tilespmem:s29+$0xFFFFFF40];
	v18 =	vmax.f32 v18, $0.0e+00  }
0x268: {  	v20 =	vmul.f32 v20, v9;
	v21 =	vadd.f32 v40, v37;
	v14 =	vmax.f32 v14, $0.0e+00;
	[tilespmem:s30+$0xFFFFFF50] =	vst v18  }
0x269: {  	v17 =	vmul.f32 v17, v9;
	v57 =	vmul.f32 v10, v8;
	v42 =	vld [tilespmem:s29+$0xFFFFFF80];
	v15 =	vmax.f32 v15, $0.0e+00;
	[tilespmem:s30+$0xFFFFFDD0] =	vst v14  }
0x26a: {  	v10 =	vmul.f32 v10, v9;
	v45 =	vmax.f32 v21, $0.0e+00;
	[tilespmem:s30+$0xFFFFFDE0] =	vst v15;
	v39 =	vunpack.i.u.bf16.f32 v58  }
0x26b: {  	v60 =	vmul.f32 v11, v8;
	v41 =	vunpack.i.l.bf16.f32 v58;
	[tilespmem:s30+$0xFFFFFF60] =	vst v45;
	v53 =	vld [tilespmem:s29+$0xFFFFFF00];
	v17 =	vadd.f32 v39, v17  }
0x26c: {  	[tilespmem:s28+$0xFFFFFE00] =	vst v12;
	v11 =	vmul.f32 v11, v9;
	v48 =	vld [tilespmem:s29+$0xFFFFFFC0];
	v55 =	vadd.f32 v41, v56;
	v46 =	vunpack.i.l.bf16.f32 v36  }
0x26d: {  	[tilespmem:s28+$0xFFFFFF80] =	vst v19;
	v47 =	vunpack.i.u.bf16.f32 v36;
	v51 =	vmax.f32 v17, $0.0e+00;
	v18 =	vadd.f32 v46, v63  }
0x26e: {  	v50 =	vunpack.i.l.bf16.f32 v42;
	v58 =	vmax.f32 v55, $0.0e+00;
	v16 =	vadd.f32 v47, v20;
	[tilespmem:s30+$0x0] =	vst v51  }
0x26f: {  	v49 =	vunpack.i.u.bf16.f32 v42;
	v52 =	vadd.f32 v50, v34;
	[tilespmem:s30+$0xFFFFFFF0] =	vst v58;
	v54 =	vmax.f32 v18, $0.0e+00  }
0x270: {  	v13 =	vadd.f32 v49, v13;
	v61 =	vunpack.i.l.bf16.f32 v53;
	v16 =	vmax.f32 v16, $0.0e+00;
	[tilespmem:s30+$0xFFFFFE70] =	vst v54  }
0x271: {  	v56 =	vmax.f32 v52, $0.0e+00;
	v59 =	vunpack.i.l.bf16.f32 v48;
	v12 =	vadd.f32 v61, v60;
	[tilespmem:s30+$0xFFFFFE80] =	vst v16  }
0x272: {  	s24 =	sadd.s32 $0x1, s24;
	v13 =	vmax.f32 v13, $0.0e+00;
	v14 =	vunpack.i.u.bf16.f32 v48;
	[tilespmem:s30+$0xFFFFFEF0] =	vst v56;
	v15 =	vadd.f32 v59, v57  }
0x273: {  	p1 =	sne.s32 s24, $0xA;
	v62 =	vunpack.i.u.bf16.f32 v53;
	[tilespmem:s30+$0xFFFFFF00] =	vst v13;
	v10 =	vadd.f32 v14, v10;
	v12 =	vmax.f32 v12, $0.0e+00  }
.Ltmp6:
0x274: {  	v11 =	vadd.f32 v62, v11;
	v63 =	vmax.f32 v15, $0.0e+00;
	[tilespmem:s30+$0xFFFFFDF0] =	vst v12;
	(pc) =	sbr.rel @p1 .LBB2_10-.Ltmp6, $4  }
0x275: {  	v10 =	vmax.f32 v10, $0.0e+00;
	[tilespmem:s30+$0xFFFFFF70] =	vst v63  }
0x276: {  	[tilespmem:s30+$0xFFFFFF80] =	vst v10;
	v10 =	vmax.f32 v11, $0.0e+00  }
0x277: {  	s11 =	sadd.s32 $0x460, s26;
	[tilespmem:s30+$0xFFFFFE00] =	vst v10  }
0x278: {  	[spmem:s2] =	stream.indirect.scatter.add.f32 [tilespmem:s17], [sflag:$0x4], $0x80, s11, s13, $0xb8;
	[tilespmem:$0x1BB50] =	vst v63  }
0x279: {  	_ =	swait.ge [sflag:s19], $0x1900  }
0x27a: {  	[sflag:s19] =	ssyncset.done $0x0  }
0x27b: {  	[sflag:s19] =	ssyncadd.s32 $0xFFFFE700  }
0x27c: {  	_ =	swait.ge [sflag:s20], $0x1900  }
0x27d: {  	[sflag:s20] =	ssyncset.done $0x0  }
0x27e: {  	s11 =	simm.s32 @!p0 $0x5;
	[sflag:s20] =	ssyncadd.s32 $0xFFFFE700  }
0x27f: {  	_ =	swait.ge @!p0 [sflag:s11], $0x320  }
0x280: {  	[sflag:s11] =	ssyncset.done @!p0 $0x0  }
0x281: {  	[sflag:s11] =	ssyncadd.s32 @!p0 $0xFFFFFCE0  }
0x282: {  	_ =	swait.ge @!p0 [sflag:s11], $0x320  }
0x283: {  	[sflag:s11] =	ssyncset.done @!p0 $0x0  }
0x284: {  	[sflag:s11] =	ssyncadd.s32 @!p0 $0xFFFFFCE0  }
0x285: {  	_ =	swait.ge @!p0 [sflag:s11], $0x320  }
0x286: {  	[sflag:s11] =	ssyncset.done @!p0 $0x0  }
0x287: {  	[sflag:s11] =	ssyncadd.s32 @!p0 $0xFFFFFCE0  }
0x288: {  	_ =	swait.ge @!p0 [sflag:s11], $0x320  }
0x289: {  	[sflag:s11] =	ssyncset.done @!p0 $0x0  }
0x28a: {  	[sflag:s11] =	ssyncadd.s32 @!p0 $0xFFFFFCE0  }
0x28b: {  	_ =	swait.ge @!p0 [sflag:s11], $0x320  }
0x28c: {  	[sflag:s11] =	ssyncset.done @!p0 $0x0  }
0x28d: {  	[sflag:s11] =	ssyncadd.s32 @!p0 $0xFFFFFCE0  }
0x28e: {  	_ =	swait.ge @!p0 [sflag:s11], $0x320  }
0x28f: {  	[sflag:s11] =	ssyncset.done @!p0 $0x0  }
0x290: {  	[sflag:s11] =	ssyncadd.s32 @!p0 $0xFFFFFCE0  }
0x291: {  	_ =	swait.ge @!p0 [sflag:s11], $0x320  }
0x292: {  	[sflag:s11] =	ssyncset.done @!p0 $0x0  }
0x293: {  	[sflag:s11] =	ssyncadd.s32 @!p0 $0xFFFFFCE0  }
0x294: {  	_ =	swait.ge @!p0 [sflag:s11], $0x320  }
0x295: {  	[sflag:s11] =	ssyncset.done @!p0 $0x0  }
0x296: {  	[sflag:s11] =	ssyncadd.s32 @!p0 $0xFFFFFCE0  }
0x297: {  	_ =	swait.ge @!p0 [sflag:s11], $0x320  }
0x298: {  	[sflag:s11] =	ssyncset.done @!p0 $0x0  }
0x299: {  	[sflag:s11] =	ssyncadd.s32 @!p0 $0xFFFFFCE0  }
0x29a: {  	_ =	swait.ge @!p0 [sflag:s11], $0x320  }
0x29b: {  	[sflag:s11] =	ssyncset.done @!p0 $0x0  }
0x29c: {  	[sflag:s11] =	ssyncadd.s32 @!p0 $0xFFFFFCE0  }
0x29d: {  	_ =	swait.ge @!p0 [sflag:s11], $0x320  }
0x29e: {  	[sflag:s11] =	ssyncset.done @!p0 $0x0  }
0x29f: {  	[sflag:s11] =	ssyncadd.s32 @!p0 $0xFFFFFCE0  }
0x2a0: {  	_ =	swait.ge @!p0 [sflag:s11], $0x320  }
0x2a1: {  	[sflag:s11] =	ssyncset.done @!p0 $0x0  }
0x2a2: {  	[sflag:s11] =	ssyncadd.s32 @!p0 $0xFFFFFCE0  }
0x2a3: {  	_ =	swait.ge @!p0 [sflag:s11], $0x320  }
0x2a4: {  	[sflag:s11] =	ssyncset.done @!p0 $0x0  }
0x2a5: {  	[sflag:s11] =	ssyncadd.s32 @!p0 $0xFFFFFCE0  }
0x2a6: {  	_ =	swait.ge @!p0 [sflag:s11], $0x320  }
0x2a7: {  	[sflag:s11] =	ssyncset.done @!p0 $0x0  }
0x2a8: {  	[sflag:s11] =	ssyncadd.s32 @!p0 $0xFFFFFCE0  }
0x2a9: {  	_ =	swait.ge @!p0 [sflag:s11], $0x320  }
0x2aa: {  	[sflag:s11] =	ssyncset.done @!p0 $0x0  }
0x2ab: {  	[sflag:s11] =	ssyncadd.s32 @!p0 $0xFFFFFCE0  }
0x2ac: {  	_ =	swait.ge @!p0 [sflag:s11], $0x320  }
0x2ad: {  	[sflag:s11] =	ssyncset.done @!p0 $0x0  }
0x2ae: {  	[sflag:s11] =	ssyncadd.s32 @!p0 $0xFFFFFCE0  }
0x2af: {  	_ =	swait.ge @!p0 [sflag:s11], $0x320  }
0x2b0: {  	[sflag:s11] =	ssyncset.done @!p0 $0x0  }
0x2b1: {  	[sflag:s11] =	ssyncadd.s32 @!p0 $0xFFFFFCE0  }
0x2b2: {  	_ =	swait.ge @!p0 [sflag:s11], $0x320  }
0x2b3: {  	[sflag:s11] =	ssyncset.done @!p0 $0x0  }
0x2b4: {  	s23 =	sadd.s32 $0x1, s23;
	[sflag:s11] =	ssyncadd.s32 @!p0 $0xFFFFFCE0  }
0x2b5: {  	p1 =	sne.s32 s23, $0xA;
	_ =	swait.ge @!p0 [sflag:s11], $0x320  }
.Ltmp7:
0x2b6: {  	[sflag:s11] =	ssyncset.done @!p0 $0x0;
	(pc) =	sbr.rel @p1 .LBB2_9-.Ltmp7, $4  }
0x2b7: {  	[sflag:s11] =	ssyncadd.s32 @!p0 $0xFFFFFCE0  }
0x2b8: {  	_ =	swait.ge @!p0 [sflag:s11], $0x320  }
0x2b9: {  	[sflag:s11] =	ssyncset.done @!p0 $0x0  }
0x2ba: {  	[sflag:s11] =	ssyncadd.s32 @!p0 $0xFFFFFCE0  }
0x2bb: {  	s11 =	stileid.u32;
	[bflag:$0x0] =	sbarrier.arrive $0xFFFF  }
0x2bc: {  	s11 =	sshll.u32 s11, $0x6;
	s25 =	rddreg [dreg:$0x6]  }
0x2bd: {  	s23 =	rddreg [dreg:$0x14];
	s11 =	sor.u32 $0x1C06, s11;
	s22 =	sshrl.u32 s25, $0x3  }
0x2be: {  	[hbm:s23], [sflag:s11] =	dma.local [spmem:s22], $0x2710  }
0x2bf: {  	_ =	swait.ge [sflag:s5], $0x2710  }
0x2c0: {  	[sflag:s5] =	ssyncset.done $0x0;
	s22 =	rddreg [dreg:$0x15]  }
0x2c1: {  	s23 =	rddreg [dreg:$0x18];
	[sflag:s5] =	ssyncadd.s32 $0xFFFFD8F0  }
0x2c2: {  	[hbm:s22], [sflag:s11] =	dma.local @!p0 [spmem:s23], $0x4E2  }
0x2c3: {  	s11 =	simm.s32 @!p0 $0x6  }
0x2c4: {  	_ =	swait.ge @!p0 [sflag:s11], $0x4E2  }
0x2c5: {  	s21 =	sadd.s32 $0x1, s21;
	s31 =	rddreg [dreg:$0x16]  }
0x2c6: {  	p1 =	sne.s32 s21, s31  }
.Ltmp8:
0x2c7: {  	_ = 	snop;
	(pc) =	sbr.rel @p1 .LBB2_1-.Ltmp8, $3  }
0x2c8: {  	_ =	sdelay $0x1  }
0x2c9: {  	[sflag:s11] =	ssyncset.done @!p0 $0x0  }
0x2ca: {  	[sflag:s11] =	ssyncadd.s32 @!p0 $0xFFFFFB1E  }
0x2cb: {  	_ =	sfence.sel $0x180000  }
0x2cc: {  	[bflag:$0x0] =	sbarrier.arrive $0xFFFF  }
0x2cd: {  	_ =	strace $0x90000047  }
0x2ce: {  	s0 =	stileid.u32;
	[bflag:$0x2] =	sbarrier.arrive $0xFFFF  }
0x2cf: {  	p0 =	sne.s32 s0, $0x0;
	s0 =	rddreg [dreg:$0x4]  }
0x2d0: {  	s0 =	sadd.s32 @!p0 $0x100000, s0  }
0x2d1: {  	[sflag:s0] =	ssyncadd.tile.s32 @!p0 $0x1;
	_ =	shalt  }
.Lfunc_end2:
_tile_overlayer_lowered:
.L_overlay_start_2:
0x2d2: {  	(tag) =	ssettag $0x2  }
0x2d3: {  	s0 =	rddreg [dreg:$0x0];
	s2 =	stileid.u32  }
0x2d4: {  	s1 =	rddreg [dreg:$0x1];
	p0 =	sne.s32 s2, $0x0  }
0x2d5: {  	s3 =	rddreg [dreg:$0x2];
	[bflag:$0x3] =	sbarrier.arrive $0xFFFF;
	s2 =	simm.s32 @!p0 $0x1C06  }
0x2d6: {  	[timem:s3], [sflag:s2] =	dma.local @!p0 [hbm:s0], s1  }
0x2d7: {  	s0 =	simm.s32 @!p0 $0x6  }
0x2d8: {  	_ =	swait.ge @!p0 [sflag:s0], s1  }
0x2d9: {  	s1 =	ssub.s32 @!p0 $0x0, s1;
	[sflag:s0] =	ssyncset.done @!p0 $0x0  }
0x2da: {  	[sflag:s0] =	ssyncadd.s32 @!p0 s1  }
0x2db: {  	[bflag:$0x3] =	sbarrier.arrive $0xFFFF  }
0x2dc: {  	_ =	shalt  }

</sc_bundles>
